<compile_context>
chip_gen: v7x
topology: tpu7x:2x2x1
jax: 0.10.2.dev20260603
libtpu: 0.0.44.dev20260713+nightly
codegen_flags: <defaults>
</compile_context>

<pallas_src>
import functools

import jax
import jax.numpy as jnp
from jax import lax
from jax.experimental import pallas as pl
from jax.experimental.pallas import tpu as pltpu
from jax.experimental.pallas import tpu_sc as plsc

_E = 16
_TOPK = 4
_D = 512
_H = 1365
_T = 8192
_BM = 256
_EPAD = 36864
_NTILES = _EPAD // _BM
_LAST = _EPAD - 1

_NW = 32


def _router_body(x_ref, gw_ref, b_ref, tri_ref, probs_ref, pv_ref):
    x = x_ref[...]
    logits = jnp.dot(x, gw_ref[...], preferred_element_type=jnp.float32)
    logits = logits + b_ref[...]
    lane = lax.broadcasted_iota(jnp.int32, logits.shape, 1)
    work = logits
    chosen = jnp.zeros(logits.shape, dtype=jnp.bool_)
    for _ in range(_TOPK):
        m = jnp.max(work, axis=-1, keepdims=True)
        is_m = work == m
        first = jnp.min(jnp.where(is_m, lane, _E), axis=-1, keepdims=True)
        sel = lane == first
        chosen = jnp.logical_or(chosen, sel)
        work = jnp.where(sel, -jnp.inf, work)
    mx = jnp.max(logits, axis=-1, keepdims=True)
    ex = jnp.where(chosen, jnp.exp(logits - mx), 0.0)
    denom = jnp.sum(ex, axis=-1, keepdims=True)
    probs_ref[...] = ex / denom
    rank = jnp.dot(chosen.astype(jnp.float32), tri_ref[...],
                   preferred_element_type=jnp.float32)
    cols = [jnp.sum(jnp.where(chosen & (rank == k + 1), ex, 0.0),
                    axis=-1, keepdims=True) / denom for k in range(_TOPK)]
    zero = jnp.zeros_like(cols[0])
    pv_ref[...] = jnp.concatenate(cols + [zero] * (8 - _TOPK), axis=-1)


def _router(x2d, gate_w, bias, tri):
    bt = 512
    return pl.pallas_call(
        _router_body,
        grid=(_T // bt,),
        in_specs=[
            pl.BlockSpec((bt, _D), lambda i: (i, 0)),
            pl.BlockSpec((_D, _E), lambda i: (0, 0)),
            pl.BlockSpec((1, _E), lambda i: (0, 0)),
            pl.BlockSpec((_E, _E), lambda i: (0, 0)),
        ],
        out_specs=[
            pl.BlockSpec((bt, _E), lambda i: (i, 0)),
            pl.BlockSpec((bt, 8), lambda i: (i, 0)),
        ],
        out_shape=[
            jax.ShapeDtypeStruct((_T, _E), jnp.float32),
            jax.ShapeDtypeStruct((_T, 8), jnp.float32),
        ],
    )(x2d, gate_w, bias.reshape(1, _E), tri)


def _sc_scatter(src, didx4, epad):
    t, d = src.shape
    per_w = t // _NW
    chunk = 64
    n_chunks = per_w // chunk
    mesh = plsc.VectorSubcoreMesh(core_axis_name="c", subcore_axis_name="s")

    @functools.partial(
        pl.kernel,
        mesh=mesh,
        out_type=jax.ShapeDtypeStruct((epad, d), jnp.float32),
        scratch_types=[
            pltpu.VMEM((chunk, d), jnp.float32),
            pltpu.VMEM((chunk, d), jnp.float32),
            pltpu.VMEM((_TOPK, n_chunks, chunk), jnp.int32),
            pltpu.SemaphoreType.DMA,
            pltpu.SemaphoreType.DMA,
            pltpu.SemaphoreType.DMA,
            pltpu.SemaphoreType.DMA,
        ],
    )
    def sk(src_hbm, didx_hbm, out_hbm, buf0, buf1, idx3, rs0, rs1, ws0, ws1):
        wid = lax.axis_index("s") * 2 + lax.axis_index("c")
        base = pl.multiple_of(wid * per_w, 8)
        bufs = (buf0, buf1)
        rsems = (rs0, rs1)
        wsems = (ws0, ws1)

        def read(c):
            off = pl.multiple_of(base + c * chunk, 8)
            return pltpu.async_copy(
                src_hbm.at[pl.ds(off, chunk)], bufs[c % 2], rsems[c % 2])

        for k in range(_TOPK):
            pltpu.sync_copy(didx_hbm.at[k, wid], idx3.at[k])
        read(0)
        read(1)
        for c in range(n_chunks):
            off = pl.multiple_of(base + c * chunk, 8)
            pltpu.make_async_copy(
                src_hbm.at[pl.ds(off, chunk)], bufs[c % 2],
                rsems[c % 2]).wait()
            handles = [
                pltpu.async_copy(bufs[c % 2], out_hbm.at[idx3.at[k, c]],
                                 wsems[c % 2])
                for k in range(_TOPK)
            ]
            for h in handles:
                h.wait()
            if c + 2 < n_chunks:
                read(c + 2)

    return sk(src, didx4)


def _sc_gather(src, idx, chunk):
    m, d = idx.shape[0], src.shape[1]
    per_w = m // _NW
    n_chunks = per_w // chunk
    mesh = plsc.VectorSubcoreMesh(core_axis_name="c", subcore_axis_name="s")

    @functools.partial(
        pl.kernel,
        mesh=mesh,
        out_type=jax.ShapeDtypeStruct((m, d), jnp.float32),
        scratch_types=[
            pltpu.VMEM((per_w,), jnp.int32),
            pltpu.VMEM((chunk, d), jnp.float32),
            pltpu.VMEM((chunk, d), jnp.float32),
            pltpu.SemaphoreType.DMA,
            pltpu.SemaphoreType.DMA,
        ],
    )
    def gk(src_hbm, idx_hbm, out_hbm, idx_v, buf0, buf1, sem0, sem1):
        wid = lax.axis_index("s") * 2 + lax.axis_index("c")
        base = pl.multiple_of(wid * per_w, 8)
        pltpu.sync_copy(idx_hbm.at[pl.ds(base, per_w)], idx_v)

        def start(j, buf, sem):
            off = pl.multiple_of(j * chunk, 8)
            return pltpu.async_copy(
                src_hbm.at[idx_v.at[pl.ds(off, chunk)]], buf, sem)

        def finish(j, buf, sem):
            ioff = pl.multiple_of(j * chunk, 8)
            pltpu.make_async_copy(
                src_hbm.at[idx_v.at[pl.ds(ioff, chunk)]], buf, sem).wait()
            off = pl.multiple_of(base + j * chunk, 8)
            pltpu.sync_copy(buf, out_hbm.at[pl.ds(off, chunk)])

        start(0, buf0, sem0)

        def body(jj, carry):
            j0 = jj * 2

            @pl.when(j0 + 1 < n_chunks)
            def _():
                start(j0 + 1, buf1, sem1)

            finish(j0, buf0, sem0)

            @pl.when(j0 + 2 < n_chunks)
            def _():
                start(j0 + 2, buf0, sem0)

            @pl.when(j0 + 1 < n_chunks)
            def _():
                finish(j0 + 1, buf1, sem1)

            return carry

        lax.fori_loop(0, (n_chunks + 1) // 2, body, 0)

    return gk(src, idx)


def _expert_body(eot_ref, x_ref, w1_ref, w2_ref, w3_ref, y_ref):
    xb = x_ref[...].astype(jnp.bfloat16)
    h = jnp.dot(xb, w1_ref[0], preferred_element_type=jnp.float32)
    g = h * jax.nn.sigmoid(h)
    v = jnp.dot(xb, w2_ref[0], preferred_element_type=jnp.float32)
    gv = (g * v).astype(jnp.bfloat16)
    y_ref[...] = jnp.dot(gv, w3_ref[0], preferred_element_type=jnp.float32)


def _grouped_experts(exp_tile, xs, w1, w2, w3):
    def wmap(i, eot):
        return (eot[i], 0, 0)

    grid_spec = pltpu.PrefetchScalarGridSpec(
        num_scalar_prefetch=1,
        grid=(_NTILES,),
        in_specs=[
            pl.BlockSpec((_BM, _D), lambda i, eot: (i, 0)),
            pl.BlockSpec((1, _D, _H), wmap),
            pl.BlockSpec((1, _D, _H), wmap),
            pl.BlockSpec((1, _H, _D), wmap),
        ],
        out_specs=pl.BlockSpec((_BM, _D), lambda i, eot: (i, 0)),
    )
    return pl.pallas_call(
        _expert_body,
        grid_spec=grid_spec,
        out_shape=jax.ShapeDtypeStruct((_EPAD, _D), jnp.float32),
    )(exp_tile, xs, w1, w2, w3)


def _shared_body(x_ref, w1_ref, w2_ref, w3_ref, y_ref):
    xb = x_ref[...].astype(jnp.bfloat16)
    h = jnp.dot(xb, w1_ref[...], preferred_element_type=jnp.float32)
    g = h * jax.nn.sigmoid(h)
    v = jnp.dot(xb, w2_ref[...], preferred_element_type=jnp.float32)
    gv = (g * v).astype(jnp.bfloat16)
    y_ref[...] = jnp.dot(gv, w3_ref[...], preferred_element_type=jnp.float32)


def _shared_expert(x2d, sw1, sw2, sw3):
    return pl.pallas_call(
        _shared_body,
        grid=(_T // _BM,),
        in_specs=[
            pl.BlockSpec((_BM, _D), lambda i: (i, 0)),
            pl.BlockSpec((_D, _H), lambda i: (0, 0)),
            pl.BlockSpec((_D, _H), lambda i: (0, 0)),
            pl.BlockSpec((_H, _D), lambda i: (0, 0)),
        ],
        out_specs=pl.BlockSpec((_BM, _D), lambda i: (i, 0)),
        out_shape=jax.ShapeDtypeStruct((_T, _D), jnp.float32),
    )(x2d, sw1, sw2, sw3)


def _combine_body(z_ref, ysh_ref, pv_ref, o_ref):
    z = z_ref[...]
    pv = pv_ref[...]
    acc = ysh_ref[...]
    for k in range(_TOPK):
        acc = acc + z[k] * pv[:, k:k + 1]
    o_ref[...] = acc


def _combine(z, y, pv):
    bc = 512
    return pl.pallas_call(
        _combine_body,
        grid=(_T // bc,),
        in_specs=[
            pl.BlockSpec((_TOPK, bc, _D), lambda i: (0, i, 0)),
            pl.BlockSpec((bc, _D), lambda i: (i, 0)),
            pl.BlockSpec((bc, 8), lambda i: (i, 0)),
        ],
        out_specs=pl.BlockSpec((bc, _D), lambda i: (i, 0)),
        out_shape=jax.ShapeDtypeStruct((_T, _D), jnp.float32),
    )(z, y, pv)


def kernel(x, gate_w, w1, w2, w3, sw1, sw2, sw3, routing_bias):
    b, s, _ = x.shape
    x2d = x.reshape(_T, _D)

    tri = jnp.triu(jnp.ones((_E, _E), jnp.float32))
    probs, pv = _router(x2d, gate_w, routing_bias, tri)

    mask = probs > 0.0
    maski = mask.astype(jnp.int32)
    counts = jnp.sum(maski, axis=0)
    padded = ((counts + _BM - 1) // _BM) * _BM
    ends = jnp.cumsum(padded)
    starts = ends - padded
    rank = jnp.cumsum(maski, axis=0) - 1
    destf = jnp.where(mask, starts[None, :] + rank, 0)

    rank_in_row = jnp.cumsum(maski, axis=1) - 1
    nrow = jnp.sum(maski, axis=1)
    dest4 = [jnp.where(
        nrow > k,
        jnp.sum(jnp.where(mask & (rank_in_row == k), destf, 0), axis=1),
        _LAST) for k in range(_TOPK)]
    didx = jnp.stack(dest4)
    dest_flat = didx.reshape(-1)
    didx4 = didx.reshape(_TOPK, _NW, -1, 64)

    ntiles_e = padded // _BM
    exp_tile = jnp.repeat(jnp.arange(_E, dtype=jnp.int32), ntiles_e,
                          total_repeat_length=_NTILES)

    xs = _sc_scatter(x2d, didx4, _EPAD)
    ysh = _shared_expert(x2d, sw1.astype(jnp.bfloat16),
                         sw2.astype(jnp.bfloat16), sw3.astype(jnp.bfloat16))
    y = _grouped_experts(exp_tile, xs, w1.astype(jnp.bfloat16),
                         w2.astype(jnp.bfloat16), w3.astype(jnp.bfloat16))
    z = _sc_gather(y, dest_flat, chunk=64)
    out2d = _combine(z.reshape(_TOPK, _T, _D), ysh, pv)
    return out2d.reshape(b, s, _D)

# --- scband reference (transcript-rebuilt; emitter-appended) ---
"""Pipeline reference for scband-moe-layer-38757784879510 (READ-ONLY COPY).

The authoritative reference and input builder live on the scoring server;
editing this copy changes nothing except your own understanding.
"""

import jax, jax.numpy as jnp
import numpy as np

E = 16
TOPK = 4
D = 512
H = (D * 2 * 4) // 3  # 1365, matches SWiGLUExpertMoE.hidden_dims


def setup_inputs(seed: int = 0) -> dict:
    key = jax.random.key(seed)
    ks = jax.random.split(key, 9)
    x = jax.random.normal(ks[0], (4, 2048, D), dtype=jnp.float32)
    gate_w = jax.random.normal(ks[1], (D, E), dtype=jnp.float32) * 0.02
    w1 = jax.random.normal(ks[2], (E, D, H), dtype=jnp.float32) * 0.02
    w2 = jax.random.normal(ks[3], (E, D, H), dtype=jnp.float32) * 0.02
    w3 = jax.random.normal(ks[4], (E, H, D), dtype=jnp.float32) * 0.02
    sw1 = jax.random.normal(ks[5], (D, H), dtype=jnp.float32) * 0.02
    sw2 = jax.random.normal(ks[6], (D, H), dtype=jnp.float32) * 0.02
    sw3 = jax.random.normal(ks[7], (H, D), dtype=jnp.float32) * 0.02
    routing_bias = jnp.zeros((E,), dtype=jnp.float32)
    return {"x": x, "gate_w": gate_w, "w1": w1, "w2": w2, "w3": w3,
            "sw1": sw1, "sw2": sw2, "sw3": sw3, "routing_bias": routing_bias}


def _swiglu(t, a, b, c):
    h = t @ a
    sw = h * jax.nn.sigmoid(h)  # Swish
    v = t @ b
    return (sw * v) @ c


def reference(x, gate_w, w1, w2, w3, sw1, sw2, sw3, routing_bias):
    # gate (nn.Linear bias=False) + aux-free routing bias (buffer, zeros)
    gate_out = x @ gate_w + routing_bias  # [B, S, E]
    top_k_values, top_k_indices = jax.lax.top_k(gate_out, TOPK)
    # scatter top-k values into -1e20 mask -> equivalent where-mask since values == gate_out at idx
    chosen = jnp.sum(jax.nn.one_hot(top_k_indices, E, dtype=gate_out.dtype), axis=-2) > 0
    masked_values = jnp.where(chosen, gate_out, jnp.full_like(gate_out, -1e20))
    probs = jax.nn.softmax(masked_values, axis=-1)  # exactly 0 for non-chosen experts
    out = jnp.zeros_like(x)
    for i in range(E):
        expert_out = _swiglu(x, w1[i], w2[i], w3[i])
        out = out + expert_out * probs[..., i:i + 1]
    # shared expert (always on)
    out = out + _swiglu(x, sw1, sw2, sw3)
    return out

if __name__ == "__main__":
    import jax
    _d = setup_inputs()
    print(jax.jit(kernel)(*tuple(_d.values())))

</pallas_src>

<mosaic_0001>
#map = affine_map<(d0, d1) -> (0, 0)>
#map1 = affine_map<(d0, d1) -> (0, 0, 0, 0)>
module attributes {stable_mosaic.version = 14 : i64} {
  func.func @sk(%arg0: i32, %arg1: i32, %arg2: memref<8192x512xf32, #tpu.memory_space<hbm>>, %arg3: memref<4x32x4x64xi32, #tpu.memory_space<hbm>>, %arg4: memref<36864x512xf32, #tpu.memory_space<hbm>>, %arg5: memref<64x512xf32, #tpu.memory_space<vmem>>, %arg6: memref<64x512xf32, #tpu.memory_space<vmem>>, %arg7: memref<4x4x64xi32, #tpu.memory_space<vmem>>, %arg8: memref<!tpu.dma_semaphore, #tpu.memory_space<semaphore_mem>>, %arg9: memref<!tpu.dma_semaphore, #tpu.memory_space<semaphore_mem>>, %arg10: memref<!tpu.dma_semaphore, #tpu.memory_space<semaphore_mem>>, %arg11: memref<!tpu.dma_semaphore, #tpu.memory_space<semaphore_mem>>) attributes {dimension_semantics = [#tpu.dimension_semantics<core_parallel>, #tpu.dimension_semantics<subcore_parallel>], iteration_bounds = array<i64: 2, 16>, scalar_prefetch = 0 : i64, scratch_operands = 7 : i64, tpu.core_type = #tpu.core_type<sc_vector_subcore>, window_params = [{transform_indices = #map}, {transform_indices = #map1}, {transform_indices = #map}]} {
    %mul3A = arith.constant 2 : i32
    %mul3A_0 = arith.muli %arg1, %mul3A : i32
    %add3A = arith.addi %mul3A_0, %arg0 : i32
    %mul3A_1 = arith.constant 256 : i32
    %mul3A_2 = arith.muli %add3A, %mul3A_1 : i32
    %multiple_of3A = tpu.assume_multiple %mul3A_2, 8 : i32
    %run_scoped3A = arith.constant 0 : i32
    %run_scoped3A_3 = arith.constant 0 : i32
    "tpu.region"() ({
      %run_scoped3A_320 = tpu.sem_alloc : memref<!tpu.dma_semaphore, #tpu.memory_space<semaphore_mem>>
      %dma_start3A_321 = arith.constant 0 : i32
      %dma_start3A_322 = arith.constant 0 : i32
      %dma_start3A_323 = tpu.memref_slice %arg7[%run_scoped3A_3, %dma_start3A_321, %dma_start3A_322] : memref<4x4x64xi32, #tpu.memory_space<vmem>> -> memref<1x4x64xi32, #tpu.memory_space<vmem>>
      %dma_start3A_324 = tpu.memref_squeeze %dma_start3A_323 : memref<1x4x64xi32, #tpu.memory_space<vmem>> -> memref<4x64xi32, #tpu.memory_space<vmem>>
      %dma_start3A_325 = arith.constant 0 : i32
      %dma_start3A_326 = arith.constant 0 : i32
      %dma_start3A_327 = tpu.memref_slice %arg3[%run_scoped3A, %add3A, %dma_start3A_325, %dma_start3A_326] : memref<4x32x4x64xi32, #tpu.memory_space<hbm>> -> memref<1x1x4x64xi32, #tpu.memory_space<hbm>>
      %dma_start3A_328 = tpu.memref_squeeze %dma_start3A_327 : memref<1x1x4x64xi32, #tpu.memory_space<hbm>> -> memref<4x64xi32, #tpu.memory_space<hbm>>
      %dma_start3A_329 = arith.constant 0 : i32
      %dma_start3A_330 = arith.constant 0 : i32
      %dma_start3A_331 = tpu.memref_slice %arg7[%run_scoped3A_3, %dma_start3A_329, %dma_start3A_330] : memref<4x4x64xi32, #tpu.memory_space<vmem>> -> memref<1x4x64xi32, #tpu.memory_space<vmem>>
      %dma_start3A_332 = tpu.memref_squeeze %dma_start3A_331 : memref<1x4x64xi32, #tpu.memory_space<vmem>> -> memref<4x64xi32, #tpu.memory_space<vmem>>
      %dma_start3A_333 = arith.constant 0 : i32
      %dma_start3A_334 = arith.constant 0 : i32
      %dma_start3A_335 = tpu.memref_slice %arg3[%run_scoped3A, %add3A, %dma_start3A_333, %dma_start3A_334] : memref<4x32x4x64xi32, #tpu.memory_space<hbm>> -> memref<1x1x4x64xi32, #tpu.memory_space<hbm>>
      %dma_start3A_336 = tpu.memref_squeeze %dma_start3A_335 : memref<1x1x4x64xi32, #tpu.memory_space<hbm>> -> memref<4x64xi32, #tpu.memory_space<hbm>>
      tpu.enqueue_dma source(%dma_start3A_336 : memref<4x64xi32, #tpu.memory_space<hbm>>) target(%dma_start3A_332 : memref<4x64xi32, #tpu.memory_space<vmem>>) target_semaphore(%run_scoped3A_320 : memref<!tpu.dma_semaphore, #tpu.memory_space<semaphore_mem>>)
      %dma_wait3A_337 = arith.constant 0 : i32
      %dma_wait3A_338 = arith.constant 0 : i32
      %dma_wait3A_339 = tpu.memref_slice %arg7[%run_scoped3A_3, %dma_wait3A_337, %dma_wait3A_338] : memref<4x4x64xi32, #tpu.memory_space<vmem>> -> memref<1x4x64xi32, #tpu.memory_space<vmem>>
      %dma_wait3A_340 = tpu.memref_squeeze %dma_wait3A_339 : memref<1x4x64xi32, #tpu.memory_space<vmem>> -> memref<4x64xi32, #tpu.memory_space<vmem>>
      %dma_wait3A_341 = arith.constant 0 : i32
      %dma_wait3A_342 = arith.constant 0 : i32
      %dma_wait3A_343 = tpu.memref_slice %arg3[%run_scoped3A, %add3A, %dma_wait3A_341, %dma_wait3A_342] : memref<4x32x4x64xi32, #tpu.memory_space<hbm>> -> memref<1x1x4x64xi32, #tpu.memory_space<hbm>>
      %dma_wait3A_344 = tpu.memref_squeeze %dma_wait3A_343 : memref<1x1x4x64xi32, #tpu.memory_space<hbm>> -> memref<4x64xi32, #tpu.memory_space<hbm>>
      %dma_wait3A_345 = arith.constant 0 : i32
      %dma_wait3A_346 = arith.constant 0 : i32
      %dma_wait3A_347 = tpu.memref_slice %arg7[%run_scoped3A_3, %dma_wait3A_345, %dma_wait3A_346] : memref<4x4x64xi32, #tpu.memory_space<vmem>> -> memref<1x4x64xi32, #tpu.memory_space<vmem>>
      %dma_wait3A_348 = tpu.memref_squeeze %dma_wait3A_347 : memref<1x4x64xi32, #tpu.memory_space<vmem>> -> memref<4x64xi32, #tpu.memory_space<vmem>>
      %dma_wait3A_349 = arith.constant 0 : i32
      %dma_wait3A_350 = arith.constant 0 : i32
      %dma_wait3A_351 = tpu.memref_slice %arg3[%run_scoped3A, %add3A, %dma_wait3A_349, %dma_wait3A_350] : memref<4x32x4x64xi32, #tpu.memory_space<hbm>> -> memref<1x1x4x64xi32, #tpu.memory_space<hbm>>
      %dma_wait3A_352 = tpu.memref_squeeze %dma_wait3A_351 : memref<1x1x4x64xi32, #tpu.memory_space<hbm>> -> memref<4x64xi32, #tpu.memory_space<hbm>>
      tpu.wait_dma2 semaphore(%run_scoped3A_320 : memref<!tpu.dma_semaphore, #tpu.memory_space<semaphore_mem>>) src(%dma_wait3A_352 : memref<4x64xi32, #tpu.memory_space<hbm>>) dst(%dma_wait3A_348 : memref<4x64xi32, #tpu.memory_space<vmem>>)
      tpu.yield
    }) : () -> ()
    %run_scoped3A_4 = arith.constant 1 : i32
    %run_scoped3A_5 = arith.constant 1 : i32
    "tpu.region"() ({
      %run_scoped3A_320 = tpu.sem_alloc : memref<!tpu.dma_semaphore, #tpu.memory_space<semaphore_mem>>
      %dma_start3A_321 = arith.constant 0 : i32
      %dma_start3A_322 = arith.constant 0 : i32
      %dma_start3A_323 = tpu.memref_slice %arg7[%run_scoped3A_5, %dma_start3A_321, %dma_start3A_322] : memref<4x4x64xi32, #tpu.memory_space<vmem>> -> memref<1x4x64xi32, #tpu.memory_space<vmem>>
      %dma_start3A_324 = tpu.memref_squeeze %dma_start3A_323 : memref<1x4x64xi32, #tpu.memory_space<vmem>> -> memref<4x64xi32, #tpu.memory_space<vmem>>
      %dma_start3A_325 = arith.constant 0 : i32
      %dma_start3A_326 = arith.constant 0 : i32
      %dma_start3A_327 = tpu.memref_slice %arg3[%run_scoped3A_4, %add3A, %dma_start3A_325, %dma_start3A_326] : memref<4x32x4x64xi32, #tpu.memory_space<hbm>> -> memref<1x1x4x64xi32, #tpu.memory_space<hbm>>
      %dma_start3A_328 = tpu.memref_squeeze %dma_start3A_327 : memref<1x1x4x64xi32, #tpu.memory_space<hbm>> -> memref<4x64xi32, #tpu.memory_space<hbm>>
      %dma_start3A_329 = arith.constant 0 : i32
      %dma_start3A_330 = arith.constant 0 : i32
      %dma_start3A_331 = tpu.memref_slice %arg7[%run_scoped3A_5, %dma_start3A_329, %dma_start3A_330] : memref<4x4x64xi32, #tpu.memory_space<vmem>> -> memref<1x4x64xi32, #tpu.memory_space<vmem>>
      %dma_start3A_332 = tpu.memref_squeeze %dma_start3A_331 : memref<1x4x64xi32, #tpu.memory_space<vmem>> -> memref<4x64xi32, #tpu.memory_space<vmem>>
      %dma_start3A_333 = arith.constant 0 : i32
      %dma_start3A_334 = arith.constant 0 : i32
      %dma_start3A_335 = tpu.memref_slice %arg3[%run_scoped3A_4, %add3A, %dma_start3A_333, %dma_start3A_334] : memref<4x32x4x64xi32, #tpu.memory_space<hbm>> -> memref<1x1x4x64xi32, #tpu.memory_space<hbm>>
      %dma_start3A_336 = tpu.memref_squeeze %dma_start3A_335 : memref<1x1x4x64xi32, #tpu.memory_space<hbm>> -> memref<4x64xi32, #tpu.memory_space<hbm>>
      tpu.enqueue_dma source(%dma_start3A_336 : memref<4x64xi32, #tpu.memory_space<hbm>>) target(%dma_start3A_332 : memref<4x64xi32, #tpu.memory_space<vmem>>) target_semaphore(%run_scoped3A_320 : memref<!tpu.dma_semaphore, #tpu.memory_space<semaphore_mem>>)
      %dma_wait3A_337 = arith.constant 0 : i32
      %dma_wait3A_338 = arith.constant 0 : i32
      %dma_wait3A_339 = tpu.memref_slice %arg7[%run_scoped3A_5, %dma_wait3A_337, %dma_wait3A_338] : memref<4x4x64xi32, #tpu.memory_space<vmem>> -> memref<1x4x64xi32, #tpu.memory_space<vmem>>
      %dma_wait3A_340 = tpu.memref_squeeze %dma_wait3A_339 : memref<1x4x64xi32, #tpu.memory_space<vmem>> -> memref<4x64xi32, #tpu.memory_space<vmem>>
      %dma_wait3A_341 = arith.constant 0 : i32
      %dma_wait3A_342 = arith.constant 0 : i32
      %dma_wait3A_343 = tpu.memref_slice %arg3[%run_scoped3A_4, %add3A, %dma_wait3A_341, %dma_wait3A_342] : memref<4x32x4x64xi32, #tpu.memory_space<hbm>> -> memref<1x1x4x64xi32, #tpu.memory_space<hbm>>
      %dma_wait3A_344 = tpu.memref_squeeze %dma_wait3A_343 : memref<1x1x4x64xi32, #tpu.memory_space<hbm>> -> memref<4x64xi32, #tpu.memory_space<hbm>>
      %dma_wait3A_345 = arith.constant 0 : i32
      %dma_wait3A_346 = arith.constant 0 : i32
      %dma_wait3A_347 = tpu.memref_slice %arg7[%run_scoped3A_5, %dma_wait3A_345, %dma_wait3A_346] : memref<4x4x64xi32, #tpu.memory_space<vmem>> -> memref<1x4x64xi32, #tpu.memory_space<vmem>>
      %dma_wait3A_348 = tpu.memref_squeeze %dma_wait3A_347 : memref<1x4x64xi32, #tpu.memory_space<vmem>> -> memref<4x64xi32, #tpu.memory_space<vmem>>
      %dma_wait3A_349 = arith.constant 0 : i32
      %dma_wait3A_350 = arith.constant 0 : i32
      %dma_wait3A_351 = tpu.memref_slice %arg3[%run_scoped3A_4, %add3A, %dma_wait3A_349, %dma_wait3A_350] : memref<4x32x4x64xi32, #tpu.memory_space<hbm>> -> memref<1x1x4x64xi32, #tpu.memory_space<hbm>>
      %dma_wait3A_352 = tpu.memref_squeeze %dma_wait3A_351 : memref<1x1x4x64xi32, #tpu.memory_space<hbm>> -> memref<4x64xi32, #tpu.memory_space<hbm>>
      tpu.wait_dma2 semaphore(%run_scoped3A_320 : memref<!tpu.dma_semaphore, #tpu.memory_space<semaphore_mem>>) src(%dma_wait3A_352 : memref<4x64xi32, #tpu.memory_space<hbm>>) dst(%dma_wait3A_348 : memref<4x64xi32, #tpu.memory_space<vmem>>)
      tpu.yield
    }) : () -> ()
    %run_scoped3A_6 = arith.constant 2 : i32
    %run_scoped3A_7 = arith.constant 2 : i32
    "tpu.region"() ({
      %run_scoped3A_320 = tpu.sem_alloc : memref<!tpu.dma_semaphore, #tpu.memory_space<semaphore_mem>>
      %dma_start3A_321 = arith.constant 0 : i32
      %dma_start3A_322 = arith.constant 0 : i32
      %dma_start3A_323 = tpu.memref_slice %arg7[%run_scoped3A_7, %dma_start3A_321, %dma_start3A_322] : memref<4x4x64xi32, #tpu.memory_space<vmem>> -> memref<1x4x64xi32, #tpu.memory_space<vmem>>
      %dma_start3A_324 = tpu.memref_squeeze %dma_start3A_323 : memref<1x4x64xi32, #tpu.memory_space<vmem>> -> memref<4x64xi32, #tpu.memory_space<vmem>>
      %dma_start3A_325 = arith.constant 0 : i32
      %dma_start3A_326 = arith.constant 0 : i32
      %dma_start3A_327 = tpu.memref_slice %arg3[%run_scoped3A_6, %add3A, %dma_start3A_325, %dma_start3A_326] : memref<4x32x4x64xi32, #tpu.memory_space<hbm>> -> memref<1x1x4x64xi32, #tpu.memory_space<hbm>>
      %dma_start3A_328 = tpu.memref_squeeze %dma_start3A_327 : memref<1x1x4x64xi32, #tpu.memory_space<hbm>> -> memref<4x64xi32, #tpu.memory_space<hbm>>
      %dma_start3A_329 = arith.constant 0 : i32
      %dma_start3A_330 = arith.constant 0 : i32
      %dma_start3A_331 = tpu.memref_slice %arg7[%run_scoped3A_7, %dma_start3A_329, %dma_start3A_330] : memref<4x4x64xi32, #tpu.memory_space<vmem>> -> memref<1x4x64xi32, #tpu.memory_space<vmem>>
      %dma_start3A_332 = tpu.memref_squeeze %dma_start3A_331 : memref<1x4x64xi32, #tpu.memory_space<vmem>> -> memref<4x64xi32, #tpu.memory_space<vmem>>
      %dma_start3A_333 = arith.constant 0 : i32
      %dma_start3A_334 = arith.constant 0 : i32
      %dma_start3A_335 = tpu.memref_slice %arg3[%run_scoped3A_6, %add3A, %dma_start3A_333, %dma_start3A_334] : memref<4x32x4x64xi32, #tpu.memory_space<hbm>> -> memref<1x1x4x64xi32, #tpu.memory_space<hbm>>
      %dma_start3A_336 = tpu.memref_squeeze %dma_start3A_335 : memref<1x1x4x64xi32, #tpu.memory_space<hbm>> -> memref<4x64xi32, #tpu.memory_space<hbm>>
      tpu.enqueue_dma source(%dma_start3A_336 : memref<4x64xi32, #tpu.memory_space<hbm>>) target(%dma_start3A_332 : memref<4x64xi32, #tpu.memory_space<vmem>>) target_semaphore(%run_scoped3A_320 : memref<!tpu.dma_semaphore, #tpu.memory_space<semaphore_mem>>)
      %dma_wait3A_337 = arith.constant 0 : i32
      %dma_wait3A_338 = arith.constant 0 : i32
      %dma_wait3A_339 = tpu.memref_slice %arg7[%run_scoped3A_7, %dma_wait3A_337, %dma_wait3A_338] : memref<4x4x64xi32, #tpu.memory_space<vmem>> -> memref<1x4x64xi32, #tpu.memory_space<vmem>>
      %dma_wait3A_340 = tpu.memref_squeeze %dma_wait3A_339 : memref<1x4x64xi32, #tpu.memory_space<vmem>> -> memref<4x64xi32, #tpu.memory_space<vmem>>
      %dma_wait3A_341 = arith.constant 0 : i32
      %dma_wait3A_342 = arith.constant 0 : i32
      %dma_wait3A_343 = tpu.memref_slice %arg3[%run_scoped3A_6, %add3A, %dma_wait3A_341, %dma_wait3A_342] : memref<4x32x4x64xi32, #tpu.memory_space<hbm>> -> memref<1x1x4x64xi32, #tpu.memory_space<hbm>>
      %dma_wait3A_344 = tpu.memref_squeeze %dma_wait3A_343 : memref<1x1x4x64xi32, #tpu.memory_space<hbm>> -> memref<4x64xi32, #tpu.memory_space<hbm>>
      %dma_wait3A_345 = arith.constant 0 : i32
      %dma_wait3A_346 = arith.constant 0 : i32
      %dma_wait3A_347 = tpu.memref_slice %arg7[%run_scoped3A_7, %dma_wait3A_345, %dma_wait3A_346] : memref<4x4x64xi32, #tpu.memory_space<vmem>> -> memref<1x4x64xi32, #tpu.memory_space<vmem>>
      %dma_wait3A_348 = tpu.memref_squeeze %dma_wait3A_347 : memref<1x4x64xi32, #tpu.memory_space<vmem>> -> memref<4x64xi32, #tpu.memory_space<vmem>>
      %dma_wait3A_349 = arith.constant 0 : i32
      %dma_wait3A_350 = arith.constant 0 : i32
      %dma_wait3A_351 = tpu.memref_slice %arg3[%run_scoped3A_6, %add3A, %dma_wait3A_349, %dma_wait3A_350] : memref<4x32x4x64xi32, #tpu.memory_space<hbm>> -> memref<1x1x4x64xi32, #tpu.memory_space<hbm>>
      %dma_wait3A_352 = tpu.memref_squeeze %dma_wait3A_351 : memref<1x1x4x64xi32, #tpu.memory_space<hbm>> -> memref<4x64xi32, #tpu.memory_space<hbm>>
      tpu.wait_dma2 semaphore(%run_scoped3A_320 : memref<!tpu.dma_semaphore, #tpu.memory_space<semaphore_mem>>) src(%dma_wait3A_352 : memref<4x64xi32, #tpu.memory_space<hbm>>) dst(%dma_wait3A_348 : memref<4x64xi32, #tpu.memory_space<vmem>>)
      tpu.yield
    }) : () -> ()
    %run_scoped3A_8 = arith.constant 3 : i32
    %run_scoped3A_9 = arith.constant 3 : i32
    "tpu.region"() ({
      %run_scoped3A_320 = tpu.sem_alloc : memref<!tpu.dma_semaphore, #tpu.memory_space<semaphore_mem>>
      %dma_start3A_321 = arith.constant 0 : i32
      %dma_start3A_322 = arith.constant 0 : i32
      %dma_start3A_323 = tpu.memref_slice %arg7[%run_scoped3A_9, %dma_start3A_321, %dma_start3A_322] : memref<4x4x64xi32, #tpu.memory_space<vmem>> -> memref<1x4x64xi32, #tpu.memory_space<vmem>>
      %dma_start3A_324 = tpu.memref_squeeze %dma_start3A_323 : memref<1x4x64xi32, #tpu.memory_space<vmem>> -> memref<4x64xi32, #tpu.memory_space<vmem>>
      %dma_start3A_325 = arith.constant 0 : i32
      %dma_start3A_326 = arith.constant 0 : i32
      %dma_start3A_327 = tpu.memref_slice %arg3[%run_scoped3A_8, %add3A, %dma_start3A_325, %dma_start3A_326] : memref<4x32x4x64xi32, #tpu.memory_space<hbm>> -> memref<1x1x4x64xi32, #tpu.memory_space<hbm>>
      %dma_start3A_328 = tpu.memref_squeeze %dma_start3A_327 : memref<1x1x4x64xi32, #tpu.memory_space<hbm>> -> memref<4x64xi32, #tpu.memory_space<hbm>>
      %dma_start3A_329 = arith.constant 0 : i32
      %dma_start3A_330 = arith.constant 0 : i32
      %dma_start3A_331 = tpu.memref_slice %arg7[%run_scoped3A_9, %dma_start3A_329, %dma_start3A_330] : memref<4x4x64xi32, #tpu.memory_space<vmem>> -> memref<1x4x64xi32, #tpu.memory_space<vmem>>
      %dma_start3A_332 = tpu.memref_squeeze %dma_start3A_331 : memref<1x4x64xi32, #tpu.memory_space<vmem>> -> memref<4x64xi32, #tpu.memory_space<vmem>>
      %dma_start3A_333 = arith.constant 0 : i32
      %dma_start3A_334 = arith.constant 0 : i32
      %dma_start3A_335 = tpu.memref_slice %arg3[%run_scoped3A_8, %add3A, %dma_start3A_333, %dma_start3A_334] : memref<4x32x4x64xi32, #tpu.memory_space<hbm>> -> memref<1x1x4x64xi32, #tpu.memory_space<hbm>>
      %dma_start3A_336 = tpu.memref_squeeze %dma_start3A_335 : memref<1x1x4x64xi32, #tpu.memory_space<hbm>> -> memref<4x64xi32, #tpu.memory_space<hbm>>
      tpu.enqueue_dma source(%dma_start3A_336 : memref<4x64xi32, #tpu.memory_space<hbm>>) target(%dma_start3A_332 : memref<4x64xi32, #tpu.memory_space<vmem>>) target_semaphore(%run_scoped3A_320 : memref<!tpu.dma_semaphore, #tpu.memory_space<semaphore_mem>>)
      %dma_wait3A_337 = arith.constant 0 : i32
      %dma_wait3A_338 = arith.constant 0 : i32
      %dma_wait3A_339 = tpu.memref_slice %arg7[%run_scoped3A_9, %dma_wait3A_337, %dma_wait3A_338] : memref<4x4x64xi32, #tpu.memory_space<vmem>> -> memref<1x4x64xi32, #tpu.memory_space<vmem>>
      %dma_wait3A_340 = tpu.memref_squeeze %dma_wait3A_339 : memref<1x4x64xi32, #tpu.memory_space<vmem>> -> memref<4x64xi32, #tpu.memory_space<vmem>>
      %dma_wait3A_341 = arith.constant 0 : i32
      %dma_wait3A_342 = arith.constant 0 : i32
      %dma_wait3A_343 = tpu.memref_slice %arg3[%run_scoped3A_8, %add3A, %dma_wait3A_341, %dma_wait3A_342] : memref<4x32x4x64xi32, #tpu.memory_space<hbm>> -> memref<1x1x4x64xi32, #tpu.memory_space<hbm>>
      %dma_wait3A_344 = tpu.memref_squeeze %dma_wait3A_343 : memref<1x1x4x64xi32, #tpu.memory_space<hbm>> -> memref<4x64xi32, #tpu.memory_space<hbm>>
      %dma_wait3A_345 = arith.constant 0 : i32
      %dma_wait3A_346 = arith.constant 0 : i32
      %dma_wait3A_347 = tpu.memref_slice %arg7[%run_scoped3A_9, %dma_wait3A_345, %dma_wait3A_346] : memref<4x4x64xi32, #tpu.memory_space<vmem>> -> memref<1x4x64xi32, #tpu.memory_space<vmem>>
      %dma_wait3A_348 = tpu.memref_squeeze %dma_wait3A_347 : memref<1x4x64xi32, #tpu.memory_space<vmem>> -> memref<4x64xi32, #tpu.memory_space<vmem>>
      %dma_wait3A_349 = arith.constant 0 : i32
      %dma_wait3A_350 = arith.constant 0 : i32
      %dma_wait3A_351 = tpu.memref_slice %arg3[%run_scoped3A_8, %add3A, %dma_wait3A_349, %dma_wait3A_350] : memref<4x32x4x64xi32, #tpu.memory_space<hbm>> -> memref<1x1x4x64xi32, #tpu.memory_space<hbm>>
      %dma_wait3A_352 = tpu.memref_squeeze %dma_wait3A_351 : memref<1x1x4x64xi32, #tpu.memory_space<hbm>> -> memref<4x64xi32, #tpu.memory_space<hbm>>
      tpu.wait_dma2 semaphore(%run_scoped3A_320 : memref<!tpu.dma_semaphore, #tpu.memory_space<semaphore_mem>>) src(%dma_wait3A_352 : memref<4x64xi32, #tpu.memory_space<hbm>>) dst(%dma_wait3A_348 : memref<4x64xi32, #tpu.memory_space<vmem>>)
      tpu.yield
    }) : () -> ()
    %add3A_10 = arith.constant 0 : i32
    %add3A_11 = arith.addi %multiple_of3A, %add3A_10 : i32
    %multiple_of3A_12 = tpu.assume_multiple %add3A_11, 8 : i32
    %dma_start3A = arith.constant 0 : i32
    %dma_start3A_13 = tpu.memref_slice %arg2[%multiple_of3A_12, %dma_start3A] : memref<8192x512xf32, #tpu.memory_space<hbm>> -> memref<64x512xf32, #tpu.memory_space<hbm>>
    %dma_start3A_14 = arith.constant 0 : i32
    %dma_start3A_15 = tpu.memref_slice %arg2[%multiple_of3A_12, %dma_start3A_14] : memref<8192x512xf32, #tpu.memory_space<hbm>> -> memref<64x512xf32, #tpu.memory_space<hbm>>
    tpu.enqueue_dma source(%dma_start3A_15 : memref<64x512xf32, #tpu.memory_space<hbm>>) target(%arg5 : memref<64x512xf32, #tpu.memory_space<vmem>>) target_semaphore(%arg8 : memref<!tpu.dma_semaphore, #tpu.memory_space<semaphore_mem>>)
    %add3A_16 = arith.constant 64 : i32
    %add3A_17 = arith.addi %multiple_of3A, %add3A_16 : i32
    %multiple_of3A_18 = tpu.assume_multiple %add3A_17, 8 : i32
    %dma_start3A_19 = arith.constant 0 : i32
    %dma_start3A_20 = tpu.memref_slice %arg2[%multiple_of3A_18, %dma_start3A_19] : memref<8192x512xf32, #tpu.memory_space<hbm>> -> memref<64x512xf32, #tpu.memory_space<hbm>>
    %dma_start3A_21 = arith.constant 0 : i32
    %dma_start3A_22 = tpu.memref_slice %arg2[%multiple_of3A_18, %dma_start3A_21] : memref<8192x512xf32, #tpu.memory_space<hbm>> -> memref<64x512xf32, #tpu.memory_space<hbm>>
    tpu.enqueue_dma source(%dma_start3A_22 : memref<64x512xf32, #tpu.memory_space<hbm>>) target(%arg6 : memref<64x512xf32, #tpu.memory_space<vmem>>) target_semaphore(%arg9 : memref<!tpu.dma_semaphore, #tpu.memory_space<semaphore_mem>>)
    %add3A_23 = arith.constant 0 : i32
    %add3A_24 = arith.addi %multiple_of3A, %add3A_23 : i32
    %multiple_of3A_25 = tpu.assume_multiple %add3A_24, 8 : i32
    %dma_wait3A = arith.constant 0 : i32
    %dma_wait3A_26 = tpu.memref_slice %arg2[%multiple_of3A_25, %dma_wait3A] : memref<8192x512xf32, #tpu.memory_space<hbm>> -> memref<64x512xf32, #tpu.memory_space<hbm>>
    %dma_wait3A_27 = arith.constant 0 : i32
    %dma_wait3A_28 = tpu.memref_slice %arg2[%multiple_of3A_25, %dma_wait3A_27] : memref<8192x512xf32, #tpu.memory_space<hbm>> -> memref<64x512xf32, #tpu.memory_space<hbm>>
    tpu.wait_dma2 semaphore(%arg8 : memref<!tpu.dma_semaphore, #tpu.memory_space<semaphore_mem>>) src(%dma_wait3A_28 : memref<64x512xf32, #tpu.memory_space<hbm>>) dst(%arg5 : memref<64x512xf32, #tpu.memory_space<vmem>>)
    %dma_start3A_29 = arith.constant 0 : i32
    %dma_start3A_30 = arith.constant 0 : i32
    %dma_start3A_31 = arith.constant 0 : i32
    %dma_start3A_32 = tpu.memref_slice %arg7[%dma_start3A_29, %dma_start3A_30, %dma_start3A_31] : memref<4x4x64xi32, #tpu.memory_space<vmem>> -> memref<1x1x64xi32, #tpu.memory_space<vmem>>
    %dma_start3A_33 = tpu.memref_squeeze %dma_start3A_32 : memref<1x1x64xi32, #tpu.memory_space<vmem>> -> memref<64xi32, #tpu.memory_space<vmem>>
    %dma_start3A_34 = arith.constant 0 : i32
    %dma_start3A_35 = arith.constant 0 : i32
    %dma_start3A_36 = tpu.memref_slice %arg4[%dma_start3A_34, %dma_start3A_35] : memref<36864x512xf32, #tpu.memory_space<hbm>> -> memref<36864x512xf32, #tpu.memory_space<hbm>>
    tpu.enqueue_indirect_dma source(%arg5 : memref<64x512xf32, #tpu.memory_space<vmem>>) target(%dma_start3A_36 : memref<36864x512xf32, #tpu.memory_space<hbm>>) offsets(%dma_start3A_33 : memref<64xi32, #tpu.memory_space<vmem>>) semaphore(%arg10 : memref<!tpu.dma_semaphore, #tpu.memory_space<semaphore_mem>>)
    %dma_start3A_37 = arith.constant 1 : i32
    %dma_start3A_38 = arith.constant 0 : i32
    %dma_start3A_39 = arith.constant 0 : i32
    %dma_start3A_40 = tpu.memref_slice %arg7[%dma_start3A_37, %dma_start3A_38, %dma_start3A_39] : memref<4x4x64xi32, #tpu.memory_space<vmem>> -> memref<1x1x64xi32, #tpu.memory_space<vmem>>
    %dma_start3A_41 = tpu.memref_squeeze %dma_start3A_40 : memref<1x1x64xi32, #tpu.memory_space<vmem>> -> memref<64xi32, #tpu.memory_space<vmem>>
    %dma_start3A_42 = arith.constant 0 : i32
    %dma_start3A_43 = arith.constant 0 : i32
    %dma_start3A_44 = tpu.memref_slice %arg4[%dma_start3A_42, %dma_start3A_43] : memref<36864x512xf32, #tpu.memory_space<hbm>> -> memref<36864x512xf32, #tpu.memory_space<hbm>>
    tpu.enqueue_indirect_dma source(%arg5 : memref<64x512xf32, #tpu.memory_space<vmem>>) target(%dma_start3A_44 : memref<36864x512xf32, #tpu.memory_space<hbm>>) offsets(%dma_start3A_41 : memref<64xi32, #tpu.memory_space<vmem>>) semaphore(%arg10 : memref<!tpu.dma_semaphore, #tpu.memory_space<semaphore_mem>>)
    %dma_start3A_45 = arith.constant 2 : i32
    %dma_start3A_46 = arith.constant 0 : i32
    %dma_start3A_47 = arith.constant 0 : i32
    %dma_start3A_48 = tpu.memref_slice %arg7[%dma_start3A_45, %dma_start3A_46, %dma_start3A_47] : memref<4x4x64xi32, #tpu.memory_space<vmem>> -> memref<1x1x64xi32, #tpu.memory_space<vmem>>
    %dma_start3A_49 = tpu.memref_squeeze %dma_start3A_48 : memref<1x1x64xi32, #tpu.memory_space<vmem>> -> memref<64xi32, #tpu.memory_space<vmem>>
    %dma_start3A_50 = arith.constant 0 : i32
    %dma_start3A_51 = arith.constant 0 : i32
    %dma_start3A_52 = tpu.memref_slice %arg4[%dma_start3A_50, %dma_start3A_51] : memref<36864x512xf32, #tpu.memory_space<hbm>> -> memref<36864x512xf32, #tpu.memory_space<hbm>>
    tpu.enqueue_indirect_dma source(%arg5 : memref<64x512xf32, #tpu.memory_space<vmem>>) target(%dma_start3A_52 : memref<36864x512xf32, #tpu.memory_space<hbm>>) offsets(%dma_start3A_49 : memref<64xi32, #tpu.memory_space<vmem>>) semaphore(%arg10 : memref<!tpu.dma_semaphore, #tpu.memory_space<semaphore_mem>>)
    %dma_start3A_53 = arith.constant 3 : i32
    %dma_start3A_54 = arith.constant 0 : i32
    %dma_start3A_55 = arith.constant 0 : i32
    %dma_start3A_56 = tpu.memref_slice %arg7[%dma_start3A_53, %dma_start3A_54, %dma_start3A_55] : memref<4x4x64xi32, #tpu.memory_space<vmem>> -> memref<1x1x64xi32, #tpu.memory_space<vmem>>
    %dma_start3A_57 = tpu.memref_squeeze %dma_start3A_56 : memref<1x1x64xi32, #tpu.memory_space<vmem>> -> memref<64xi32, #tpu.memory_space<vmem>>
    %dma_start3A_58 = arith.constant 0 : i32
    %dma_start3A_59 = arith.constant 0 : i32
    %dma_start3A_60 = tpu.memref_slice %arg4[%dma_start3A_58, %dma_start3A_59] : memref<36864x512xf32, #tpu.memory_space<hbm>> -> memref<36864x512xf32, #tpu.memory_space<hbm>>
    tpu.enqueue_indirect_dma source(%arg5 : memref<64x512xf32, #tpu.memory_space<vmem>>) target(%dma_start3A_60 : memref<36864x512xf32, #tpu.memory_space<hbm>>) offsets(%dma_start3A_57 : memref<64xi32, #tpu.memory_space<vmem>>) semaphore(%arg10 : memref<!tpu.dma_semaphore, #tpu.memory_space<semaphore_mem>>)
    %dma_wait3A_61 = arith.constant 0 : i32
    %dma_wait3A_62 = arith.constant 0 : i32
    %dma_wait3A_63 = arith.constant 0 : i32
    %dma_wait3A_64 = tpu.memref_slice %arg7[%dma_wait3A_61, %dma_wait3A_62, %dma_wait3A_63] : memref<4x4x64xi32, #tpu.memory_space<vmem>> -> memref<1x1x64xi32, #tpu.memory_space<vmem>>
    %dma_wait3A_65 = tpu.memref_squeeze %dma_wait3A_64 : memref<1x1x64xi32, #tpu.memory_space<vmem>> -> memref<64xi32, #tpu.memory_space<vmem>>
    %dma_wait3A_66 = arith.constant 0 : i32
    %dma_wait3A_67 = arith.constant 0 : i32
    %dma_wait3A_68 = tpu.memref_slice %arg4[%dma_wait3A_66, %dma_wait3A_67] : memref<36864x512xf32, #tpu.memory_space<hbm>> -> memref<36864x512xf32, #tpu.memory_space<hbm>>
    tpu.wait_indirect_dma semaphore(%arg10 : memref<!tpu.dma_semaphore, #tpu.memory_space<semaphore_mem>>) src(%arg5 : memref<64x512xf32, #tpu.memory_space<vmem>>) dst(%dma_wait3A_68 : memref<36864x512xf32, #tpu.memory_space<hbm>>)
    %dma_wait3A_69 = arith.constant 1 : i32
    %dma_wait3A_70 = arith.constant 0 : i32
    %dma_wait3A_71 = arith.constant 0 : i32
    %dma_wait3A_72 = tpu.memref_slice %arg7[%dma_wait3A_69, %dma_wait3A_70, %dma_wait3A_71] : memref<4x4x64xi32, #tpu.memory_space<vmem>> -> memref<1x1x64xi32, #tpu.memory_space<vmem>>
    %dma_wait3A_73 = tpu.memref_squeeze %dma_wait3A_72 : memref<1x1x64xi32, #tpu.memory_space<vmem>> -> memref<64xi32, #tpu.memory_space<vmem>>
    %dma_wait3A_74 = arith.constant 0 : i32
    %dma_wait3A_75 = arith.constant 0 : i32
    %dma_wait3A_76 = tpu.memref_slice %arg4[%dma_wait3A_74, %dma_wait3A_75] : memref<36864x512xf32, #tpu.memory_space<hbm>> -> memref<36864x512xf32, #tpu.memory_space<hbm>>
    tpu.wait_indirect_dma semaphore(%arg10 : memref<!tpu.dma_semaphore, #tpu.memory_space<semaphore_mem>>) src(%arg5 : memref<64x512xf32, #tpu.memory_space<vmem>>) dst(%dma_wait3A_76 : memref<36864x512xf32, #tpu.memory_space<hbm>>)
    %dma_wait3A_77 = arith.constant 2 : i32
    %dma_wait3A_78 = arith.constant 0 : i32
    %dma_wait3A_79 = arith.constant 0 : i32
    %dma_wait3A_80 = tpu.memref_slice %arg7[%dma_wait3A_77, %dma_wait3A_78, %dma_wait3A_79] : memref<4x4x64xi32, #tpu.memory_space<vmem>> -> memref<1x1x64xi32, #tpu.memory_space<vmem>>
    %dma_wait3A_81 = tpu.memref_squeeze %dma_wait3A_80 : memref<1x1x64xi32, #tpu.memory_space<vmem>> -> memref<64xi32, #tpu.memory_space<vmem>>
    %dma_wait3A_82 = arith.constant 0 : i32
    %dma_wait3A_83 = arith.constant 0 : i32
    %dma_wait3A_84 = tpu.memref_slice %arg4[%dma_wait3A_82, %dma_wait3A_83] : memref<36864x512xf32, #tpu.memory_space<hbm>> -> memref<36864x512xf32, #tpu.memory_space<hbm>>
    tpu.wait_indirect_dma semaphore(%arg10 : memref<!tpu.dma_semaphore, #tpu.memory_space<semaphore_mem>>) src(%arg5 : memref<64x512xf32, #tpu.memory_space<vmem>>) dst(%dma_wait3A_84 : memref<36864x512xf32, #tpu.memory_space<hbm>>)
    %dma_wait3A_85 = arith.constant 3 : i32
    %dma_wait3A_86 = arith.constant 0 : i32
    %dma_wait3A_87 = arith.constant 0 : i32
    %dma_wait3A_88 = tpu.memref_slice %arg7[%dma_wait3A_85, %dma_wait3A_86, %dma_wait3A_87] : memref<4x4x64xi32, #tpu.memory_space<vmem>> -> memref<1x1x64xi32, #tpu.memory_space<vmem>>
    %dma_wait3A_89 = tpu.memref_squeeze %dma_wait3A_88 : memref<1x1x64xi32, #tpu.memory_space<vmem>> -> memref<64xi32, #tpu.memory_space<vmem>>
    %dma_wait3A_90 = arith.constant 0 : i32
    %dma_wait3A_91 = arith.constant 0 : i32
    %dma_wait3A_92 = tpu.memref_slice %arg4[%dma_wait3A_90, %dma_wait3A_91] : memref<36864x512xf32, #tpu.memory_space<hbm>> -> memref<36864x512xf32, #tpu.memory_space<hbm>>
    tpu.wait_indirect_dma semaphore(%arg10 : memref<!tpu.dma_semaphore, #tpu.memory_space<semaphore_mem>>) src(%arg5 : memref<64x512xf32, #tpu.memory_space<vmem>>) dst(%dma_wait3A_92 : memref<36864x512xf32, #tpu.memory_space<hbm>>)
    %add3A_93 = arith.constant 128 : i32
    %add3A_94 = arith.addi %multiple_of3A, %add3A_93 : i32
    %multiple_of3A_95 = tpu.assume_multiple %add3A_94, 8 : i32
    %dma_start3A_96 = arith.constant 0 : i32
    %dma_start3A_97 = tpu.memref_slice %arg2[%multiple_of3A_95, %dma_start3A_96] : memref<8192x512xf32, #tpu.memory_space<hbm>> -> memref<64x512xf32, #tpu.memory_space<hbm>>
    %dma_start3A_98 = arith.constant 0 : i32
    %dma_start3A_99 = tpu.memref_slice %arg2[%multiple_of3A_95, %dma_start3A_98] : memref<8192x512xf32, #tpu.memory_space<hbm>> -> memref<64x512xf32, #tpu.memory_space<hbm>>
    tpu.enqueue_dma source(%dma_start3A_99 : memref<64x512xf32, #tpu.memory_space<hbm>>) target(%arg5 : memref<64x512xf32, #tpu.memory_space<vmem>>) target_semaphore(%arg8 : memref<!tpu.dma_semaphore, #tpu.memory_space<semaphore_mem>>)
    %add3A_100 = arith.constant 64 : i32
    %add3A_101 = arith.addi %multiple_of3A, %add3A_100 : i32
    %multiple_of3A_102 = tpu.assume_multiple %add3A_101, 8 : i32
    %dma_wait3A_103 = arith.constant 0 : i32
    %dma_wait3A_104 = tpu.memref_slice %arg2[%multiple_of3A_102, %dma_wait3A_103] : memref<8192x512xf32, #tpu.memory_space<hbm>> -> memref<64x512xf32, #tpu.memory_space<hbm>>
    %dma_wait3A_105 = arith.constant 0 : i32
    %dma_wait3A_106 = tpu.memref_slice %arg2[%multiple_of3A_102, %dma_wait3A_105] : memref<8192x512xf32, #tpu.memory_space<hbm>> -> memref<64x512xf32, #tpu.memory_space<hbm>>
    tpu.wait_dma2 semaphore(%arg9 : memref<!tpu.dma_semaphore, #tpu.memory_space<semaphore_mem>>) src(%dma_wait3A_106 : memref<64x512xf32, #tpu.memory_space<hbm>>) dst(%arg6 : memref<64x512xf32, #tpu.memory_space<vmem>>)
    %dma_start3A_107 = arith.constant 0 : i32
    %dma_start3A_108 = arith.constant 1 : i32
    %dma_start3A_109 = arith.constant 0 : i32
    %dma_start3A_110 = tpu.memref_slice %arg7[%dma_start3A_107, %dma_start3A_108, %dma_start3A_109] : memref<4x4x64xi32, #tpu.memory_space<vmem>> -> memref<1x1x64xi32, #tpu.memory_space<vmem>>
    %dma_start3A_111 = tpu.memref_squeeze %dma_start3A_110 : memref<1x1x64xi32, #tpu.memory_space<vmem>> -> memref<64xi32, #tpu.memory_space<vmem>>
    %dma_start3A_112 = arith.constant 0 : i32
    %dma_start3A_113 = arith.constant 0 : i32
    %dma_start3A_114 = tpu.memref_slice %arg4[%dma_start3A_112, %dma_start3A_113] : memref<36864x512xf32, #tpu.memory_space<hbm>> -> memref<36864x512xf32, #tpu.memory_space<hbm>>
    tpu.enqueue_indirect_dma source(%arg6 : memref<64x512xf32, #tpu.memory_space<vmem>>) target(%dma_start3A_114 : memref<36864x512xf32, #tpu.memory_space<hbm>>) offsets(%dma_start3A_111 : memref<64xi32, #tpu.memory_space<vmem>>) semaphore(%arg11 : memref<!tpu.dma_semaphore, #tpu.memory_space<semaphore_mem>>)
    %dma_start3A_115 = arith.constant 1 : i32
    %dma_start3A_116 = arith.constant 1 : i32
    %dma_start3A_117 = arith.constant 0 : i32
    %dma_start3A_118 = tpu.memref_slice %arg7[%dma_start3A_115, %dma_start3A_116, %dma_start3A_117] : memref<4x4x64xi32, #tpu.memory_space<vmem>> -> memref<1x1x64xi32, #tpu.memory_space<vmem>>
    %dma_start3A_119 = tpu.memref_squeeze %dma_start3A_118 : memref<1x1x64xi32, #tpu.memory_space<vmem>> -> memref<64xi32, #tpu.memory_space<vmem>>
    %dma_start3A_120 = arith.constant 0 : i32
    %dma_start3A_121 = arith.constant 0 : i32
    %dma_start3A_122 = tpu.memref_slice %arg4[%dma_start3A_120, %dma_start3A_121] : memref<36864x512xf32, #tpu.memory_space<hbm>> -> memref<36864x512xf32, #tpu.memory_space<hbm>>
    tpu.enqueue_indirect_dma source(%arg6 : memref<64x512xf32, #tpu.memory_space<vmem>>) target(%dma_start3A_122 : memref<36864x512xf32, #tpu.memory_space<hbm>>) offsets(%dma_start3A_119 : memref<64xi32, #tpu.memory_space<vmem>>) semaphore(%arg11 : memref<!tpu.dma_semaphore, #tpu.memory_space<semaphore_mem>>)
    %dma_start3A_123 = arith.constant 2 : i32
    %dma_start3A_124 = arith.constant 1 : i32
    %dma_start3A_125 = arith.constant 0 : i32
    %dma_start3A_126 = tpu.memref_slice %arg7[%dma_start3A_123, %dma_start3A_124, %dma_start3A_125] : memref<4x4x64xi32, #tpu.memory_space<vmem>> -> memref<1x1x64xi32, #tpu.memory_space<vmem>>
    %dma_start3A_127 = tpu.memref_squeeze %dma_start3A_126 : memref<1x1x64xi32, #tpu.memory_space<vmem>> -> memref<64xi32, #tpu.memory_space<vmem>>
    %dma_start3A_128 = arith.constant 0 : i32
    %dma_start3A_129 = arith.constant 0 : i32
    %dma_start3A_130 = tpu.memref_slice %arg4[%dma_start3A_128, %dma_start3A_129] : memref<36864x512xf32, #tpu.memory_space<hbm>> -> memref<36864x512xf32, #tpu.memory_space<hbm>>
    tpu.enqueue_indirect_dma source(%arg6 : memref<64x512xf32, #tpu.memory_space<vmem>>) target(%dma_start3A_130 : memref<36864x512xf32, #tpu.memory_space<hbm>>) offsets(%dma_start3A_127 : memref<64xi32, #tpu.memory_space<vmem>>) semaphore(%arg11 : memref<!tpu.dma_semaphore, #tpu.memory_space<semaphore_mem>>)
    %dma_start3A_131 = arith.constant 3 : i32
    %dma_start3A_132 = arith.constant 1 : i32
    %dma_start3A_133 = arith.constant 0 : i32
    %dma_start3A_134 = tpu.memref_slice %arg7[%dma_start3A_131, %dma_start3A_132, %dma_start3A_133] : memref<4x4x64xi32, #tpu.memory_space<vmem>> -> memref<1x1x64xi32, #tpu.memory_space<vmem>>
    %dma_start3A_135 = tpu.memref_squeeze %dma_start3A_134 : memref<1x1x64xi32, #tpu.memory_space<vmem>> -> memref<64xi32, #tpu.memory_space<vmem>>
    %dma_start3A_136 = arith.constant 0 : i32
    %dma_start3A_137 = arith.constant 0 : i32
    %dma_start3A_138 = tpu.memref_slice %arg4[%dma_start3A_136, %dma_start3A_137] : memref<36864x512xf32, #tpu.memory_space<hbm>> -> memref<36864x512xf32, #tpu.memory_space<hbm>>
    tpu.enqueue_indirect_dma source(%arg6 : memref<64x512xf32, #tpu.memory_space<vmem>>) target(%dma_start3A_138 : memref<36864x512xf32, #tpu.memory_space<hbm>>) offsets(%dma_start3A_135 : memref<64xi32, #tpu.memory_space<vmem>>) semaphore(%arg11 : memref<!tpu.dma_semaphore, #tpu.memory_space<semaphore_mem>>)
    %dma_wait3A_139 = arith.constant 0 : i32
    %dma_wait3A_140 = arith.constant 1 : i32
    %dma_wait3A_141 = arith.constant 0 : i32
    %dma_wait3A_142 = tpu.memref_slice %arg7[%dma_wait3A_139, %dma_wait3A_140, %dma_wait3A_141] : memref<4x4x64xi32, #tpu.memory_space<vmem>> -> memref<1x1x64xi32, #tpu.memory_space<vmem>>
    %dma_wait3A_143 = tpu.memref_squeeze %dma_wait3A_142 : memref<1x1x64xi32, #tpu.memory_space<vmem>> -> memref<64xi32, #tpu.memory_space<vmem>>
    %dma_wait3A_144 = arith.constant 0 : i32
    %dma_wait3A_145 = arith.constant 0 : i32
    %dma_wait3A_146 = tpu.memref_slice %arg4[%dma_wait3A_144, %dma_wait3A_145] : memref<36864x512xf32, #tpu.memory_space<hbm>> -> memref<36864x512xf32, #tpu.memory_space<hbm>>
    tpu.wait_indirect_dma semaphore(%arg11 : memref<!tpu.dma_semaphore, #tpu.memory_space<semaphore_mem>>) src(%arg6 : memref<64x512xf32, #tpu.memory_space<vmem>>) dst(%dma_wait3A_146 : memref<36864x512xf32, #tpu.memory_space<hbm>>)
    %dma_wait3A_147 = arith.constant 1 : i32
    %dma_wait3A_148 = arith.constant 1 : i32
    %dma_wait3A_149 = arith.constant 0 : i32
    %dma_wait3A_150 = tpu.memref_slice %arg7[%dma_wait3A_147, %dma_wait3A_148, %dma_wait3A_149] : memref<4x4x64xi32, #tpu.memory_space<vmem>> -> memref<1x1x64xi32, #tpu.memory_space<vmem>>
    %dma_wait3A_151 = tpu.memref_squeeze %dma_wait3A_150 : memref<1x1x64xi32, #tpu.memory_space<vmem>> -> memref<64xi32, #tpu.memory_space<vmem>>
    %dma_wait3A_152 = arith.constant 0 : i32
    %dma_wait3A_153 = arith.constant 0 : i32
    %dma_wait3A_154 = tpu.memref_slice %arg4[%dma_wait3A_152, %dma_wait3A_153] : memref<36864x512xf32, #tpu.memory_space<hbm>> -> memref<36864x512xf32, #tpu.memory_space<hbm>>
    tpu.wait_indirect_dma semaphore(%arg11 : memref<!tpu.dma_semaphore, #tpu.memory_space<semaphore_mem>>) src(%arg6 : memref<64x512xf32, #tpu.memory_space<vmem>>) dst(%dma_wait3A_154 : memref<36864x512xf32, #tpu.memory_space<hbm>>)
    %dma_wait3A_155 = arith.constant 2 : i32
    %dma_wait3A_156 = arith.constant 1 : i32
    %dma_wait3A_157 = arith.constant 0 : i32
    %dma_wait3A_158 = tpu.memref_slice %arg7[%dma_wait3A_155, %dma_wait3A_156, %dma_wait3A_157] : memref<4x4x64xi32, #tpu.memory_space<vmem>> -> memref<1x1x64xi32, #tpu.memory_space<vmem>>
    %dma_wait3A_159 = tpu.memref_squeeze %dma_wait3A_158 : memref<1x1x64xi32, #tpu.memory_space<vmem>> -> memref<64xi32, #tpu.memory_space<vmem>>
    %dma_wait3A_160 = arith.constant 0 : i32
    %dma_wait3A_161 = arith.constant 0 : i32
    %dma_wait3A_162 = tpu.memref_slice %arg4[%dma_wait3A_160, %dma_wait3A_161] : memref<36864x512xf32, #tpu.memory_space<hbm>> -> memref<36864x512xf32, #tpu.memory_space<hbm>>
    tpu.wait_indirect_dma semaphore(%arg11 : memref<!tpu.dma_semaphore, #tpu.memory_space<semaphore_mem>>) src(%arg6 : memref<64x512xf32, #tpu.memory_space<vmem>>) dst(%dma_wait3A_162 : memref<36864x512xf32, #tpu.memory_space<hbm>>)
    %dma_wait3A_163 = arith.constant 3 : i32
    %dma_wait3A_164 = arith.constant 1 : i32
    %dma_wait3A_165 = arith.constant 0 : i32
    %dma_wait3A_166 = tpu.memref_slice %arg7[%dma_wait3A_163, %dma_wait3A_164, %dma_wait3A_165] : memref<4x4x64xi32, #tpu.memory_space<vmem>> -> memref<1x1x64xi32, #tpu.memory_space<vmem>>
    %dma_wait3A_167 = tpu.memref_squeeze %dma_wait3A_166 : memref<1x1x64xi32, #tpu.memory_space<vmem>> -> memref<64xi32, #tpu.memory_space<vmem>>
    %dma_wait3A_168 = arith.constant 0 : i32
    %dma_wait3A_169 = arith.constant 0 : i32
    %dma_wait3A_170 = tpu.memref_slice %arg4[%dma_wait3A_168, %dma_wait3A_169] : memref<36864x512xf32, #tpu.memory_space<hbm>> -> memref<36864x512xf32, #tpu.memory_space<hbm>>
    tpu.wait_indirect_dma semaphore(%arg11 : memref<!tpu.dma_semaphore, #tpu.memory_space<semaphore_mem>>) src(%arg6 : memref<64x512xf32, #tpu.memory_space<vmem>>) dst(%dma_wait3A_170 : memref<36864x512xf32, #tpu.memory_space<hbm>>)
    %add3A_171 = arith.constant 192 : i32
    %add3A_172 = arith.addi %multiple_of3A, %add3A_171 : i32
    %multiple_of3A_173 = tpu.assume_multiple %add3A_172, 8 : i32
    %dma_start3A_174 = arith.constant 0 : i32
    %dma_start3A_175 = tpu.memref_slice %arg2[%multiple_of3A_173, %dma_start3A_174] : memref<8192x512xf32, #tpu.memory_space<hbm>> -> memref<64x512xf32, #tpu.memory_space<hbm>>
    %dma_start3A_176 = arith.constant 0 : i32
    %dma_start3A_177 = tpu.memref_slice %arg2[%multiple_of3A_173, %dma_start3A_176] : memref<8192x512xf32, #tpu.memory_space<hbm>> -> memref<64x512xf32, #tpu.memory_space<hbm>>
    tpu.enqueue_dma source(%dma_start3A_177 : memref<64x512xf32, #tpu.memory_space<hbm>>) target(%arg6 : memref<64x512xf32, #tpu.memory_space<vmem>>) target_semaphore(%arg9 : memref<!tpu.dma_semaphore, #tpu.memory_space<semaphore_mem>>)
    %add3A_178 = arith.constant 128 : i32
    %add3A_179 = arith.addi %multiple_of3A, %add3A_178 : i32
    %multiple_of3A_180 = tpu.assume_multiple %add3A_179, 8 : i32
    %dma_wait3A_181 = arith.constant 0 : i32
    %dma_wait3A_182 = tpu.memref_slice %arg2[%multiple_of3A_180, %dma_wait3A_181] : memref<8192x512xf32, #tpu.memory_space<hbm>> -> memref<64x512xf32, #tpu.memory_space<hbm>>
    %dma_wait3A_183 = arith.constant 0 : i32
    %dma_wait3A_184 = tpu.memref_slice %arg2[%multiple_of3A_180, %dma_wait3A_183] : memref<8192x512xf32, #tpu.memory_space<hbm>> -> memref<64x512xf32, #tpu.memory_space<hbm>>
    tpu.wait_dma2 semaphore(%arg8 : memref<!tpu.dma_semaphore, #tpu.memory_space<semaphore_mem>>) src(%dma_wait3A_184 : memref<64x512xf32, #tpu.memory_space<hbm>>) dst(%arg5 : memref<64x512xf32, #tpu.memory_space<vmem>>)
    %dma_start3A_185 = arith.constant 0 : i32
    %dma_start3A_186 = arith.constant 2 : i32
    %dma_start3A_187 = arith.constant 0 : i32
    %dma_start3A_188 = tpu.memref_slice %arg7[%dma_start3A_185, %dma_start3A_186, %dma_start3A_187] : memref<4x4x64xi32, #tpu.memory_space<vmem>> -> memref<1x1x64xi32, #tpu.memory_space<vmem>>
    %dma_start3A_189 = tpu.memref_squeeze %dma_start3A_188 : memref<1x1x64xi32, #tpu.memory_space<vmem>> -> memref<64xi32, #tpu.memory_space<vmem>>
    %dma_start3A_190 = arith.constant 0 : i32
    %dma_start3A_191 = arith.constant 0 : i32
    %dma_start3A_192 = tpu.memref_slice %arg4[%dma_start3A_190, %dma_start3A_191] : memref<36864x512xf32, #tpu.memory_space<hbm>> -> memref<36864x512xf32, #tpu.memory_space<hbm>>
    tpu.enqueue_indirect_dma source(%arg5 : memref<64x512xf32, #tpu.memory_space<vmem>>) target(%dma_start3A_192 : memref<36864x512xf32, #tpu.memory_space<hbm>>) offsets(%dma_start3A_189 : memref<64xi32, #tpu.memory_space<vmem>>) semaphore(%arg10 : memref<!tpu.dma_semaphore, #tpu.memory_space<semaphore_mem>>)
    %dma_start3A_193 = arith.constant 1 : i32
    %dma_start3A_194 = arith.constant 2 : i32
    %dma_start3A_195 = arith.constant 0 : i32
    %dma_start3A_196 = tpu.memref_slice %arg7[%dma_start3A_193, %dma_start3A_194, %dma_start3A_195] : memref<4x4x64xi32, #tpu.memory_space<vmem>> -> memref<1x1x64xi32, #tpu.memory_space<vmem>>
    %dma_start3A_197 = tpu.memref_squeeze %dma_start3A_196 : memref<1x1x64xi32, #tpu.memory_space<vmem>> -> memref<64xi32, #tpu.memory_space<vmem>>
    %dma_start3A_198 = arith.constant 0 : i32
    %dma_start3A_199 = arith.constant 0 : i32
    %dma_start3A_200 = tpu.memref_slice %arg4[%dma_start3A_198, %dma_start3A_199] : memref<36864x512xf32, #tpu.memory_space<hbm>> -> memref<36864x512xf32, #tpu.memory_space<hbm>>
    tpu.enqueue_indirect_dma source(%arg5 : memref<64x512xf32, #tpu.memory_space<vmem>>) target(%dma_start3A_200 : memref<36864x512xf32, #tpu.memory_space<hbm>>) offsets(%dma_start3A_197 : memref<64xi32, #tpu.memory_space<vmem>>) semaphore(%arg10 : memref<!tpu.dma_semaphore, #tpu.memory_space<semaphore_mem>>)
    %dma_start3A_201 = arith.constant 2 : i32
    %dma_start3A_202 = arith.constant 2 : i32
    %dma_start3A_203 = arith.constant 0 : i32
    %dma_start3A_204 = tpu.memref_slice %arg7[%dma_start3A_201, %dma_start3A_202, %dma_start3A_203] : memref<4x4x64xi32, #tpu.memory_space<vmem>> -> memref<1x1x64xi32, #tpu.memory_space<vmem>>
    %dma_start3A_205 = tpu.memref_squeeze %dma_start3A_204 : memref<1x1x64xi32, #tpu.memory_space<vmem>> -> memref<64xi32, #tpu.memory_space<vmem>>
    %dma_start3A_206 = arith.constant 0 : i32
    %dma_start3A_207 = arith.constant 0 : i32
    %dma_start3A_208 = tpu.memref_slice %arg4[%dma_start3A_206, %dma_start3A_207] : memref<36864x512xf32, #tpu.memory_space<hbm>> -> memref<36864x512xf32, #tpu.memory_space<hbm>>
    tpu.enqueue_indirect_dma source(%arg5 : memref<64x512xf32, #tpu.memory_space<vmem>>) target(%dma_start3A_208 : memref<36864x512xf32, #tpu.memory_space<hbm>>) offsets(%dma_start3A_205 : memref<64xi32, #tpu.memory_space<vmem>>) semaphore(%arg10 : memref<!tpu.dma_semaphore, #tpu.memory_space<semaphore_mem>>)
    %dma_start3A_209 = arith.constant 3 : i32
    %dma_start3A_210 = arith.constant 2 : i32
    %dma_start3A_211 = arith.constant 0 : i32
    %dma_start3A_212 = tpu.memref_slice %arg7[%dma_start3A_209, %dma_start3A_210, %dma_start3A_211] : memref<4x4x64xi32, #tpu.memory_space<vmem>> -> memref<1x1x64xi32, #tpu.memory_space<vmem>>
    %dma_start3A_213 = tpu.memref_squeeze %dma_start3A_212 : memref<1x1x64xi32, #tpu.memory_space<vmem>> -> memref<64xi32, #tpu.memory_space<vmem>>
    %dma_start3A_214 = arith.constant 0 : i32
    %dma_start3A_215 = arith.constant 0 : i32
    %dma_start3A_216 = tpu.memref_slice %arg4[%dma_start3A_214, %dma_start3A_215] : memref<36864x512xf32, #tpu.memory_space<hbm>> -> memref<36864x512xf32, #tpu.memory_space<hbm>>
    tpu.enqueue_indirect_dma source(%arg5 : memref<64x512xf32, #tpu.memory_space<vmem>>) target(%dma_start3A_216 : memref<36864x512xf32, #tpu.memory_space<hbm>>) offsets(%dma_start3A_213 : memref<64xi32, #tpu.memory_space<vmem>>) semaphore(%arg10 : memref<!tpu.dma_semaphore, #tpu.memory_space<semaphore_mem>>)
    %dma_wait3A_217 = arith.constant 0 : i32
    %dma_wait3A_218 = arith.constant 2 : i32
    %dma_wait3A_219 = arith.constant 0 : i32
    %dma_wait3A_220 = tpu.memref_slice %arg7[%dma_wait3A_217, %dma_wait3A_218, %dma_wait3A_219] : memref<4x4x64xi32, #tpu.memory_space<vmem>> -> memref<1x1x64xi32, #tpu.memory_space<vmem>>
    %dma_wait3A_221 = tpu.memref_squeeze %dma_wait3A_220 : memref<1x1x64xi32, #tpu.memory_space<vmem>> -> memref<64xi32, #tpu.memory_space<vmem>>
    %dma_wait3A_222 = arith.constant 0 : i32
    %dma_wait3A_223 = arith.constant 0 : i32
    %dma_wait3A_224 = tpu.memref_slice %arg4[%dma_wait3A_222, %dma_wait3A_223] : memref<36864x512xf32, #tpu.memory_space<hbm>> -> memref<36864x512xf32, #tpu.memory_space<hbm>>
    tpu.wait_indirect_dma semaphore(%arg10 : memref<!tpu.dma_semaphore, #tpu.memory_space<semaphore_mem>>) src(%arg5 : memref<64x512xf32, #tpu.memory_space<vmem>>) dst(%dma_wait3A_224 : memref<36864x512xf32, #tpu.memory_space<hbm>>)
    %dma_wait3A_225 = arith.constant 1 : i32
    %dma_wait3A_226 = arith.constant 2 : i32
    %dma_wait3A_227 = arith.constant 0 : i32
    %dma_wait3A_228 = tpu.memref_slice %arg7[%dma_wait3A_225, %dma_wait3A_226, %dma_wait3A_227] : memref<4x4x64xi32, #tpu.memory_space<vmem>> -> memref<1x1x64xi32, #tpu.memory_space<vmem>>
    %dma_wait3A_229 = tpu.memref_squeeze %dma_wait3A_228 : memref<1x1x64xi32, #tpu.memory_space<vmem>> -> memref<64xi32, #tpu.memory_space<vmem>>
    %dma_wait3A_230 = arith.constant 0 : i32
    %dma_wait3A_231 = arith.constant 0 : i32
    %dma_wait3A_232 = tpu.memref_slice %arg4[%dma_wait3A_230, %dma_wait3A_231] : memref<36864x512xf32, #tpu.memory_space<hbm>> -> memref<36864x512xf32, #tpu.memory_space<hbm>>
    tpu.wait_indirect_dma semaphore(%arg10 : memref<!tpu.dma_semaphore, #tpu.memory_space<semaphore_mem>>) src(%arg5 : memref<64x512xf32, #tpu.memory_space<vmem>>) dst(%dma_wait3A_232 : memref<36864x512xf32, #tpu.memory_space<hbm>>)
    %dma_wait3A_233 = arith.constant 2 : i32
    %dma_wait3A_234 = arith.constant 2 : i32
    %dma_wait3A_235 = arith.constant 0 : i32
    %dma_wait3A_236 = tpu.memref_slice %arg7[%dma_wait3A_233, %dma_wait3A_234, %dma_wait3A_235] : memref<4x4x64xi32, #tpu.memory_space<vmem>> -> memref<1x1x64xi32, #tpu.memory_space<vmem>>
    %dma_wait3A_237 = tpu.memref_squeeze %dma_wait3A_236 : memref<1x1x64xi32, #tpu.memory_space<vmem>> -> memref<64xi32, #tpu.memory_space<vmem>>
    %dma_wait3A_238 = arith.constant 0 : i32
    %dma_wait3A_239 = arith.constant 0 : i32
    %dma_wait3A_240 = tpu.memref_slice %arg4[%dma_wait3A_238, %dma_wait3A_239] : memref<36864x512xf32, #tpu.memory_space<hbm>> -> memref<36864x512xf32, #tpu.memory_space<hbm>>
    tpu.wait_indirect_dma semaphore(%arg10 : memref<!tpu.dma_semaphore, #tpu.memory_space<semaphore_mem>>) src(%arg5 : memref<64x512xf32, #tpu.memory_space<vmem>>) dst(%dma_wait3A_240 : memref<36864x512xf32, #tpu.memory_space<hbm>>)
    %dma_wait3A_241 = arith.constant 3 : i32
    %dma_wait3A_242 = arith.constant 2 : i32
    %dma_wait3A_243 = arith.constant 0 : i32
    %dma_wait3A_244 = tpu.memref_slice %arg7[%dma_wait3A_241, %dma_wait3A_242, %dma_wait3A_243] : memref<4x4x64xi32, #tpu.memory_space<vmem>> -> memref<1x1x64xi32, #tpu.memory_space<vmem>>
    %dma_wait3A_245 = tpu.memref_squeeze %dma_wait3A_244 : memref<1x1x64xi32, #tpu.memory_space<vmem>> -> memref<64xi32, #tpu.memory_space<vmem>>
    %dma_wait3A_246 = arith.constant 0 : i32
    %dma_wait3A_247 = arith.constant 0 : i32
    %dma_wait3A_248 = tpu.memref_slice %arg4[%dma_wait3A_246, %dma_wait3A_247] : memref<36864x512xf32, #tpu.memory_space<hbm>> -> memref<36864x512xf32, #tpu.memory_space<hbm>>
    tpu.wait_indirect_dma semaphore(%arg10 : memref<!tpu.dma_semaphore, #tpu.memory_space<semaphore_mem>>) src(%arg5 : memref<64x512xf32, #tpu.memory_space<vmem>>) dst(%dma_wait3A_248 : memref<36864x512xf32, #tpu.memory_space<hbm>>)
    %add3A_249 = arith.constant 192 : i32
    %add3A_250 = arith.addi %multiple_of3A, %add3A_249 : i32
    %multiple_of3A_251 = tpu.assume_multiple %add3A_250, 8 : i32
    %dma_wait3A_252 = arith.constant 0 : i32
    %dma_wait3A_253 = tpu.memref_slice %arg2[%multiple_of3A_251, %dma_wait3A_252] : memref<8192x512xf32, #tpu.memory_space<hbm>> -> memref<64x512xf32, #tpu.memory_space<hbm>>
    %dma_wait3A_254 = arith.constant 0 : i32
    %dma_wait3A_255 = tpu.memref_slice %arg2[%multiple_of3A_251, %dma_wait3A_254] : memref<8192x512xf32, #tpu.memory_space<hbm>> -> memref<64x512xf32, #tpu.memory_space<hbm>>
    tpu.wait_dma2 semaphore(%arg9 : memref<!tpu.dma_semaphore, #tpu.memory_space<semaphore_mem>>) src(%dma_wait3A_255 : memref<64x512xf32, #tpu.memory_space<hbm>>) dst(%arg6 : memref<64x512xf32, #tpu.memory_space<vmem>>)
    %dma_start3A_256 = arith.constant 0 : i32
    %dma_start3A_257 = arith.constant 3 : i32
    %dma_start3A_258 = arith.constant 0 : i32
    %dma_start3A_259 = tpu.memref_slice %arg7[%dma_start3A_256, %dma_start3A_257, %dma_start3A_258] : memref<4x4x64xi32, #tpu.memory_space<vmem>> -> memref<1x1x64xi32, #tpu.memory_space<vmem>>
    %dma_start3A_260 = tpu.memref_squeeze %dma_start3A_259 : memref<1x1x64xi32, #tpu.memory_space<vmem>> -> memref<64xi32, #tpu.memory_space<vmem>>
    %dma_start3A_261 = arith.constant 0 : i32
    %dma_start3A_262 = arith.constant 0 : i32
    %dma_start3A_263 = tpu.memref_slice %arg4[%dma_start3A_261, %dma_start3A_262] : memref<36864x512xf32, #tpu.memory_space<hbm>> -> memref<36864x512xf32, #tpu.memory_space<hbm>>
    tpu.enqueue_indirect_dma source(%arg6 : memref<64x512xf32, #tpu.memory_space<vmem>>) target(%dma_start3A_263 : memref<36864x512xf32, #tpu.memory_space<hbm>>) offsets(%dma_start3A_260 : memref<64xi32, #tpu.memory_space<vmem>>) semaphore(%arg11 : memref<!tpu.dma_semaphore, #tpu.memory_space<semaphore_mem>>)
    %dma_start3A_264 = arith.constant 1 : i32
    %dma_start3A_265 = arith.constant 3 : i32
    %dma_start3A_266 = arith.constant 0 : i32
    %dma_start3A_267 = tpu.memref_slice %arg7[%dma_start3A_264, %dma_start3A_265, %dma_start3A_266] : memref<4x4x64xi32, #tpu.memory_space<vmem>> -> memref<1x1x64xi32, #tpu.memory_space<vmem>>
    %dma_start3A_268 = tpu.memref_squeeze %dma_start3A_267 : memref<1x1x64xi32, #tpu.memory_space<vmem>> -> memref<64xi32, #tpu.memory_space<vmem>>
    %dma_start3A_269 = arith.constant 0 : i32
    %dma_start3A_270 = arith.constant 0 : i32
    %dma_start3A_271 = tpu.memref_slice %arg4[%dma_start3A_269, %dma_start3A_270] : memref<36864x512xf32, #tpu.memory_space<hbm>> -> memref<36864x512xf32, #tpu.memory_space<hbm>>
    tpu.enqueue_indirect_dma source(%arg6 : memref<64x512xf32, #tpu.memory_space<vmem>>) target(%dma_start3A_271 : memref<36864x512xf32, #tpu.memory_space<hbm>>) offsets(%dma_start3A_268 : memref<64xi32, #tpu.memory_space<vmem>>) semaphore(%arg11 : memref<!tpu.dma_semaphore, #tpu.memory_space<semaphore_mem>>)
    %dma_start3A_272 = arith.constant 2 : i32
    %dma_start3A_273 = arith.constant 3 : i32
    %dma_start3A_274 = arith.constant 0 : i32
    %dma_start3A_275 = tpu.memref_slice %arg7[%dma_start3A_272, %dma_start3A_273, %dma_start3A_274] : memref<4x4x64xi32, #tpu.memory_space<vmem>> -> memref<1x1x64xi32, #tpu.memory_space<vmem>>
    %dma_start3A_276 = tpu.memref_squeeze %dma_start3A_275 : memref<1x1x64xi32, #tpu.memory_space<vmem>> -> memref<64xi32, #tpu.memory_space<vmem>>
    %dma_start3A_277 = arith.constant 0 : i32
    %dma_start3A_278 = arith.constant 0 : i32
    %dma_start3A_279 = tpu.memref_slice %arg4[%dma_start3A_277, %dma_start3A_278] : memref<36864x512xf32, #tpu.memory_space<hbm>> -> memref<36864x512xf32, #tpu.memory_space<hbm>>
    tpu.enqueue_indirect_dma source(%arg6 : memref<64x512xf32, #tpu.memory_space<vmem>>) target(%dma_start3A_279 : memref<36864x512xf32, #tpu.memory_space<hbm>>) offsets(%dma_start3A_276 : memref<64xi32, #tpu.memory_space<vmem>>) semaphore(%arg11 : memref<!tpu.dma_semaphore, #tpu.memory_space<semaphore_mem>>)
    %dma_start3A_280 = arith.constant 3 : i32
    %dma_start3A_281 = arith.constant 3 : i32
    %dma_start3A_282 = arith.constant 0 : i32
    %dma_start3A_283 = tpu.memref_slice %arg7[%dma_start3A_280, %dma_start3A_281, %dma_start3A_282] : memref<4x4x64xi32, #tpu.memory_space<vmem>> -> memref<1x1x64xi32, #tpu.memory_space<vmem>>
    %dma_start3A_284 = tpu.memref_squeeze %dma_start3A_283 : memref<1x1x64xi32, #tpu.memory_space<vmem>> -> memref<64xi32, #tpu.memory_space<vmem>>
    %dma_start3A_285 = arith.constant 0 : i32
    %dma_start3A_286 = arith.constant 0 : i32
    %dma_start3A_287 = tpu.memref_slice %arg4[%dma_start3A_285, %dma_start3A_286] : memref<36864x512xf32, #tpu.memory_space<hbm>> -> memref<36864x512xf32, #tpu.memory_space<hbm>>
    tpu.enqueue_indirect_dma source(%arg6 : memref<64x512xf32, #tpu.memory_space<vmem>>) target(%dma_start3A_287 : memref<36864x512xf32, #tpu.memory_space<hbm>>) offsets(%dma_start3A_284 : memref<64xi32, #tpu.memory_space<vmem>>) semaphore(%arg11 : memref<!tpu.dma_semaphore, #tpu.memory_space<semaphore_mem>>)
    %dma_wait3A_288 = arith.constant 0 : i32
    %dma_wait3A_289 = arith.constant 3 : i32
    %dma_wait3A_290 = arith.constant 0 : i32
    %dma_wait3A_291 = tpu.memref_slice %arg7[%dma_wait3A_288, %dma_wait3A_289, %dma_wait3A_290] : memref<4x4x64xi32, #tpu.memory_space<vmem>> -> memref<1x1x64xi32, #tpu.memory_space<vmem>>
    %dma_wait3A_292 = tpu.memref_squeeze %dma_wait3A_291 : memref<1x1x64xi32, #tpu.memory_space<vmem>> -> memref<64xi32, #tpu.memory_space<vmem>>
    %dma_wait3A_293 = arith.constant 0 : i32
    %dma_wait3A_294 = arith.constant 0 : i32
    %dma_wait3A_295 = tpu.memref_slice %arg4[%dma_wait3A_293, %dma_wait3A_294] : memref<36864x512xf32, #tpu.memory_space<hbm>> -> memref<36864x512xf32, #tpu.memory_space<hbm>>
    tpu.wait_indirect_dma semaphore(%arg11 : memref<!tpu.dma_semaphore, #tpu.memory_space<semaphore_mem>>) src(%arg6 : memref<64x512xf32, #tpu.memory_space<vmem>>) dst(%dma_wait3A_295 : memref<36864x512xf32, #tpu.memory_space<hbm>>)
    %dma_wait3A_296 = arith.constant 1 : i32
    %dma_wait3A_297 = arith.constant 3 : i32
    %dma_wait3A_298 = arith.constant 0 : i32
    %dma_wait3A_299 = tpu.memref_slice %arg7[%dma_wait3A_296, %dma_wait3A_297, %dma_wait3A_298] : memref<4x4x64xi32, #tpu.memory_space<vmem>> -> memref<1x1x64xi32, #tpu.memory_space<vmem>>
    %dma_wait3A_300 = tpu.memref_squeeze %dma_wait3A_299 : memref<1x1x64xi32, #tpu.memory_space<vmem>> -> memref<64xi32, #tpu.memory_space<vmem>>
    %dma_wait3A_301 = arith.constant 0 : i32
    %dma_wait3A_302 = arith.constant 0 : i32
    %dma_wait3A_303 = tpu.memref_slice %arg4[%dma_wait3A_301, %dma_wait3A_302] : memref<36864x512xf32, #tpu.memory_space<hbm>> -> memref<36864x512xf32, #tpu.memory_space<hbm>>
    tpu.wait_indirect_dma semaphore(%arg11 : memref<!tpu.dma_semaphore, #tpu.memory_space<semaphore_mem>>) src(%arg6 : memref<64x512xf32, #tpu.memory_space<vmem>>) dst(%dma_wait3A_303 : memref<36864x512xf32, #tpu.memory_space<hbm>>)
    %dma_wait3A_304 = arith.constant 2 : i32
    %dma_wait3A_305 = arith.constant 3 : i32
    %dma_wait3A_306 = arith.constant 0 : i32
    %dma_wait3A_307 = tpu.memref_slice %arg7[%dma_wait3A_304, %dma_wait3A_305, %dma_wait3A_306] : memref<4x4x64xi32, #tpu.memory_space<vmem>> -> memref<1x1x64xi32, #tpu.memory_space<vmem>>
    %dma_wait3A_308 = tpu.memref_squeeze %dma_wait3A_307 : memref<1x1x64xi32, #tpu.memory_space<vmem>> -> memref<64xi32, #tpu.memory_space<vmem>>
    %dma_wait3A_309 = arith.constant 0 : i32
    %dma_wait3A_310 = arith.constant 0 : i32
    %dma_wait3A_311 = tpu.memref_slice %arg4[%dma_wait3A_309, %dma_wait3A_310] : memref<36864x512xf32, #tpu.memory_space<hbm>> -> memref<36864x512xf32, #tpu.memory_space<hbm>>
    tpu.wait_indirect_dma semaphore(%arg11 : memref<!tpu.dma_semaphore, #tpu.memory_space<semaphore_mem>>) src(%arg6 : memref<64x512xf32, #tpu.memory_space<vmem>>) dst(%dma_wait3A_311 : memref<36864x512xf32, #tpu.memory_space<hbm>>)
    %dma_wait3A_312 = arith.constant 3 : i32
    %dma_wait3A_313 = arith.constant 3 : i32
    %dma_wait3A_314 = arith.constant 0 : i32
    %dma_wait3A_315 = tpu.memref_slice %arg7[%dma_wait3A_312, %dma_wait3A_313, %dma_wait3A_314] : memref<4x4x64xi32, #tpu.memory_space<vmem>> -> memref<1x1x64xi32, #tpu.memory_space<vmem>>
    %dma_wait3A_316 = tpu.memref_squeeze %dma_wait3A_315 : memref<1x1x64xi32, #tpu.memory_space<vmem>> -> memref<64xi32, #tpu.memory_space<vmem>>
    %dma_wait3A_317 = arith.constant 0 : i32
    %dma_wait3A_318 = arith.constant 0 : i32
    %dma_wait3A_319 = tpu.memref_slice %arg4[%dma_wait3A_317, %dma_wait3A_318] : memref<36864x512xf32, #tpu.memory_space<hbm>> -> memref<36864x512xf32, #tpu.memory_space<hbm>>
    tpu.wait_indirect_dma semaphore(%arg11 : memref<!tpu.dma_semaphore, #tpu.memory_space<semaphore_mem>>) src(%arg6 : memref<64x512xf32, #tpu.memory_space<vmem>>) dst(%dma_wait3A_319 : memref<36864x512xf32, #tpu.memory_space<hbm>>)
    return
  }
}

#map = affine_map<(d0, d1) -> (0, 0)>
#map1 = affine_map<(d0, d1) -> (0)>
module attributes {stable_mosaic.version = 14 : i64} {
  func.func @gk(%arg0: i32, %arg1: i32, %arg2: memref<36864x512xf32, #tpu.memory_space<hbm>>, %arg3: memref<32768xi32, #tpu.memory_space<hbm>>, %arg4: memref<32768x512xf32, #tpu.memory_space<hbm>>, %arg5: memref<1024xi32, #tpu.memory_space<vmem>>, %arg6: memref<64x512xf32, #tpu.memory_space<vmem>>, %arg7: memref<64x512xf32, #tpu.memory_space<vmem>>, %arg8: memref<!tpu.dma_semaphore, #tpu.memory_space<semaphore_mem>>, %arg9: memref<!tpu.dma_semaphore, #tpu.memory_space<semaphore_mem>>) attributes {dimension_semantics = [#tpu.dimension_semantics<core_parallel>, #tpu.dimension_semantics<subcore_parallel>], iteration_bounds = array<i64: 2, 16>, scalar_prefetch = 0 : i64, scratch_operands = 5 : i64, tpu.core_type = #tpu.core_type<sc_vector_subcore>, window_params = [{transform_indices = #map}, {transform_indices = #map1}, {transform_indices = #map}]} {
    %mul3A = arith.constant 2 : i32
    %mul3A_0 = arith.muli %arg1, %mul3A : i32
    %add3A = arith.addi %mul3A_0, %arg0 : i32
    %mul3A_1 = arith.constant 1024 : i32
    %mul3A_2 = arith.muli %add3A, %mul3A_1 : i32
    %multiple_of3A = tpu.assume_multiple %mul3A_2, 8 : i32
    "tpu.region"() ({
      %run_scoped3A = tpu.sem_alloc : memref<!tpu.dma_semaphore, #tpu.memory_space<semaphore_mem>>
      %dma_start3A_13 = tpu.memref_slice %arg3[%multiple_of3A] : memref<32768xi32, #tpu.memory_space<hbm>> -> memref<1024xi32, #tpu.memory_space<hbm>>
      %dma_start3A_14 = tpu.memref_slice %arg3[%multiple_of3A] : memref<32768xi32, #tpu.memory_space<hbm>> -> memref<1024xi32, #tpu.memory_space<hbm>>
      tpu.enqueue_dma source(%dma_start3A_14 : memref<1024xi32, #tpu.memory_space<hbm>>) target(%arg5 : memref<1024xi32, #tpu.memory_space<vmem>>) target_semaphore(%run_scoped3A : memref<!tpu.dma_semaphore, #tpu.memory_space<semaphore_mem>>)
      %dma_wait3A = tpu.memref_slice %arg3[%multiple_of3A] : memref<32768xi32, #tpu.memory_space<hbm>> -> memref<1024xi32, #tpu.memory_space<hbm>>
      %dma_wait3A_15 = tpu.memref_slice %arg3[%multiple_of3A] : memref<32768xi32, #tpu.memory_space<hbm>> -> memref<1024xi32, #tpu.memory_space<hbm>>
      tpu.wait_dma2 semaphore(%run_scoped3A : memref<!tpu.dma_semaphore, #tpu.memory_space<semaphore_mem>>) src(%dma_wait3A_15 : memref<1024xi32, #tpu.memory_space<hbm>>) dst(%arg5 : memref<1024xi32, #tpu.memory_space<vmem>>)
      tpu.yield
    }) : () -> ()
    %multiple_of3A_3 = arith.constant 0 : i32
    %multiple_of3A_4 = tpu.assume_multiple %multiple_of3A_3, 8 : i32
    %dma_start3A = tpu.memref_slice %arg5[%multiple_of3A_4] : memref<1024xi32, #tpu.memory_space<vmem>> -> memref<64xi32, #tpu.memory_space<vmem>>
    %dma_start3A_5 = arith.constant 0 : i32
    %dma_start3A_6 = arith.constant 0 : i32
    %dma_start3A_7 = tpu.memref_slice %arg2[%dma_start3A_5, %dma_start3A_6] : memref<36864x512xf32, #tpu.memory_space<hbm>> -> memref<36864x512xf32, #tpu.memory_space<hbm>>
    tpu.enqueue_indirect_dma source(%dma_start3A_7 : memref<36864x512xf32, #tpu.memory_space<hbm>>) target(%arg6 : memref<64x512xf32, #tpu.memory_space<vmem>>) offsets(%dma_start3A : memref<64xi32, #tpu.memory_space<vmem>>) semaphore(%arg8 : memref<!tpu.dma_semaphore, #tpu.memory_space<semaphore_mem>>)
    %scan3A = arith.constant 0 : i32
    %scan3A_8 = arith.constant 0 : i32
    %scan3A_9 = arith.constant 8 : i32
    %scan3A_10 = arith.addi %scan3A_8, %scan3A_9 : i32
    %scan3A_11 = arith.constant 1 : i32
    scf.for %scan3A_13 = %scan3A_8 to %scan3A_10 step %scan3A_11  : i32 {
      %mul3A_14 = arith.constant 2 : i32
      %mul3A_15 = arith.muli %scan3A_13, %mul3A_14 : i32
      %add3A_16 = arith.constant 1 : i32
      %add3A_17 = arith.addi %mul3A_15, %add3A_16 : i32
      %lt3A = arith.constant 16 : i32
      %lt3A_18 = arith.cmpi slt, %add3A_17, %lt3A : i32
      %convert_element_type3A = arith.extui %lt3A_18 : i1 to i32
      %cond3A = arith.constant 0 : i32
      %cond3A_19 = arith.cmpi ne, %convert_element_type3A, %cond3A : i32
      scf.if %cond3A_19 {
        %add3A_44 = arith.constant 1 : i32
        %add3A_45 = arith.addi %mul3A_15, %add3A_44 : i32
        %mul3A_46 = arith.constant 64 : i32
        %mul3A_47 = arith.muli %add3A_45, %mul3A_46 : i32
        %multiple_of3A_48 = tpu.assume_multiple %mul3A_47, 8 : i32
        %dma_start3A_49 = tpu.memref_slice %arg5[%multiple_of3A_48] : memref<1024xi32, #tpu.memory_space<vmem>> -> memref<64xi32, #tpu.memory_space<vmem>>
        %dma_start3A_50 = arith.constant 0 : i32
        %dma_start3A_51 = arith.constant 0 : i32
        %dma_start3A_52 = tpu.memref_slice %arg2[%dma_start3A_50, %dma_start3A_51] : memref<36864x512xf32, #tpu.memory_space<hbm>> -> memref<36864x512xf32, #tpu.memory_space<hbm>>
        tpu.enqueue_indirect_dma source(%dma_start3A_52 : memref<36864x512xf32, #tpu.memory_space<hbm>>) target(%arg7 : memref<64x512xf32, #tpu.memory_space<vmem>>) offsets(%dma_start3A_49 : memref<64xi32, #tpu.memory_space<vmem>>) semaphore(%arg9 : memref<!tpu.dma_semaphore, #tpu.memory_space<semaphore_mem>>)
      } else {
      }
      %mul3A_20 = arith.constant 64 : i32
      %mul3A_21 = arith.muli %mul3A_15, %mul3A_20 : i32
      %multiple_of3A_22 = tpu.assume_multiple %mul3A_21, 8 : i32
      %dma_wait3A = tpu.memref_slice %arg5[%multiple_of3A_22] : memref<1024xi32, #tpu.memory_space<vmem>> -> memref<64xi32, #tpu.memory_space<vmem>>
      %dma_wait3A_23 = arith.constant 0 : i32
      %dma_wait3A_24 = arith.constant 0 : i32
      %dma_wait3A_25 = tpu.memref_slice %arg2[%dma_wait3A_23, %dma_wait3A_24] : memref<36864x512xf32, #tpu.memory_space<hbm>> -> memref<36864x512xf32, #tpu.memory_space<hbm>>
      tpu.wait_indirect_dma semaphore(%arg8 : memref<!tpu.dma_semaphore, #tpu.memory_space<semaphore_mem>>) src(%dma_wait3A_25 : memref<36864x512xf32, #tpu.memory_space<hbm>>) dst(%arg6 : memref<64x512xf32, #tpu.memory_space<vmem>>)
      %mul3A_26 = arith.constant 64 : i32
      %mul3A_27 = arith.muli %mul3A_15, %mul3A_26 : i32
      %add3A_28 = arith.addi %multiple_of3A, %mul3A_27 : i32
      %multiple_of3A_29 = tpu.assume_multiple %add3A_28, 8 : i32
      "tpu.region"() ({
        %run_scoped3A = tpu.sem_alloc : memref<!tpu.dma_semaphore, #tpu.memory_space<semaphore_mem>>
        %dma_start3A_44 = arith.constant 0 : i32
        %dma_start3A_45 = tpu.memref_slice %arg4[%multiple_of3A_29, %dma_start3A_44] : memref<32768x512xf32, #tpu.memory_space<hbm>> -> memref<64x512xf32, #tpu.memory_space<hbm>>
        %dma_start3A_46 = arith.constant 0 : i32
        %dma_start3A_47 = tpu.memref_slice %arg4[%multiple_of3A_29, %dma_start3A_46] : memref<32768x512xf32, #tpu.memory_space<hbm>> -> memref<64x512xf32, #tpu.memory_space<hbm>>
        tpu.enqueue_dma source(%arg6 : memref<64x512xf32, #tpu.memory_space<vmem>>) target(%dma_start3A_47 : memref<64x512xf32, #tpu.memory_space<hbm>>) target_semaphore(%run_scoped3A : memref<!tpu.dma_semaphore, #tpu.memory_space<semaphore_mem>>)
        %dma_wait3A_48 = arith.constant 0 : i32
        %dma_wait3A_49 = tpu.memref_slice %arg4[%multiple_of3A_29, %dma_wait3A_48] : memref<32768x512xf32, #tpu.memory_space<hbm>> -> memref<64x512xf32, #tpu.memory_space<hbm>>
        %dma_wait3A_50 = arith.constant 0 : i32
        %dma_wait3A_51 = tpu.memref_slice %arg4[%multiple_of3A_29, %dma_wait3A_50] : memref<32768x512xf32, #tpu.memory_space<hbm>> -> memref<64x512xf32, #tpu.memory_space<hbm>>
        tpu.wait_dma2 semaphore(%run_scoped3A : memref<!tpu.dma_semaphore, #tpu.memory_space<semaphore_mem>>) src(%arg6 : memref<64x512xf32, #tpu.memory_space<vmem>>) dst(%dma_wait3A_51 : memref<64x512xf32, #tpu.memory_space<hbm>>)
        tpu.yield
      }) : () -> ()
      %add3A_30 = arith.constant 2 : i32
      %add3A_31 = arith.addi %mul3A_15, %add3A_30 : i32
      %lt3A_32 = arith.constant 16 : i32
      %lt3A_33 = arith.cmpi slt, %add3A_31, %lt3A_32 : i32
      %convert_element_type3A_34 = arith.extui %lt3A_33 : i1 to i32
      %cond3A_35 = arith.constant 0 : i32
      %cond3A_36 = arith.cmpi ne, %convert_element_type3A_34, %cond3A_35 : i32
      scf.if %cond3A_36 {
        %add3A_44 = arith.constant 2 : i32
        %add3A_45 = arith.addi %mul3A_15, %add3A_44 : i32
        %mul3A_46 = arith.constant 64 : i32
        %mul3A_47 = arith.muli %add3A_45, %mul3A_46 : i32
        %multiple_of3A_48 = tpu.assume_multiple %mul3A_47, 8 : i32
        %dma_start3A_49 = tpu.memref_slice %arg5[%multiple_of3A_48] : memref<1024xi32, #tpu.memory_space<vmem>> -> memref<64xi32, #tpu.memory_space<vmem>>
        %dma_start3A_50 = arith.constant 0 : i32
        %dma_start3A_51 = arith.constant 0 : i32
        %dma_start3A_52 = tpu.memref_slice %arg2[%dma_start3A_50, %dma_start3A_51] : memref<36864x512xf32, #tpu.memory_space<hbm>> -> memref<36864x512xf32, #tpu.memory_space<hbm>>
        tpu.enqueue_indirect_dma source(%dma_start3A_52 : memref<36864x512xf32, #tpu.memory_space<hbm>>) target(%arg6 : memref<64x512xf32, #tpu.memory_space<vmem>>) offsets(%dma_start3A_49 : memref<64xi32, #tpu.memory_space<vmem>>) semaphore(%arg8 : memref<!tpu.dma_semaphore, #tpu.memory_space<semaphore_mem>>)
      } else {
      }
      %add3A_37 = arith.constant 1 : i32
      %add3A_38 = arith.addi %mul3A_15, %add3A_37 : i32
      %lt3A_39 = arith.constant 16 : i32
      %lt3A_40 = arith.cmpi slt, %add3A_38, %lt3A_39 : i32
      %convert_element_type3A_41 = arith.extui %lt3A_40 : i1 to i32
      %cond3A_42 = arith.constant 0 : i32
      %cond3A_43 = arith.cmpi ne, %convert_element_type3A_41, %cond3A_42 : i32
      scf.if %cond3A_43 {
        %add3A_44 = arith.constant 1 : i32
        %add3A_45 = arith.addi %mul3A_15, %add3A_44 : i32
        %mul3A_46 = arith.constant 64 : i32
        %mul3A_47 = arith.muli %add3A_45, %mul3A_46 : i32
        %multiple_of3A_48 = tpu.assume_multiple %mul3A_47, 8 : i32
        %dma_wait3A_49 = tpu.memref_slice %arg5[%multiple_of3A_48] : memref<1024xi32, #tpu.memory_space<vmem>> -> memref<64xi32, #tpu.memory_space<vmem>>
        %dma_wait3A_50 = arith.constant 0 : i32
        %dma_wait3A_51 = arith.constant 0 : i32
        %dma_wait3A_52 = tpu.memref_slice %arg2[%dma_wait3A_50, %dma_wait3A_51] : memref<36864x512xf32, #tpu.memory_space<hbm>> -> memref<36864x512xf32, #tpu.memory_space<hbm>>
        tpu.wait_indirect_dma semaphore(%arg9 : memref<!tpu.dma_semaphore, #tpu.memory_space<semaphore_mem>>) src(%dma_wait3A_52 : memref<36864x512xf32, #tpu.memory_space<hbm>>) dst(%arg7 : memref<64x512xf32, #tpu.memory_space<vmem>>)
        %mul3A_53 = arith.constant 64 : i32
        %mul3A_54 = arith.muli %add3A_45, %mul3A_53 : i32
        %add3A_55 = arith.addi %multiple_of3A, %mul3A_54 : i32
        %multiple_of3A_56 = tpu.assume_multiple %add3A_55, 8 : i32
        "tpu.region"() ({
          %run_scoped3A = tpu.sem_alloc : memref<!tpu.dma_semaphore, #tpu.memory_space<semaphore_mem>>
          %dma_start3A_57 = arith.constant 0 : i32
          %dma_start3A_58 = tpu.memref_slice %arg4[%multiple_of3A_56, %dma_start3A_57] : memref<32768x512xf32, #tpu.memory_space<hbm>> -> memref<64x512xf32, #tpu.memory_space<hbm>>
          %dma_start3A_59 = arith.constant 0 : i32
          %dma_start3A_60 = tpu.memref_slice %arg4[%multiple_of3A_56, %dma_start3A_59] : memref<32768x512xf32, #tpu.memory_space<hbm>> -> memref<64x512xf32, #tpu.memory_space<hbm>>
          tpu.enqueue_dma source(%arg7 : memref<64x512xf32, #tpu.memory_space<vmem>>) target(%dma_start3A_60 : memref<64x512xf32, #tpu.memory_space<hbm>>) target_semaphore(%run_scoped3A : memref<!tpu.dma_semaphore, #tpu.memory_space<semaphore_mem>>)
          %dma_wait3A_61 = arith.constant 0 : i32
          %dma_wait3A_62 = tpu.memref_slice %arg4[%multiple_of3A_56, %dma_wait3A_61] : memref<32768x512xf32, #tpu.memory_space<hbm>> -> memref<64x512xf32, #tpu.memory_space<hbm>>
          %dma_wait3A_63 = arith.constant 0 : i32
          %dma_wait3A_64 = tpu.memref_slice %arg4[%multiple_of3A_56, %dma_wait3A_63] : memref<32768x512xf32, #tpu.memory_space<hbm>> -> memref<64x512xf32, #tpu.memory_space<hbm>>
          tpu.wait_dma2 semaphore(%run_scoped3A : memref<!tpu.dma_semaphore, #tpu.memory_space<semaphore_mem>>) src(%arg7 : memref<64x512xf32, #tpu.memory_space<vmem>>) dst(%dma_wait3A_64 : memref<64x512xf32, #tpu.memory_space<hbm>>)
          tpu.yield
        }) : () -> ()
      } else {
      }
    }
    %scan3A_12 = arith.constant 8 : i32
    return
  }
}

module attributes {stable_mosaic.version = 14 : i64} {
  func.func @_router_body(%arg0: i32, %arg1: memref<512x512xf32, #tpu.memory_space<vmem>>, %arg2: memref<512x16xf32, #tpu.memory_space<vmem>>, %arg3: memref<1x16xf32, #tpu.memory_space<vmem>>, %arg4: memref<16x16xf32, #tpu.memory_space<vmem>>, %arg5: memref<512x16xf32, #tpu.memory_space<vmem>>, %arg6: memref<512x8xf32, #tpu.memory_space<vmem>>) attributes {dimension_semantics = [#tpu.dimension_semantics<arbitrary>], iteration_bounds = array<i64: 16>, scalar_prefetch = 0 : i64, scratch_operands = 0 : i64, tpu.core_type = #tpu.core_type<tc>, window_params = [{transform_indices = @transform_0, window_bounds = array<i64: 512, 512>}, {pipeline_mode = #tpu.pipeline_mode<synchronous>, transform_indices = @transform_1, window_bounds = array<i64: 512, 16>}, {pipeline_mode = #tpu.pipeline_mode<synchronous>, transform_indices = @transform_2, window_bounds = array<i64: 1, 16>}, {pipeline_mode = #tpu.pipeline_mode<synchronous>, transform_indices = @transform_3, window_bounds = array<i64: 16, 16>}, {transform_indices = @transform_4, window_bounds = array<i64: 512, 16>}, {transform_indices = @transform_5, window_bounds = array<i64: 512, 8>}]} {
    %get3A = arith.constant 0 : index
    %get3A_0 = arith.constant 0 : index
    %get3A_1 = vector.load %arg1[%get3A, %get3A_0] : memref<512x512xf32, #tpu.memory_space<vmem>>, vector<512x512xf32>
    %get3A_2 = arith.constant 0 : index
    %get3A_3 = arith.constant 0 : index
    %get3A_4 = vector.load %arg2[%get3A_2, %get3A_3] : memref<512x16xf32, #tpu.memory_space<vmem>>, vector<512x16xf32>
    %dot_general3A = arith.constant dense<0.000000e+00> : vector<512x16xf32>
    %dot_general3A_5 = tpu.matmul %get3A_1, %get3A_4, %dot_general3A {dimension_numbers = #tpu.dot_dimension_numbers<[1], [0], [0], [1], [0, 0, 1, 1], [], []>, transpose_lhs_hint = false} : vector<512x512xf32>, vector<512x16xf32>, vector<512x16xf32> -> vector<512x16xf32>
    %get3A_6 = arith.constant 0 : index
    %get3A_7 = arith.constant 0 : index
    %get3A_8 = vector.load %arg3[%get3A_6, %get3A_7] : memref<1x16xf32, #tpu.memory_space<vmem>>, vector<1x16xf32>
    %add3A = vector.broadcast %get3A_8 : vector<1x16xf32> to vector<512x16xf32>
    %add3A_9 = arith.addf %dot_general3A_5, %add3A : vector<512x16xf32>
    %iota3A = tpu.iota {dimensions = array<i32: 1>} : vector<512x16xi32>
    %broadcast_in_dim3A = arith.constant false
    %broadcast_in_dim3A_10 = vector.broadcast %broadcast_in_dim3A : i1 to vector<512x16xi1>
    %reduce_max3A = arith.constant dense<0xFF800000> : vector<512xf32>
    %reduce_max3A_11 = vector.multi_reduction <maximumf>, %add3A_9, %reduce_max3A [1] : vector<512x16xf32> to vector<512xf32>
    %broadcast_in_dim3A_12 = vector.shape_cast %reduce_max3A_11 : vector<512xf32> to vector<512x1xf32>
    %eq3A = vector.broadcast %broadcast_in_dim3A_12 : vector<512x1xf32> to vector<512x16xf32>
    %eq3A_13 = arith.cmpf oeq, %add3A_9, %eq3A : vector<512x16xf32>
    %jit3A = arith.constant 16 : i32
    %broadcast_in_dim3A_14 = vector.broadcast %jit3A : i32 to vector<512x16xi32>
    %select_n3A = arith.select %eq3A_13, %iota3A, %broadcast_in_dim3A_14 : vector<512x16xi1>, vector<512x16xi32>
    %reduce_min3A = arith.constant dense<2147483647> : vector<512xi32>
    %reduce_min3A_15 = vector.multi_reduction <minsi>, %select_n3A, %reduce_min3A [1] : vector<512x16xi32> to vector<512xi32>
    %broadcast_in_dim3A_16 = vector.shape_cast %reduce_min3A_15 : vector<512xi32> to vector<512x1xi32>
    %eq3A_17 = vector.broadcast %broadcast_in_dim3A_16 : vector<512x1xi32> to vector<512x16xi32>
    %eq3A_18 = arith.cmpi eq, %iota3A, %eq3A_17 : vector<512x16xi32>
    %or3A = arith.ori %broadcast_in_dim3A_10, %eq3A_18 : vector<512x16xi1>
    %jit3A_19 = arith.constant 0xFF800000 : f32
    %broadcast_in_dim3A_20 = vector.broadcast %jit3A_19 : f32 to vector<512x16xf32>
    %select_n3A_21 = arith.select %eq3A_18, %broadcast_in_dim3A_20, %add3A_9 : vector<512x16xi1>, vector<512x16xf32>
    %reduce_max3A_22 = arith.constant dense<0xFF800000> : vector<512xf32>
    %reduce_max3A_23 = vector.multi_reduction <maximumf>, %select_n3A_21, %reduce_max3A_22 [1] : vector<512x16xf32> to vector<512xf32>
    %broadcast_in_dim3A_24 = vector.shape_cast %reduce_max3A_23 : vector<512xf32> to vector<512x1xf32>
    %eq3A_25 = vector.broadcast %broadcast_in_dim3A_24 : vector<512x1xf32> to vector<512x16xf32>
    %eq3A_26 = arith.cmpf oeq, %select_n3A_21, %eq3A_25 : vector<512x16xf32>
    %jit3A_27 = arith.constant 16 : i32
    %broadcast_in_dim3A_28 = vector.broadcast %jit3A_27 : i32 to vector<512x16xi32>
    %select_n3A_29 = arith.select %eq3A_26, %iota3A, %broadcast_in_dim3A_28 : vector<512x16xi1>, vector<512x16xi32>
    %reduce_min3A_30 = arith.constant dense<2147483647> : vector<512xi32>
    %reduce_min3A_31 = vector.multi_reduction <minsi>, %select_n3A_29, %reduce_min3A_30 [1] : vector<512x16xi32> to vector<512xi32>
    %broadcast_in_dim3A_32 = vector.shape_cast %reduce_min3A_31 : vector<512xi32> to vector<512x1xi32>
    %eq3A_33 = vector.broadcast %broadcast_in_dim3A_32 : vector<512x1xi32> to vector<512x16xi32>
    %eq3A_34 = arith.cmpi eq, %iota3A, %eq3A_33 : vector<512x16xi32>
    %or3A_35 = arith.ori %or3A, %eq3A_34 : vector<512x16xi1>
    %jit3A_36 = arith.constant 0xFF800000 : f32
    %broadcast_in_dim3A_37 = vector.broadcast %jit3A_36 : f32 to vector<512x16xf32>
    %select_n3A_38 = arith.select %eq3A_34, %broadcast_in_dim3A_37, %select_n3A_21 : vector<512x16xi1>, vector<512x16xf32>
    %reduce_max3A_39 = arith.constant dense<0xFF800000> : vector<512xf32>
    %reduce_max3A_40 = vector.multi_reduction <maximumf>, %select_n3A_38, %reduce_max3A_39 [1] : vector<512x16xf32> to vector<512xf32>
    %broadcast_in_dim3A_41 = vector.shape_cast %reduce_max3A_40 : vector<512xf32> to vector<512x1xf32>
    %eq3A_42 = vector.broadcast %broadcast_in_dim3A_41 : vector<512x1xf32> to vector<512x16xf32>
    %eq3A_43 = arith.cmpf oeq, %select_n3A_38, %eq3A_42 : vector<512x16xf32>
    %jit3A_44 = arith.constant 16 : i32
    %broadcast_in_dim3A_45 = vector.broadcast %jit3A_44 : i32 to vector<512x16xi32>
    %select_n3A_46 = arith.select %eq3A_43, %iota3A, %broadcast_in_dim3A_45 : vector<512x16xi1>, vector<512x16xi32>
    %reduce_min3A_47 = arith.constant dense<2147483647> : vector<512xi32>
    %reduce_min3A_48 = vector.multi_reduction <minsi>, %select_n3A_46, %reduce_min3A_47 [1] : vector<512x16xi32> to vector<512xi32>
    %broadcast_in_dim3A_49 = vector.shape_cast %reduce_min3A_48 : vector<512xi32> to vector<512x1xi32>
    %eq3A_50 = vector.broadcast %broadcast_in_dim3A_49 : vector<512x1xi32> to vector<512x16xi32>
    %eq3A_51 = arith.cmpi eq, %iota3A, %eq3A_50 : vector<512x16xi32>
    %or3A_52 = arith.ori %or3A_35, %eq3A_51 : vector<512x16xi1>
    %jit3A_53 = arith.constant 0xFF800000 : f32
    %broadcast_in_dim3A_54 = vector.broadcast %jit3A_53 : f32 to vector<512x16xf32>
    %select_n3A_55 = arith.select %eq3A_51, %broadcast_in_dim3A_54, %select_n3A_38 : vector<512x16xi1>, vector<512x16xf32>
    %reduce_max3A_56 = arith.constant dense<0xFF800000> : vector<512xf32>
    %reduce_max3A_57 = vector.multi_reduction <maximumf>, %select_n3A_55, %reduce_max3A_56 [1] : vector<512x16xf32> to vector<512xf32>
    %broadcast_in_dim3A_58 = vector.shape_cast %reduce_max3A_57 : vector<512xf32> to vector<512x1xf32>
    %eq3A_59 = vector.broadcast %broadcast_in_dim3A_58 : vector<512x1xf32> to vector<512x16xf32>
    %eq3A_60 = arith.cmpf oeq, %select_n3A_55, %eq3A_59 : vector<512x16xf32>
    %jit3A_61 = arith.constant 16 : i32
    %broadcast_in_dim3A_62 = vector.broadcast %jit3A_61 : i32 to vector<512x16xi32>
    %select_n3A_63 = arith.select %eq3A_60, %iota3A, %broadcast_in_dim3A_62 : vector<512x16xi1>, vector<512x16xi32>
    %reduce_min3A_64 = arith.constant dense<2147483647> : vector<512xi32>
    %reduce_min3A_65 = vector.multi_reduction <minsi>, %select_n3A_63, %reduce_min3A_64 [1] : vector<512x16xi32> to vector<512xi32>
    %broadcast_in_dim3A_66 = vector.shape_cast %reduce_min3A_65 : vector<512xi32> to vector<512x1xi32>
    %eq3A_67 = vector.broadcast %broadcast_in_dim3A_66 : vector<512x1xi32> to vector<512x16xi32>
    %eq3A_68 = arith.cmpi eq, %iota3A, %eq3A_67 : vector<512x16xi32>
    %or3A_69 = arith.ori %or3A_52, %eq3A_68 : vector<512x16xi1>
    %reduce_max3A_70 = arith.constant dense<0xFF800000> : vector<512xf32>
    %reduce_max3A_71 = vector.multi_reduction <maximumf>, %add3A_9, %reduce_max3A_70 [1] : vector<512x16xf32> to vector<512xf32>
    %broadcast_in_dim3A_72 = vector.shape_cast %reduce_max3A_71 : vector<512xf32> to vector<512x1xf32>
    %sub3A = vector.broadcast %broadcast_in_dim3A_72 : vector<512x1xf32> to vector<512x16xf32>
    %sub3A_73 = arith.subf %add3A_9, %sub3A : vector<512x16xf32>
    %exp3A = math.exp %sub3A_73 : vector<512x16xf32>
    %jit3A_74 = arith.constant 0.000000e+00 : f32
    %broadcast_in_dim3A_75 = vector.broadcast %jit3A_74 : f32 to vector<512x16xf32>
    %select_n3A_76 = arith.select %or3A_69, %exp3A, %broadcast_in_dim3A_75 : vector<512x16xi1>, vector<512x16xf32>
    %reduce_sum3A = arith.constant dense<0.000000e+00> : vector<512xf32>
    %reduce_sum3A_77 = vector.multi_reduction <add>, %select_n3A_76, %reduce_sum3A [1] : vector<512x16xf32> to vector<512xf32>
    %broadcast_in_dim3A_78 = vector.shape_cast %reduce_sum3A_77 : vector<512xf32> to vector<512x1xf32>
    %div3A = vector.broadcast %broadcast_in_dim3A_78 : vector<512x1xf32> to vector<512x16xf32>
    %div3A_79 = arith.divf %select_n3A_76, %div3A : vector<512x16xf32>
    %swap3A = arith.constant 0 : index
    %swap3A_80 = arith.constant 0 : index
    %swap3A_81 = vector.load %arg5[%swap3A, %swap3A_80] : memref<512x16xf32, #tpu.memory_space<vmem>>, vector<512x16xf32>
    tpu.vector_store %arg5[%swap3A, %swap3A_80], %div3A_79 {strides = array<i32>} : memref<512x16xf32, #tpu.memory_space<vmem>>, vector<512x16xf32>,
    %convert_element_type3A = arith.extui %or3A_69 : vector<512x16xi1> to vector<512x16xi32>
    %convert_element_type3A_82 = arith.sitofp %convert_element_type3A : vector<512x16xi32> to vector<512x16xf32>
    %get3A_83 = arith.constant 0 : index
    %get3A_84 = arith.constant 0 : index
    %get3A_85 = vector.load %arg4[%get3A_83, %get3A_84] : memref<16x16xf32, #tpu.memory_space<vmem>>, vector<16x16xf32>
    %dot_general3A_86 = arith.constant dense<0.000000e+00> : vector<512x16xf32>
    %dot_general3A_87 = tpu.matmul %convert_element_type3A_82, %get3A_85, %dot_general3A_86 {dimension_numbers = #tpu.dot_dimension_numbers<[1], [0], [0], [1], [0, 0, 1, 1], [], []>, transpose_lhs_hint = false} : vector<512x16xf32>, vector<16x16xf32>, vector<512x16xf32> -> vector<512x16xf32>
    %eq3A_88 = arith.constant 1.000000e+00 : f32
    %eq3A_89 = vector.broadcast %eq3A_88 : f32 to vector<512x16xf32>
    %eq3A_90 = arith.cmpf oeq, %dot_general3A_87, %eq3A_89 : vector<512x16xf32>
    %and3A = arith.andi %or3A_69, %eq3A_90 : vector<512x16xi1>
    %jit3A_91 = arith.constant 0.000000e+00 : f32
    %broadcast_in_dim3A_92 = vector.broadcast %jit3A_91 : f32 to vector<512x16xf32>
    %select_n3A_93 = arith.select %and3A, %select_n3A_76, %broadcast_in_dim3A_92 : vector<512x16xi1>, vector<512x16xf32>
    %reduce_sum3A_94 = arith.constant dense<0.000000e+00> : vector<512xf32>
    %reduce_sum3A_95 = vector.multi_reduction <add>, %select_n3A_93, %reduce_sum3A_94 [1] : vector<512x16xf32> to vector<512xf32>
    %broadcast_in_dim3A_96 = vector.shape_cast %reduce_sum3A_95 : vector<512xf32> to vector<512x1xf32>
    %div3A_97 = arith.divf %broadcast_in_dim3A_96, %broadcast_in_dim3A_78 : vector<512x1xf32>
    %eq3A_98 = arith.constant 2.000000e+00 : f32
    %eq3A_99 = vector.broadcast %eq3A_98 : f32 to vector<512x16xf32>
    %eq3A_100 = arith.cmpf oeq, %dot_general3A_87, %eq3A_99 : vector<512x16xf32>
    %and3A_101 = arith.andi %or3A_69, %eq3A_100 : vector<512x16xi1>
    %jit3A_102 = arith.constant 0.000000e+00 : f32
    %broadcast_in_dim3A_103 = vector.broadcast %jit3A_102 : f32 to vector<512x16xf32>
    %select_n3A_104 = arith.select %and3A_101, %select_n3A_76, %broadcast_in_dim3A_103 : vector<512x16xi1>, vector<512x16xf32>
    %reduce_sum3A_105 = arith.constant dense<0.000000e+00> : vector<512xf32>
    %reduce_sum3A_106 = vector.multi_reduction <add>, %select_n3A_104, %reduce_sum3A_105 [1] : vector<512x16xf32> to vector<512xf32>
    %broadcast_in_dim3A_107 = vector.shape_cast %reduce_sum3A_106 : vector<512xf32> to vector<512x1xf32>
    %div3A_108 = arith.divf %broadcast_in_dim3A_107, %broadcast_in_dim3A_78 : vector<512x1xf32>
    %eq3A_109 = arith.constant 3.000000e+00 : f32
    %eq3A_110 = vector.broadcast %eq3A_109 : f32 to vector<512x16xf32>
    %eq3A_111 = arith.cmpf oeq, %dot_general3A_87, %eq3A_110 : vector<512x16xf32>
    %and3A_112 = arith.andi %or3A_69, %eq3A_111 : vector<512x16xi1>
    %jit3A_113 = arith.constant 0.000000e+00 : f32
    %broadcast_in_dim3A_114 = vector.broadcast %jit3A_113 : f32 to vector<512x16xf32>
    %select_n3A_115 = arith.select %and3A_112, %select_n3A_76, %broadcast_in_dim3A_114 : vector<512x16xi1>, vector<512x16xf32>
    %reduce_sum3A_116 = arith.constant dense<0.000000e+00> : vector<512xf32>
    %reduce_sum3A_117 = vector.multi_reduction <add>, %select_n3A_115, %reduce_sum3A_116 [1] : vector<512x16xf32> to vector<512xf32>
    %broadcast_in_dim3A_118 = vector.shape_cast %reduce_sum3A_117 : vector<512xf32> to vector<512x1xf32>
    %div3A_119 = arith.divf %broadcast_in_dim3A_118, %broadcast_in_dim3A_78 : vector<512x1xf32>
    %eq3A_120 = arith.constant 4.000000e+00 : f32
    %eq3A_121 = vector.broadcast %eq3A_120 : f32 to vector<512x16xf32>
    %eq3A_122 = arith.cmpf oeq, %dot_general3A_87, %eq3A_121 : vector<512x16xf32>
    %and3A_123 = arith.andi %or3A_69, %eq3A_122 : vector<512x16xi1>
    %jit3A_124 = arith.constant 0.000000e+00 : f32
    %broadcast_in_dim3A_125 = vector.broadcast %jit3A_124 : f32 to vector<512x16xf32>
    %select_n3A_126 = arith.select %and3A_123, %select_n3A_76, %broadcast_in_dim3A_125 : vector<512x16xi1>, vector<512x16xf32>
    %reduce_sum3A_127 = arith.constant dense<0.000000e+00> : vector<512xf32>
    %reduce_sum3A_128 = vector.multi_reduction <add>, %select_n3A_126, %reduce_sum3A_127 [1] : vector<512x16xf32> to vector<512xf32>
    %broadcast_in_dim3A_129 = vector.shape_cast %reduce_sum3A_128 : vector<512xf32> to vector<512x1xf32>
    %div3A_130 = arith.divf %broadcast_in_dim3A_129, %broadcast_in_dim3A_78 : vector<512x1xf32>
    %broadcast_in_dim3A_131 = arith.constant 0.000000e+00 : f32
    %broadcast_in_dim3A_132 = vector.broadcast %broadcast_in_dim3A_131 : f32 to vector<512x1xf32>
    %concatenate3A = tpu.concatenate %div3A_97, %div3A_108, %div3A_119, %div3A_130, %broadcast_in_dim3A_132, %broadcast_in_dim3A_132, %broadcast_in_dim3A_132, %broadcast_in_dim3A_132 in 1 : vector<512x1xf32>, vector<512x1xf32>, vector<512x1xf32>, vector<512x1xf32>, vector<512x1xf32>, vector<512x1xf32>, vector<512x1xf32>, vector<512x1xf32> -> vector<512x8xf32>
    %swap3A_133 = arith.constant 0 : index
    %swap3A_134 = arith.constant 0 : index
    %swap3A_135 = vector.load %arg6[%swap3A_133, %swap3A_134] : memref<512x8xf32, #tpu.memory_space<vmem>>, vector<512x8xf32>
    tpu.vector_store %arg6[%swap3A_133, %swap3A_134], %concatenate3A {strides = array<i32>} : memref<512x8xf32, #tpu.memory_space<vmem>>, vector<512x8xf32>,
    return
  }
  func.func @transform_0(%arg0: i32) -> (i32, i32) {
    %c0_i32 = arith.constant 0 : i32
    %c0_i32_0 = arith.constant 0 : i32
    return %arg0, %c0_i32 : i32, i32
  }
  func.func @transform_1(%arg0: i32) -> (i32, i32) {
    %c0_i32 = arith.constant 0 : i32
    %c0_i32_0 = arith.constant 0 : i32
    %c0_i32_1 = arith.constant 0 : i32
    return %c0_i32, %c0_i32_0 : i32, i32
  }
  func.func @transform_2(%arg0: i32) -> (i32, i32) {
    %c0_i32 = arith.constant 0 : i32
    %c0_i32_0 = arith.constant 0 : i32
    %c0_i32_1 = arith.constant 0 : i32
    return %c0_i32, %c0_i32_0 : i32, i32
  }
  func.func @transform_3(%arg0: i32) -> (i32, i32) {
    %c0_i32 = arith.constant 0 : i32
    %c0_i32_0 = arith.constant 0 : i32
    %c0_i32_1 = arith.constant 0 : i32
    return %c0_i32, %c0_i32_0 : i32, i32
  }
  func.func @transform_4(%arg0: i32) -> (i32, i32) {
    %c0_i32 = arith.constant 0 : i32
    %c0_i32_0 = arith.constant 0 : i32
    return %arg0, %c0_i32 : i32, i32
  }
  func.func @transform_5(%arg0: i32) -> (i32, i32) {
    %c0_i32 = arith.constant 0 : i32
    %c0_i32_0 = arith.constant 0 : i32
    return %arg0, %c0_i32 : i32, i32
  }
}

module attributes {stable_mosaic.version = 14 : i64} {
  func.func @_expert_body(%arg0: i32, %arg1: memref<144xi32, #tpu.memory_space<smem>>, %arg2: memref<256x512xf32, #tpu.memory_space<vmem>>, %arg3: memref<1x512x1365xbf16, #tpu.memory_space<vmem>>, %arg4: memref<1x512x1365xbf16, #tpu.memory_space<vmem>>, %arg5: memref<1x1365x512xbf16, #tpu.memory_space<vmem>>, %arg6: memref<256x512xf32, #tpu.memory_space<vmem>>) attributes {dimension_semantics = [#tpu.dimension_semantics<arbitrary>], iteration_bounds = array<i64: 144>, scalar_prefetch = 1 : i64, scratch_operands = 0 : i64, tpu.core_type = #tpu.core_type<tc>, window_params = [{transform_indices = @transform_0, window_bounds = array<i64: 256, 512>}, {transform_indices = @transform_1, window_bounds = array<i64: 1, 512, 1365>}, {transform_indices = @transform_2, window_bounds = array<i64: 1, 512, 1365>}, {transform_indices = @transform_3, window_bounds = array<i64: 1, 1365, 512>}, {transform_indices = @transform_4, window_bounds = array<i64: 256, 512>}]} {
    %get3A = arith.constant 0 : index
    %get3A_0 = arith.constant 0 : index
    %get3A_1 = vector.load %arg2[%get3A, %get3A_0] : memref<256x512xf32, #tpu.memory_space<vmem>>, vector<256x512xf32>
    %convert_element_type3A = arith.truncf %get3A_1 : vector<256x512xf32> to vector<256x512xbf16>
    %get3A_2 = arith.constant 0 : index
    %get3A_3 = arith.constant 0 : index
    %get3A_4 = arith.constant 0 : index
    %get3A_5 = vector.load %arg3[%get3A_2, %get3A_3, %get3A_4] : memref<1x512x1365xbf16, #tpu.memory_space<vmem>>, vector<1x512x1365xbf16>
    %get3A_6 = vector.shape_cast %get3A_5 : vector<1x512x1365xbf16> to vector<512x1365xbf16>
    %dot_general3A = arith.constant dense<0.000000e+00> : vector<256x1365xf32>
    %dot_general3A_7 = tpu.matmul %convert_element_type3A, %get3A_6, %dot_general3A {dimension_numbers = #tpu.dot_dimension_numbers<[1], [0], [0], [1], [0, 0, 1, 1], [], []>, transpose_lhs_hint = false} : vector<256x512xbf16>, vector<512x1365xbf16>, vector<256x1365xf32> -> vector<256x1365xf32>
    %logistic3A = arith.negf %dot_general3A_7 : vector<256x1365xf32>
    %logistic3A_8 = math.exp %logistic3A : vector<256x1365xf32>
    %logistic3A_9 = arith.constant 1.000000e+00 : f32
    %logistic3A_10 = vector.broadcast %logistic3A_9 : f32 to vector<256x1365xf32>
    %logistic3A_11 = arith.addf %logistic3A_10, %logistic3A_8 : vector<256x1365xf32>
    %logistic3A_12 = arith.divf %logistic3A_10, %logistic3A_11 : vector<256x1365xf32>
    %mul3A = arith.mulf %dot_general3A_7, %logistic3A_12 : vector<256x1365xf32>
    %get3A_13 = arith.constant 0 : index
    %get3A_14 = arith.constant 0 : index
    %get3A_15 = arith.constant 0 : index
    %get3A_16 = vector.load %arg4[%get3A_13, %get3A_14, %get3A_15] : memref<1x512x1365xbf16, #tpu.memory_space<vmem>>, vector<1x512x1365xbf16>
    %get3A_17 = vector.shape_cast %get3A_16 : vector<1x512x1365xbf16> to vector<512x1365xbf16>
    %dot_general3A_18 = arith.constant dense<0.000000e+00> : vector<256x1365xf32>
    %dot_general3A_19 = tpu.matmul %convert_element_type3A, %get3A_17, %dot_general3A_18 {dimension_numbers = #tpu.dot_dimension_numbers<[1], [0], [0], [1], [0, 0, 1, 1], [], []>, transpose_lhs_hint = false} : vector<256x512xbf16>, vector<512x1365xbf16>, vector<256x1365xf32> -> vector<256x1365xf32>
    %mul3A_20 = arith.mulf %mul3A, %dot_general3A_19 : vector<256x1365xf32>
    %convert_element_type3A_21 = arith.truncf %mul3A_20 : vector<256x1365xf32> to vector<256x1365xbf16>
    %get3A_22 = arith.constant 0 : index
    %get3A_23 = arith.constant 0 : index
    %get3A_24 = arith.constant 0 : index
    %get3A_25 = vector.load %arg5[%get3A_22, %get3A_23, %get3A_24] : memref<1x1365x512xbf16, #tpu.memory_space<vmem>>, vector<1x1365x512xbf16>
    %get3A_26 = vector.shape_cast %get3A_25 : vector<1x1365x512xbf16> to vector<1365x512xbf16>
    %dot_general3A_27 = arith.constant dense<0.000000e+00> : vector<256x512xf32>
    %dot_general3A_28 = tpu.matmul %convert_element_type3A_21, %get3A_26, %dot_general3A_27 {dimension_numbers = #tpu.dot_dimension_numbers<[1], [0], [0], [1], [0, 0, 1, 1], [], []>, transpose_lhs_hint = false} : vector<256x1365xbf16>, vector<1365x512xbf16>, vector<256x512xf32> -> vector<256x512xf32>
    %swap3A = arith.constant 0 : index
    %swap3A_29 = arith.constant 0 : index
    %swap3A_30 = vector.load %arg6[%swap3A, %swap3A_29] : memref<256x512xf32, #tpu.memory_space<vmem>>, vector<256x512xf32>
    tpu.vector_store %arg6[%swap3A, %swap3A_29], %dot_general3A_28 {strides = array<i32>} : memref<256x512xf32, #tpu.memory_space<vmem>>, vector<256x512xf32>,
    return
  }
  func.func @transform_0(%arg0: i32, %arg1: memref<144xi32, #tpu.memory_space<smem>>) -> (i32, i32) {
    %c0_i32 = arith.constant 0 : i32
    %c0_i32_0 = arith.constant 0 : i32
    return %arg0, %c0_i32 : i32, i32
  }
  func.func @transform_1(%arg0: i32, %arg1: memref<144xi32, #tpu.memory_space<smem>>) -> (i32, i32, i32) {
    %get3A = arith.index_cast %arg0 : i32 to index
    %get3A_0 = memref.load %arg1[%get3A] : memref<144xi32, #tpu.memory_space<smem>>
    %c0_i32 = arith.constant 0 : i32
    %c0_i32_1 = arith.constant 0 : i32
    %c0_i32_2 = arith.constant 0 : i32
    return %get3A_0, %c0_i32, %c0_i32_1 : i32, i32, i32
  }
  func.func @transform_2(%arg0: i32, %arg1: memref<144xi32, #tpu.memory_space<smem>>) -> (i32, i32, i32) {
    %get3A = arith.index_cast %arg0 : i32 to index
    %get3A_0 = memref.load %arg1[%get3A] : memref<144xi32, #tpu.memory_space<smem>>
    %c0_i32 = arith.constant 0 : i32
    %c0_i32_1 = arith.constant 0 : i32
    %c0_i32_2 = arith.constant 0 : i32
    return %get3A_0, %c0_i32, %c0_i32_1 : i32, i32, i32
  }
  func.func @transform_3(%arg0: i32, %arg1: memref<144xi32, #tpu.memory_space<smem>>) -> (i32, i32, i32) {
    %get3A = arith.index_cast %arg0 : i32 to index
    %get3A_0 = memref.load %arg1[%get3A] : memref<144xi32, #tpu.memory_space<smem>>
    %c0_i32 = arith.constant 0 : i32
    %c0_i32_1 = arith.constant 0 : i32
    %c0_i32_2 = arith.constant 0 : i32
    return %get3A_0, %c0_i32, %c0_i32_1 : i32, i32, i32
  }
  func.func @transform_4(%arg0: i32, %arg1: memref<144xi32, #tpu.memory_space<smem>>) -> (i32, i32) {
    %c0_i32 = arith.constant 0 : i32
    %c0_i32_0 = arith.constant 0 : i32
    return %arg0, %c0_i32 : i32, i32
  }
}

module attributes {stable_mosaic.version = 14 : i64} {
  func.func @_shared_body(%arg0: i32, %arg1: memref<256x512xf32, #tpu.memory_space<vmem>>, %arg2: memref<512x1365xbf16, #tpu.memory_space<vmem>>, %arg3: memref<512x1365xbf16, #tpu.memory_space<vmem>>, %arg4: memref<1365x512xbf16, #tpu.memory_space<vmem>>, %arg5: memref<256x512xf32, #tpu.memory_space<vmem>>) attributes {dimension_semantics = [#tpu.dimension_semantics<arbitrary>], iteration_bounds = array<i64: 32>, scalar_prefetch = 0 : i64, scratch_operands = 0 : i64, tpu.core_type = #tpu.core_type<tc>, window_params = [{transform_indices = @transform_0, window_bounds = array<i64: 256, 512>}, {pipeline_mode = #tpu.pipeline_mode<synchronous>, transform_indices = @transform_1, window_bounds = array<i64: 512, 1365>}, {pipeline_mode = #tpu.pipeline_mode<synchronous>, transform_indices = @transform_2, window_bounds = array<i64: 512, 1365>}, {pipeline_mode = #tpu.pipeline_mode<synchronous>, transform_indices = @transform_3, window_bounds = array<i64: 1365, 512>}, {transform_indices = @transform_4, window_bounds = array<i64: 256, 512>}]} {
    %get3A = arith.constant 0 : index
    %get3A_0 = arith.constant 0 : index
    %get3A_1 = vector.load %arg1[%get3A, %get3A_0] : memref<256x512xf32, #tpu.memory_space<vmem>>, vector<256x512xf32>
    %convert_element_type3A = arith.truncf %get3A_1 : vector<256x512xf32> to vector<256x512xbf16>
    %get3A_2 = arith.constant 0 : index
    %get3A_3 = arith.constant 0 : index
    %get3A_4 = vector.load %arg2[%get3A_2, %get3A_3] : memref<512x1365xbf16, #tpu.memory_space<vmem>>, vector<512x1365xbf16>
    %dot_general3A = arith.constant dense<0.000000e+00> : vector<256x1365xf32>
    %dot_general3A_5 = tpu.matmul %convert_element_type3A, %get3A_4, %dot_general3A {dimension_numbers = #tpu.dot_dimension_numbers<[1], [0], [0], [1], [0, 0, 1, 1], [], []>, transpose_lhs_hint = false} : vector<256x512xbf16>, vector<512x1365xbf16>, vector<256x1365xf32> -> vector<256x1365xf32>
    %logistic3A = arith.negf %dot_general3A_5 : vector<256x1365xf32>
    %logistic3A_6 = math.exp %logistic3A : vector<256x1365xf32>
    %logistic3A_7 = arith.constant 1.000000e+00 : f32
    %logistic3A_8 = vector.broadcast %logistic3A_7 : f32 to vector<256x1365xf32>
    %logistic3A_9 = arith.addf %logistic3A_8, %logistic3A_6 : vector<256x1365xf32>
    %logistic3A_10 = arith.divf %logistic3A_8, %logistic3A_9 : vector<256x1365xf32>
    %mul3A = arith.mulf %dot_general3A_5, %logistic3A_10 : vector<256x1365xf32>
    %get3A_11 = arith.constant 0 : index
    %get3A_12 = arith.constant 0 : index
    %get3A_13 = vector.load %arg3[%get3A_11, %get3A_12] : memref<512x1365xbf16, #tpu.memory_space<vmem>>, vector<512x1365xbf16>
    %dot_general3A_14 = arith.constant dense<0.000000e+00> : vector<256x1365xf32>
    %dot_general3A_15 = tpu.matmul %convert_element_type3A, %get3A_13, %dot_general3A_14 {dimension_numbers = #tpu.dot_dimension_numbers<[1], [0], [0], [1], [0, 0, 1, 1], [], []>, transpose_lhs_hint = false} : vector<256x512xbf16>, vector<512x1365xbf16>, vector<256x1365xf32> -> vector<256x1365xf32>
    %mul3A_16 = arith.mulf %mul3A, %dot_general3A_15 : vector<256x1365xf32>
    %convert_element_type3A_17 = arith.truncf %mul3A_16 : vector<256x1365xf32> to vector<256x1365xbf16>
    %get3A_18 = arith.constant 0 : index
    %get3A_19 = arith.constant 0 : index
    %get3A_20 = vector.load %arg4[%get3A_18, %get3A_19] : memref<1365x512xbf16, #tpu.memory_space<vmem>>, vector<1365x512xbf16>
    %dot_general3A_21 = arith.constant dense<0.000000e+00> : vector<256x512xf32>
    %dot_general3A_22 = tpu.matmul %convert_element_type3A_17, %get3A_20, %dot_general3A_21 {dimension_numbers = #tpu.dot_dimension_numbers<[1], [0], [0], [1], [0, 0, 1, 1], [], []>, transpose_lhs_hint = false} : vector<256x1365xbf16>, vector<1365x512xbf16>, vector<256x512xf32> -> vector<256x512xf32>
    %swap3A = arith.constant 0 : index
    %swap3A_23 = arith.constant 0 : index
    %swap3A_24 = vector.load %arg5[%swap3A, %swap3A_23] : memref<256x512xf32, #tpu.memory_space<vmem>>, vector<256x512xf32>
    tpu.vector_store %arg5[%swap3A, %swap3A_23], %dot_general3A_22 {strides = array<i32>} : memref<256x512xf32, #tpu.memory_space<vmem>>, vector<256x512xf32>,
    return
  }
  func.func @transform_0(%arg0: i32) -> (i32, i32) {
    %c0_i32 = arith.constant 0 : i32
    %c0_i32_0 = arith.constant 0 : i32
    return %arg0, %c0_i32 : i32, i32
  }
  func.func @transform_1(%arg0: i32) -> (i32, i32) {
    %c0_i32 = arith.constant 0 : i32
    %c0_i32_0 = arith.constant 0 : i32
    %c0_i32_1 = arith.constant 0 : i32
    return %c0_i32, %c0_i32_0 : i32, i32
  }
  func.func @transform_2(%arg0: i32) -> (i32, i32) {
    %c0_i32 = arith.constant 0 : i32
    %c0_i32_0 = arith.constant 0 : i32
    %c0_i32_1 = arith.constant 0 : i32
    return %c0_i32, %c0_i32_0 : i32, i32
  }
  func.func @transform_3(%arg0: i32) -> (i32, i32) {
    %c0_i32 = arith.constant 0 : i32
    %c0_i32_0 = arith.constant 0 : i32
    %c0_i32_1 = arith.constant 0 : i32
    return %c0_i32, %c0_i32_0 : i32, i32
  }
  func.func @transform_4(%arg0: i32) -> (i32, i32) {
    %c0_i32 = arith.constant 0 : i32
    %c0_i32_0 = arith.constant 0 : i32
    return %arg0, %c0_i32 : i32, i32
  }
}

module attributes {stable_mosaic.version = 14 : i64} {
  func.func @_combine_body(%arg0: i32, %arg1: memref<4x512x512xf32, #tpu.memory_space<vmem>>, %arg2: memref<512x512xf32, #tpu.memory_space<vmem>>, %arg3: memref<512x8xf32, #tpu.memory_space<vmem>>, %arg4: memref<512x512xf32, #tpu.memory_space<vmem>>) attributes {dimension_semantics = [#tpu.dimension_semantics<arbitrary>], iteration_bounds = array<i64: 16>, scalar_prefetch = 0 : i64, scratch_operands = 0 : i64, tpu.core_type = #tpu.core_type<tc>, window_params = [{transform_indices = @transform_0, window_bounds = array<i64: 4, 512, 512>}, {transform_indices = @transform_1, window_bounds = array<i64: 512, 512>}, {transform_indices = @transform_2, window_bounds = array<i64: 512, 8>}, {transform_indices = @transform_3, window_bounds = array<i64: 512, 512>}]} {
    %get3A = arith.constant 0 : index
    %get3A_0 = arith.constant 0 : index
    %get3A_1 = arith.constant 0 : index
    %get3A_2 = vector.load %arg1[%get3A, %get3A_0, %get3A_1] : memref<4x512x512xf32, #tpu.memory_space<vmem>>, vector<4x512x512xf32>
    %get3A_3 = arith.constant 0 : index
    %get3A_4 = arith.constant 0 : index
    %get3A_5 = vector.load %arg3[%get3A_3, %get3A_4] : memref<512x8xf32, #tpu.memory_space<vmem>>, vector<512x8xf32>
    %get3A_6 = arith.constant 0 : index
    %get3A_7 = arith.constant 0 : index
    %get3A_8 = vector.load %arg2[%get3A_6, %get3A_7] : memref<512x512xf32, #tpu.memory_space<vmem>>, vector<512x512xf32>
    %slice3A = vector.extract_strided_slice %get3A_2 {offsets = [0, 0, 0], sizes = [1, 512, 512], strides = [1, 1, 1]} : vector<4x512x512xf32> to vector<1x512x512xf32>
    %squeeze3A = vector.shape_cast %slice3A : vector<1x512x512xf32> to vector<512x512xf32>
    %slice3A_9 = vector.extract_strided_slice %get3A_5 {offsets = [0, 0], sizes = [512, 1], strides = [1, 1]} : vector<512x8xf32> to vector<512x1xf32>
    %mul3A = vector.broadcast %slice3A_9 : vector<512x1xf32> to vector<512x512xf32>
    %mul3A_10 = arith.mulf %squeeze3A, %mul3A : vector<512x512xf32>
    %add3A = arith.addf %get3A_8, %mul3A_10 : vector<512x512xf32>
    %slice3A_11 = vector.extract_strided_slice %get3A_2 {offsets = [1, 0, 0], sizes = [1, 512, 512], strides = [1, 1, 1]} : vector<4x512x512xf32> to vector<1x512x512xf32>
    %squeeze3A_12 = vector.shape_cast %slice3A_11 : vector<1x512x512xf32> to vector<512x512xf32>
    %slice3A_13 = vector.extract_strided_slice %get3A_5 {offsets = [0, 1], sizes = [512, 1], strides = [1, 1]} : vector<512x8xf32> to vector<512x1xf32>
    %mul3A_14 = vector.broadcast %slice3A_13 : vector<512x1xf32> to vector<512x512xf32>
    %mul3A_15 = arith.mulf %squeeze3A_12, %mul3A_14 : vector<512x512xf32>
    %add3A_16 = arith.addf %add3A, %mul3A_15 : vector<512x512xf32>
    %slice3A_17 = vector.extract_strided_slice %get3A_2 {offsets = [2, 0, 0], sizes = [1, 512, 512], strides = [1, 1, 1]} : vector<4x512x512xf32> to vector<1x512x512xf32>
    %squeeze3A_18 = vector.shape_cast %slice3A_17 : vector<1x512x512xf32> to vector<512x512xf32>
    %slice3A_19 = vector.extract_strided_slice %get3A_5 {offsets = [0, 2], sizes = [512, 1], strides = [1, 1]} : vector<512x8xf32> to vector<512x1xf32>
    %mul3A_20 = vector.broadcast %slice3A_19 : vector<512x1xf32> to vector<512x512xf32>
    %mul3A_21 = arith.mulf %squeeze3A_18, %mul3A_20 : vector<512x512xf32>
    %add3A_22 = arith.addf %add3A_16, %mul3A_21 : vector<512x512xf32>
    %slice3A_23 = vector.extract_strided_slice %get3A_2 {offsets = [3, 0, 0], sizes = [1, 512, 512], strides = [1, 1, 1]} : vector<4x512x512xf32> to vector<1x512x512xf32>
    %squeeze3A_24 = vector.shape_cast %slice3A_23 : vector<1x512x512xf32> to vector<512x512xf32>
    %slice3A_25 = vector.extract_strided_slice %get3A_5 {offsets = [0, 3], sizes = [512, 1], strides = [1, 1]} : vector<512x8xf32> to vector<512x1xf32>
    %mul3A_26 = vector.broadcast %slice3A_25 : vector<512x1xf32> to vector<512x512xf32>
    %mul3A_27 = arith.mulf %squeeze3A_24, %mul3A_26 : vector<512x512xf32>
    %add3A_28 = arith.addf %add3A_22, %mul3A_27 : vector<512x512xf32>
    %swap3A = arith.constant 0 : index
    %swap3A_29 = arith.constant 0 : index
    %swap3A_30 = vector.load %arg4[%swap3A, %swap3A_29] : memref<512x512xf32, #tpu.memory_space<vmem>>, vector<512x512xf32>
    tpu.vector_store %arg4[%swap3A, %swap3A_29], %add3A_28 {strides = array<i32>} : memref<512x512xf32, #tpu.memory_space<vmem>>, vector<512x512xf32>,
    return
  }
  func.func @transform_0(%arg0: i32) -> (i32, i32, i32) {
    %c0_i32 = arith.constant 0 : i32
    %c0_i32_0 = arith.constant 0 : i32
    %c0_i32_1 = arith.constant 0 : i32
    return %c0_i32, %arg0, %c0_i32_0 : i32, i32, i32
  }
  func.func @transform_1(%arg0: i32) -> (i32, i32) {
    %c0_i32 = arith.constant 0 : i32
    %c0_i32_0 = arith.constant 0 : i32
    return %arg0, %c0_i32 : i32, i32
  }
  func.func @transform_2(%arg0: i32) -> (i32, i32) {
    %c0_i32 = arith.constant 0 : i32
    %c0_i32_0 = arith.constant 0 : i32
    return %arg0, %c0_i32 : i32, i32
  }
  func.func @transform_3(%arg0: i32) -> (i32, i32) {
    %c0_i32 = arith.constant 0 : i32
    %c0_i32_0 = arith.constant 0 : i32
    return %arg0, %c0_i32 : i32, i32
  }
}

</mosaic_0001>

<sc_bundles>
// kernel: kernel.11.cloned.1.call-start
scs
__scs_entry_jumppad:
0x0: {  	(pc) =	sbr.rel $0x88, $3  }
0x1: {  	(tag) =	ssettag $0x0;
	lr =	simm.s32 $0x1  }
0x2: {  	[smem:$0x3F98] =	sst lr;
	_ =	strace $0xD0000000  }
0x3: {  	_ = 	snop  }
0x4: {  	_ = 	snop  }
0x5: {  	_ = 	snop  }
0x6: {  	_ = 	snop  }
0x7: {  	_ = 	snop  }
__scs_overlays_trampoline_lowered:
0x8: {  	[smem:$0x3FA7] =	sst s0  }
0x9: {  	[smem:$0x3FA8] =	sst s1  }
0xa: {  	[smem:$0x3FA9] =	sst s2  }
0xb: {  	[smem:$0x3FAA] =	sst s3  }
0xc: {  	[smem:$0x3FAB] =	sst s4  }
0xd: {  	[smem:$0x3FAC] =	sst s5  }
0xe: {  	[smem:$0x3FAD] =	sst s6  }
0xf: {  	[smem:$0x3FAE] =	sst s7  }
0x10: {  	[smem:$0x3FAF] =	sst s8  }
0x11: {  	[smem:$0x3FB0] =	sst s9;
	s0 =	simm.s32 @!p0 $0x0  }
0x12: {  	s1 =	sld [smem:$0x3F96];
	s0 =	simm.s32 @p0 $0x1  }
0x13: {  	[smem:$0x3FB1] =	sst s0;
	s0 =	simm.s32 @!p1 $0x0  }
0x14: {  	s2 =	sld [smem:$0x3F95];
	s0 =	simm.s32 @p1 $0x1  }
0x15: {  	[smem:$0x3FB2] =	sst s0;
	s0 =	simm.s32 @!p2 $0x0  }
0x16: {  	s3 =	sld [smem:$0x3FDB];
	s0 =	simm.s32 @p2 $0x1  }
0x17: {  	s4 =	simm.s32 $0x1BF5;
	[smem:$0x3FB4] =	sst s0  }
0x18: {  	s0 =	sld [smem:$0x3F97];
	_ =	swait.ge [sflag:s4], $0x0  }
0x19: {  	s7 =	sld [smem:$0x3F98]  }
0x1a: {  	s8 =	sadd.s32 $0xFFFFE003, lr  }
0x1b: {  	s9 =	sadd.s32 $0xFFFFFEF7, lr;
	s5 =	simm.s32 $0xFFFFFFFF;
	p2 =	slt.u32 s8, $0xFFFFF086  }
0x1c: {  	p1 =	slt.u32 s9, $0xF7A;
	s5 =	simm.s32 @!p2 $0x0  }
0x1d: {  	s5 =	simm.s32 @p1 $0x1;
	p0 =	seq.s32 s7, s2  }
0x1e: {  	s7 =	smul.u32 @!p0 $0xF7A, s2;
	p2 =	seq.s32 @!p0 s5, $0x0  }
0x1f: {  	s9 =	smul.u32 $0xF7A, s1;
	s8 =	simm.s32 @!p0 $0x1BF5;
	p2 =	por !p2, p0  }
0x20: {  	[sflag:s8] =	ssyncset.s32 @!p0 $0xFFFFF086;
	s6 =	sadd.s32 @!p0 s3, s7;
	s7 =	simm.s32 @!p0 $0x108  }
0x21: {  	s3 =	sadd.s32 s3, s9;
	s6 =	sadd.s32 @!p0 $0x88, s6;
	s7 =	simm.s32 @p2 $0x1082  }
0x22: {  	[simem:s7], [sflag:s8] =	dma.local @!p0 [hbm:s6], $0xF7A  }
0x23: {  	s9 =	sor.u32 $0xD0000000, s2;
	s6 =	simm.s32 $0x108;
	_ =	swait.ge @!p0 [sflag:s8], $0x0  }
0x24: {  	s3 =	sadd.s32 $0x88, s3;
	s6 =	simm.s32 @!p1 $0x1082;
	[sflag:s4] =	ssyncset.s32 $0xFFFFF086  }
0x25: {  	[simem:s6], [sflag:s4] =	dma.local [hbm:s3], $0xF7A  }
0x26: {  	[smem:$0x3F98] =	sst s1;
	(tag) =	ssettag s2;
	_ =	strace s9  }
0x27: {  	s1 =	sld [smem:$0x3FA8]  }
0x28: {  	s2 =	sld [smem:$0x3FA9]  }
0x29: {  	s4 =	sld [smem:$0x3FAB]  }
0x2a: {  	p0 =	seq.s32 s5, $0x0;
	s5 =	sld [smem:$0x3FAC]  }
0x2b: {  	s6 =	sld [smem:$0x3FAD]  }
0x2c: {  	s7 =	sld [smem:$0x3FAE]  }
0x2d: {  	s3 =	simm.s32 $0x108;
	s8 =	sld [smem:$0x3FAF]  }
0x2e: {  	s3 =	simm.s32 @!p0 $0x1082;
	s9 =	sld [smem:$0x3FB0]  }
0x2f: {  	lr =	sadd.s32 s0, s3;
	s0 =	sld [smem:$0x3FA7]  }
0x30: {  	s3 =	sld [smem:$0x3FAA]  }
0x31: {  	[smem:$0x3FB3] =	sst s10  }
0x32: {  	s10 =	sld [smem:$0x3FB1];
	_ =	sdelay $0x3  }
0x33: {  	p0 =	seq.s32 s10, $0x1;
	s10 =	sld [smem:$0x3FB3];
	_ =	sdelay $0x3  }
0x34: {  	[smem:$0x3FB3] =	sst s10  }
0x35: {  	s10 =	sld [smem:$0x3FB2];
	_ =	sdelay $0x3  }
0x36: {  	p1 =	seq.s32 s10, $0x1;
	s10 =	sld [smem:$0x3FB3];
	_ =	sdelay $0x3  }
0x37: {  	[smem:$0x3FB3] =	sst s10  }
0x38: {  	s10 =	sld [smem:$0x3FB4]  }
0x39: {  	_ = 	snop;
	(pc) =	sbr.ind lr, $3  }
0x3a: {  	_ = 	snop  }
0x3b: {  	_ = 	snop  }
0x3c: {  	p2 =	seq.s32 s10, $0x1;
	s10 =	sld [smem:$0x3FB3]  }
0x3d: {  	_ =	shalt  }
0x3e: {  	_ =	shalt  }
0x3f: {  	_ =	shalt  }
0x40: {  	_ =	shalt  }
0x41: {  	_ =	shalt  }
0x42: {  	_ =	shalt  }
0x43: {  	_ =	shalt  }
0x44: {  	_ =	shalt  }
0x45: {  	_ =	shalt  }
0x46: {  	_ =	shalt  }
0x47: {  	_ =	shalt  }
0x48: {  	_ =	shalt  }
0x49: {  	_ =	shalt  }
0x4a: {  	_ =	shalt  }
0x4b: {  	_ =	shalt  }
0x4c: {  	_ =	shalt  }
0x4d: {  	_ =	shalt  }
0x4e: {  	_ =	shalt  }
0x4f: {  	_ =	shalt  }
0x50: {  	_ =	shalt  }
0x51: {  	_ =	shalt  }
0x52: {  	_ =	shalt  }
0x53: {  	_ =	shalt  }
0x54: {  	_ =	shalt  }
0x55: {  	_ =	shalt  }
0x56: {  	_ =	shalt  }
0x57: {  	_ =	shalt  }
0x58: {  	_ =	shalt  }
0x59: {  	_ =	shalt  }
0x5a: {  	_ =	shalt  }
0x5b: {  	_ =	shalt  }
0x5c: {  	_ =	shalt  }
0x5d: {  	_ =	shalt  }
0x5e: {  	_ =	shalt  }
0x5f: {  	_ =	shalt  }
0x60: {  	_ =	shalt  }
0x61: {  	_ =	shalt  }
0x62: {  	_ =	shalt  }
0x63: {  	_ =	shalt  }
0x64: {  	_ =	shalt  }
0x65: {  	_ =	shalt  }
0x66: {  	_ =	shalt  }
0x67: {  	_ =	shalt  }
0x68: {  	_ =	shalt  }
0x69: {  	_ =	shalt  }
0x6a: {  	_ =	shalt  }
0x6b: {  	_ =	shalt  }
0x6c: {  	_ =	shalt  }
0x6d: {  	_ =	shalt  }
0x6e: {  	_ =	shalt  }
0x6f: {  	_ =	shalt  }
0x70: {  	_ =	shalt  }
0x71: {  	_ =	shalt  }
0x72: {  	_ =	shalt  }
0x73: {  	_ =	shalt  }
0x74: {  	_ =	shalt  }
0x75: {  	_ =	shalt  }
0x76: {  	_ =	shalt  }
0x77: {  	_ =	shalt  }
0x78: {  	_ =	shalt  }
0x79: {  	_ =	shalt  }
0x7a: {  	_ =	shalt  }
0x7b: {  	_ =	shalt  }
0x7c: {  	_ =	shalt  }
0x7d: {  	_ =	shalt  }
0x7e: {  	_ =	shalt  }
0x7f: {  	_ =	shalt  }
0x80: {  	_ =	shalt  }
0x81: {  	_ =	shalt  }
0x82: {  	_ =	shalt  }
0x83: {  	_ =	shalt  }
0x84: {  	_ =	shalt  }
0x85: {  	_ =	shalt  }
0x86: {  	_ =	shalt  }
0x87: {  	_ =	shalt  }
.Lfunc_end0:
.L_simem_size_0:
called_computation.2_lowered:
.L_overlay_start_0:
0x88: {  	s2 =	sld [smem:$0x3FD9]  }
0x89: {  	s3 =	sld [smem:$0x3FFE];
	_ =	sdelay $0x1  }
0x8a: {  	s1 =	srdreg.scid  }
0x8b: {  	s0 =	sand.u32 $0x1, s1  }
0x8c: {  	s16 =	sshll.u32 s0, $0xA;
	s2 =	sadd.s32 s3, s2  }
0x8d: {  	s2 =	sadd.s32 s2, s16  }
0x8e: {  	[smem:$0x3FBF] =	sst s2  }
0x8f: {  	_ = 	snop  }
0x90: {  	(tm) =	ssettm $0x1  }
0x91: {  	s17 =	sld [smem:$0x3FFB];
	_ =	sdelay $0x3  }
0x92: {  	_ =	strace s17  }
0x93: {  	s2 =	sld [smem:$0x3FFC];
	_ =	sdelay $0x3  }
0x94: {  	_ =	strace s2  }
0x95: {  	s2 =	sld [smem:$0x3FFD];
	_ =	sdelay $0x3  }
0x96: {  	_ =	strace s2  }
0x97: {  	_ =	strace $0x8FFFFFFF  }
0x98: {  	s18 =	sld [smem:$0x3FDB];
	_ =	sdelay $0x1  }
0x99: {  	s19 =	simm.s32 $_scs_section_size  }
0x9a: {  	s4 =	simm.s32 $_size__tile_overlayer_lowered;
	s5 =	simm.s32 $_tile_overlayer_lowered  }
0x9b: {  	s22 =	simm.s32 $0x1BFF;
	s21 =	sshll.u32 s5, $0x1;
	s2 =	sadd.s32 s19, s18  }
0x9c: {  	s6 =	simm.s32 $0x0;
	s20 =	sshll.u32 s4, $0x1;
	s4 =	sadd.s32 s21, s2  }
0x9d: {  	[timem:s6], [sflag:s22] =	dma.local [hbm:s4], s20  }
0x9e: {  	_ =	swait.ge [sflag:s22], s20  }
0x9f: {  	s3 =	ssub.s32 $0x0, s20;
	[sflag:s22] =	ssyncset.done $0x0  }
0xa0: {  	[sflag:s22] =	ssyncadd.s32 s3;
	_ =	sdelay $0x1  }
0xa1: {  	s23 =	simm.s32 $0x1B8B  }
0xa2: {  	_ =	swait.ge [sflag:s23], $0x1  }
0xa3: {  	[sflag:s23] =	ssyncset.done $0x0  }
0xa4: {  	s25 =	simm.s32 $0x1B8E;
	s24 =	sld [smem:$0x3FFE];
	[sflag:s23] =	ssyncadd.s32 $0xFFFFFFFF  }
0xa5: {  	s26 =	simm.s32 $execute0_lowered;
	[smem:$0x3FD2] =	sst s25  }
0xa6: {  	s4 =	sshll.u32 s26, $0x1;
	_ =	strace $0x8000004C;
	[dreg:$0x1] =	wrdreg $0xFFFFFFFF  }
0xa7: {  	s28 =	simm.s32 $_size_execute0_lowered;
	s2 =	sadd.s32 s2, s4;
	[dreg:$0x0] =	wrdreg $0x0  }
0xa8: {  	s4 =	sshll.u32 s28, $0x1;
	[dreg:$0x2] =	wrdreg s2  }
0xa9: {  	[dreg:$0x3] =	wrdreg s4  }
0xaa: {  	[dreg:$0x4] =	wrdreg $0xC0  }
0xab: {  	_ =	task [dreg:s6], $0x5FFFF  }
0xac: {  	[dreg:$0x1] =	wrdreg $0xFFFFFFFF  }
0xad: {  	[dreg:$0x0] =	wrdreg $0x60  }
0xae: {  	[dreg:$0x2] =	wrdreg s24  }
0xaf: {  	[dreg:$0x3] =	wrdreg $0x9  }
0xb0: {  	_ =	task.clear_ibuf [dreg:s6], $0x4FFFF;
	_ =	strace $0x9000004C  }
0xb1: {  	s29 =	simm.s32 $0x9;
	_ =	strace $0x8000004E  }
0xb2: {  	_ =	swait.ge [sflag:s29], $0x1  }
0xb3: {  	[sflag:s29] =	ssyncadd.s32 $0xFFFFFFFF  }
0xb4: {  	_ =	strace $0x9000004E  }
0xb5: {  	_ =	sfence  }
0xb6: {  	s30 =	sld [smem:$0x0];
	_ =	sdelay $0x2  }
0xb7: {  	s31 =	sshll.u32 s1, $0xD;
	s1 =	sshrl.u32 s1, $0x2  }
0xb8: {  	s3 =	sand.u32 $0x4000, s31;
	s1 =	sadd.s32 s1, s30  }
0xb9: {  	s0 =	sor.u32 s3, s0;
	s1 =	sshll.u32 s1, $0x11  }
0xba: {  	s0 =	sor.u32 s1, s0  }
0xbb: {  	s0 =	sadd.s32 $0x8F2B, s0  }
0xbc: {  	[sflag:s0] =	ssyncadd.remote.s32 $0x1  }
0xbd: {  	_ =	sfence.sel $0xFFFF  }
0xbe: {  	[dreg:$0x0] =	wrdreg $0xFFFFFFFF;
	(pc) =	sbr.abs _section_cstart, $3  }
0xbf: {  	[dreg:$0x1] =	wrdreg $0xFFFFFFFF  }
0xc0: {  	_ =	task.clear_ibuf [dreg:s6], $0x2FFFF;
	_ =	strace $0x9FFFFFFF  }
0xc1: {  	(tm) =	ssettm $0x7FFFFFFF  }
tec
execute0_lowered:
.L_overlay_start_1:
0x0: {  	(tag) =	ssettag $0x1  }
0x1: {  	s0 =	rddreg [dreg:$0x0];
	s2 =	simm.s32 $0x0  }
0x2: {  	s6 =	stileid.u32;
	s1 =	srdreg.scid;
	s9 =	simm.s32 $0x400  }
0x3: {  	s28 =	simm.s32 $0x9400;
	s29 =	simm.s32 $0x9C00;
	s30 =	simm.s32 $0xA400  }
0x4: {  	s31 =	simm.s32 $0xAC00;
	s10 =	simm.s32 $0xD400;
	s11 =	simm.s32 $0xDC00  }
0x5: {  	s12 =	simm.s32 $0xE400;
	s13 =	simm.s32 $0xEC00;
	s14 =	simm.s32 $0xF400  }
0x6: {  	s15 =	simm.s32 $0xFC00;
	s16 =	simm.s32 $0x1;
	s17 =	simm.s32 $0x4  }
0x7: {  	s18 =	simm.s32 $0x2;
	s20 =	simm.s32 $0x0;
	[smem:$0x7FF] =	sst s2  }
0x8: {  	s3 =	sadd.s32 $0x3A3600, s0;
	s4 =	sshll.u32 s6, $0x11;
	s1 =	sand.u32 $0x1, s1  }
0x9: {  	s6 =	sshll.u32 s6, $0xB;
	_ =	strace $0x8000004D;
	s5 =	ssub.s32 $0x2, s1  }
0xa: {  	s7 =	sshll.u32 s1, $0xA;
	s4 =	sadd.s32 s4, s0;
	s1 =	sshll.u32 s1, $0x10  }
0xb: {  	s8 =	sshrl.u32 s5, $0x1;
	s6 =	sor.u32 s7, s6;
	s25 =	sadd.s32 s1, s4  }
0xc: {  	s1 =	simm.s32 $0xBC00;
	s4 =	simm.s32 $0xC400;
	s23 =	ssub.s32 s5, s8  }
.Ltmp0:
0xd: {  	s24 =	sshrl.u32 s6, $0x3;
	s7 =	sadd.s32 $0x1000, s25;
	(pc) =	sbr.rel .LBB2_1-.Ltmp0, $4  }
0xe: {  	s8 =	simm.s32 $0x3;
	s25 =	simm.s32 $0x8400;
	s6 =	simm.s32 $0xCC00  }
0xf: {  	v2 =	vlaneseq.u32;
	s5 =	sadd.s32 s0, s24;
	s26 =	smax.u32 s23, $0x1;
	s23 =	simm.s32 $0x7400  }
0x10: {  	vm0 =	vmmov $0xffff;
	v1 =	vshrl.u32 v2, $0x3;
	s24 =	simm.s32 $0x7C00;
	[dreg:$0x2] =	wrdreg s5;
	s5 =	sadd.s32 $0x3A3700, s0  }
0x11: {  	v0 =	vand.u32 $0x7, v2;
	v2 =	vor.u32 $0x8, v2;
	v1 =	vmul.u32 $0x8, v1;
	[dreg:$0x3] =	wrdreg s26;
	s26 =	simm.s32 $0x8C00;
	s0 =	simm.s32 $0xB400  }
.LBB2_5:
0x12: {  	s20 =	rddreg [dreg:$0x4]  }
0x13: {  	s19 =	rddreg [dreg:$0x3];
	s20 =	sadd.s32 $0x1, s20  }
0x14: {  	p0 =	sne.s32 s20, s19  }
.Ltmp1:
0x15: {  	_ = 	snop;
	(pc) =	sbr.rel @!p0 .LBB2_6-.Ltmp1, $1  }
0x16: {  	_ =	sdelay $0x3  }
.LBB2_1:
0x17: {  	[dreg:$0x4] =	wrdreg s20  }
0x18: {  	s19 =	rddreg [dreg:$0x2]  }
0x19: {  	[tilespmem:s2], [sflag:$0x3] =	stream.linear.gather [hbm4b:s19+s2], $0x400, $0x38;
	[tilespmem:$0x10400] =	vst v63  }
0x1a: {  	_ =	swait.ge [sflag:s8], $0x400  }
0x1b: {  	[sflag:s8] =	ssyncset.done $0x0  }
0x1c: {  	[sflag:s8] =	ssyncadd.s32 $0xFFFFFC00  }
0x1d: {  	v3 =	vld [tilespmem:$0x0];
	_ =	sdelay $0x4  }
0x1e: {  	v4 =	vshll.u32 v3, $0x2  }
0x1f: {  	v3 =	vand.u32 $0x7, v3;
	v4 =	vand.u32 $0xFFFFFFE0, v4  }
0x20: {  	v3 =	vor.u32 v3, v4  }
0x21: {  	v4 =	vperm.xlane v3, v0;
	_ =	sdelay $0x1  }
0x22: {  	v4 =	vadd.s32 v1, v4;
	_ =	sdelay $0x1  }
0x23: {  	v3 =	vperm.xlane v3, v2;
	_ =	sdelay $0x1  }
0x24: {  	v3 =	vadd.s32 v1, v3  }
0x25: {  	[tilespmem:s9], [sflag:$0x1] =	stream.indirect_vreg.gather [hbm4b:s3+s2], $0x80, v4, vm0, $0xb8;
	[tilespmem:$0x10400] =	vst v63  }
0x26: {  	s22 =	simm.s32 $0xC00  }
0x27: {  	[tilespmem:s22], [sflag:$0x1] =	stream.indirect_vreg.gather [hbm4b:s5+s2], $0x80, v4, vm0, $0xb8;
	[tilespmem:$0x10400] =	vst v63  }
0x28: {  	s20 =	simm.s32 $0x1400  }
0x29: {  	[tilespmem:s20], [sflag:$0x1] =	stream.indirect_vreg.gather [hbm4b:s3+s2], $0x80, v3, vm0, $0xb8;
	[tilespmem:$0x10400] =	vst v63  }
0x2a: {  	s21 =	simm.s32 $0x1C00  }
0x2b: {  	[tilespmem:s21], [sflag:$0x1] =	stream.indirect_vreg.gather [hbm4b:s5+s2], $0x80, v3, vm0, $0xb8;
	[tilespmem:$0x10400] =	vst v63  }
0x2c: {  	v3 =	vld [tilespmem:$0x10];
	_ =	sdelay $0x4  }
0x2d: {  	v61 =	vshll.u32 v3, $0x2  }
0x2e: {  	v3 =	vand.u32 $0x7, v3;
	v4 =	vand.u32 $0xFFFFFFE0, v61  }
0x2f: {  	v3 =	vor.u32 v3, v4  }
0x30: {  	v4 =	vperm.xlane v3, v0;
	_ =	sdelay $0x1  }
0x31: {  	v4 =	vadd.s32 v1, v4;
	_ =	sdelay $0x1  }
0x32: {  	v3 =	vperm.xlane v3, v2;
	_ =	sdelay $0x1  }
0x33: {  	s22 =	simm.s32 $0x2400;
	v3 =	vadd.s32 v1, v3  }
0x34: {  	[tilespmem:s22], [sflag:$0x1] =	stream.indirect_vreg.gather [hbm4b:s3+s2], $0x80, v4, vm0, $0xb8;
	[tilespmem:$0x10400] =	vst v63  }
0x35: {  	s20 =	simm.s32 $0x2C00  }
0x36: {  	[tilespmem:s20], [sflag:$0x1] =	stream.indirect_vreg.gather [hbm4b:s5+s2], $0x80, v4, vm0, $0xb8;
	[tilespmem:$0x10400] =	vst v63  }
0x37: {  	s21 =	simm.s32 $0x3400  }
0x38: {  	[tilespmem:s21], [sflag:$0x1] =	stream.indirect_vreg.gather [hbm4b:s3+s2], $0x80, v3, vm0, $0xb8;
	[tilespmem:$0x10400] =	vst v63  }
0x39: {  	s22 =	simm.s32 $0x3C00  }
0x3a: {  	[tilespmem:s22], [sflag:$0x1] =	stream.indirect_vreg.gather [hbm4b:s5+s2], $0x80, v3, vm0, $0xb8;
	[tilespmem:$0x10400] =	vst v63  }
0x3b: {  	v3 =	vld [tilespmem:$0x20];
	_ =	sdelay $0x4  }
0x3c: {  	v62 =	vshll.u32 v3, $0x2  }
0x3d: {  	v3 =	vand.u32 $0x7, v3;
	v4 =	vand.u32 $0xFFFFFFE0, v62  }
0x3e: {  	v3 =	vor.u32 v3, v4  }
0x3f: {  	v4 =	vperm.xlane v3, v0;
	_ =	sdelay $0x1  }
0x40: {  	v4 =	vadd.s32 v1, v4;
	_ =	sdelay $0x1  }
0x41: {  	v3 =	vperm.xlane v3, v2;
	_ =	sdelay $0x1  }
0x42: {  	s20 =	simm.s32 $0x4400;
	v3 =	vadd.s32 v1, v3  }
0x43: {  	[tilespmem:s20], [sflag:$0x1] =	stream.indirect_vreg.gather [hbm4b:s3+s2], $0x80, v4, vm0, $0xb8;
	[tilespmem:$0x10400] =	vst v63  }
0x44: {  	s21 =	simm.s32 $0x4C00  }
0x45: {  	[tilespmem:s21], [sflag:$0x1] =	stream.indirect_vreg.gather [hbm4b:s5+s2], $0x80, v4, vm0, $0xb8;
	[tilespmem:$0x10400] =	vst v63  }
0x46: {  	s22 =	simm.s32 $0x5400  }
0x47: {  	[tilespmem:s22], [sflag:$0x1] =	stream.indirect_vreg.gather [hbm4b:s3+s2], $0x80, v3, vm0, $0xb8;
	[tilespmem:$0x10400] =	vst v63  }
0x48: {  	s20 =	simm.s32 $0x5C00  }
0x49: {  	[tilespmem:s20], [sflag:$0x1] =	stream.indirect_vreg.gather [hbm4b:s5+s2], $0x80, v3, vm0, $0xb8;
	[tilespmem:$0x10400] =	vst v63  }
0x4a: {  	v3 =	vld [tilespmem:$0x30];
	_ =	sdelay $0x4  }
0x4b: {  	v63 =	vshll.u32 v3, $0x2  }
0x4c: {  	v3 =	vand.u32 $0x7, v3;
	v4 =	vand.u32 $0xFFFFFFE0, v63  }
0x4d: {  	v3 =	vor.u32 v3, v4  }
0x4e: {  	v4 =	vperm.xlane v3, v0;
	_ =	sdelay $0x1  }
0x4f: {  	v4 =	vadd.s32 v1, v4;
	_ =	sdelay $0x2  }
0x50: {  	v3 =	vperm.xlane v3, v2  }
0x51: {  	s21 =	simm.s32 $0x6400  }
0x52: {  	v3 =	vadd.s32 v1, v3;
	[tilespmem:s21], [sflag:$0x1] =	stream.indirect_vreg.gather [hbm4b:s3+s2], $0x80, v4, vm0, $0xb8;
	[tilespmem:$0x10400] =	vst v63  }
0x53: {  	s22 =	simm.s32 $0x6C00  }
0x54: {  	[tilespmem:s22], [sflag:$0x1] =	stream.indirect_vreg.gather [hbm4b:s5+s2], $0x80, v4, vm0, $0xb8;
	[tilespmem:$0x10400] =	vst v63  }
.Ltmp2:
0x55: {  	_ = 	snop;
	(pc) =	sbr.rel .LBB2_2-.Ltmp2, $4  }
0x56: {  	_ = 	snop  }
0x57: {  	[tilespmem:s23], [sflag:$0x1] =	stream.indirect_vreg.gather [hbm4b:s3+s2], $0x80, v3, vm0, $0xb8;
	[tilespmem:$0x10400] =	vst v63  }
0x58: {  	s19 =	simm.s32 $0x60;
	s20 =	simm.s32 $0x0  }
0x59: {  	[tilespmem:s24], [sflag:$0x1] =	stream.indirect_vreg.gather [hbm4b:s5+s2], $0x80, v3, vm0, $0xb8;
	[tilespmem:$0x10400] =	vst v63  }
.LBB2_4:
0x5a: {  	_ =	swait.ge [sflag:s18], $0x8000;
	s20 =	sadd.s32 $0x2000, s20  }
0x5b: {  	[sflag:s18] =	ssyncset.done $0x0;
	p0 =	sne.s32 s20, $0x10000  }
.Ltmp3:
0x5c: {  	s21 =	sadd.s32 $0x1000, s21;
	[sflag:s18] =	ssyncadd.s32 $0xFFFF8000;
	(pc) =	sbr.rel @!p0 .LBB2_5-.Ltmp3, $4  }
0x5d: {  	[hbm4b:s21+s2] =	stream.linear.scatter [tilespmem:s25], [sflag:$0x3], $0x8000, $0x38;
	[tilespmem:$0x10400] =	vst v63  }
0x5e: {  	_ =	swait.ge [sflag:s8], $0x8000  }
0x5f: {  	[sflag:s8] =	ssyncset.done $0x0  }
0x60: {  	s19 =	sadd.s32 $0x80, s19;
	[sflag:s8] =	ssyncadd.s32 $0xFFFF8000  }
.LBB2_2:
0x61: {  	v3 =	vld [tilespmem:s19+$0xFFFFFFE0];
	_ =	sdelay $0x4  }
0x62: {  	v4 =	vshll.u32 v3, $0x2  }
0x63: {  	v3 =	vand.u32 $0x7, v3;
	v4 =	vand.u32 $0xFFFFFFE0, v4  }
0x64: {  	v3 =	vor.u32 v3, v4  }
0x65: {  	v4 =	vperm.xlane v3, v0;
	_ =	sdelay $0x1  }
0x66: {  	v4 =	vadd.s32 v1, v4;
	_ =	sdelay $0x1  }
0x67: {  	v3 =	vperm.xlane v3, v2;
	_ =	sdelay $0x1  }
0x68: {  	v3 =	vadd.s32 v1, v3  }
0x69: {  	[tilespmem:s25], [sflag:$0x2] =	stream.indirect_vreg.gather [hbm4b:s3+s2], $0x80, v4, vm0, $0xb8;
	[tilespmem:$0x10400] =	vst v63  }
0x6a: {  	_ = 	snop  }
0x6b: {  	[tilespmem:s26], [sflag:$0x2] =	stream.indirect_vreg.gather [hbm4b:s5+s2], $0x80, v4, vm0, $0xb8;
	[tilespmem:$0x10400] =	vst v63  }
0x6c: {  	_ = 	snop  }
0x6d: {  	[tilespmem:s28], [sflag:$0x2] =	stream.indirect_vreg.gather [hbm4b:s3+s2], $0x80, v3, vm0, $0xb8;
	[tilespmem:$0x10400] =	vst v63  }
0x6e: {  	_ = 	snop  }
0x6f: {  	[tilespmem:s29], [sflag:$0x2] =	stream.indirect_vreg.gather [hbm4b:s5+s2], $0x80, v3, vm0, $0xb8;
	[tilespmem:$0x10400] =	vst v63  }
0x70: {  	v3 =	vld [tilespmem:s19+$0xFFFFFFF0];
	_ =	sdelay $0x4  }
0x71: {  	v61 =	vshll.u32 v3, $0x2  }
0x72: {  	v3 =	vand.u32 $0x7, v3;
	v4 =	vand.u32 $0xFFFFFFE0, v61  }
0x73: {  	v3 =	vor.u32 v3, v4  }
0x74: {  	v4 =	vperm.xlane v3, v0;
	_ =	sdelay $0x1  }
0x75: {  	v4 =	vadd.s32 v1, v4;
	_ =	sdelay $0x1  }
0x76: {  	v3 =	vperm.xlane v3, v2;
	_ =	sdelay $0x1  }
0x77: {  	v3 =	vadd.s32 v1, v3  }
0x78: {  	[tilespmem:s30], [sflag:$0x2] =	stream.indirect_vreg.gather [hbm4b:s3+s2], $0x80, v4, vm0, $0xb8;
	[tilespmem:$0x10400] =	vst v63  }
0x79: {  	_ = 	snop  }
0x7a: {  	[tilespmem:s31], [sflag:$0x2] =	stream.indirect_vreg.gather [hbm4b:s5+s2], $0x80, v4, vm0, $0xb8;
	[tilespmem:$0x10400] =	vst v63  }
0x7b: {  	_ = 	snop  }
0x7c: {  	[tilespmem:s0], [sflag:$0x2] =	stream.indirect_vreg.gather [hbm4b:s3+s2], $0x80, v3, vm0, $0xb8;
	[tilespmem:$0x10400] =	vst v63  }
0x7d: {  	_ = 	snop  }
0x7e: {  	[tilespmem:s1], [sflag:$0x2] =	stream.indirect_vreg.gather [hbm4b:s5+s2], $0x80, v3, vm0, $0xb8;
	[tilespmem:$0x10400] =	vst v63  }
0x7f: {  	v3 =	vld [tilespmem:s19+$0x0];
	_ =	sdelay $0x4  }
0x80: {  	v62 =	vshll.u32 v3, $0x2  }
0x81: {  	v3 =	vand.u32 $0x7, v3;
	v4 =	vand.u32 $0xFFFFFFE0, v62  }
0x82: {  	v3 =	vor.u32 v3, v4  }
0x83: {  	v4 =	vperm.xlane v3, v0;
	_ =	sdelay $0x1  }
0x84: {  	v4 =	vadd.s32 v1, v4;
	_ =	sdelay $0x1  }
0x85: {  	v3 =	vperm.xlane v3, v2;
	_ =	sdelay $0x1  }
0x86: {  	v3 =	vadd.s32 v1, v3  }
0x87: {  	[tilespmem:s4], [sflag:$0x2] =	stream.indirect_vreg.gather [hbm4b:s3+s2], $0x80, v4, vm0, $0xb8;
	[tilespmem:$0x10400] =	vst v63  }
0x88: {  	_ = 	snop  }
0x89: {  	[tilespmem:s6], [sflag:$0x2] =	stream.indirect_vreg.gather [hbm4b:s5+s2], $0x80, v4, vm0, $0xb8;
	[tilespmem:$0x10400] =	vst v63  }
0x8a: {  	_ = 	snop  }
0x8b: {  	[tilespmem:s10], [sflag:$0x2] =	stream.indirect_vreg.gather [hbm4b:s3+s2], $0x80, v3, vm0, $0xb8;
	[tilespmem:$0x10400] =	vst v63  }
0x8c: {  	_ = 	snop  }
0x8d: {  	[tilespmem:s11], [sflag:$0x2] =	stream.indirect_vreg.gather [hbm4b:s5+s2], $0x80, v3, vm0, $0xb8;
	[tilespmem:$0x10400] =	vst v63  }
0x8e: {  	v3 =	vld [tilespmem:s19+$0x10];
	_ =	sdelay $0x4  }
0x8f: {  	v63 =	vshll.u32 v3, $0x2  }
0x90: {  	v3 =	vand.u32 $0x7, v3;
	v4 =	vand.u32 $0xFFFFFFE0, v63  }
0x91: {  	v3 =	vor.u32 v3, v4  }
0x92: {  	v4 =	vperm.xlane v3, v0;
	_ =	sdelay $0x1  }
0x93: {  	v4 =	vadd.s32 v1, v4;
	_ =	sdelay $0x1  }
0x94: {  	v3 =	vperm.xlane v3, v2;
	_ =	sdelay $0x1  }
0x95: {  	v3 =	vadd.s32 v1, v3  }
0x96: {  	[tilespmem:s12], [sflag:$0x2] =	stream.indirect_vreg.gather [hbm4b:s3+s2], $0x80, v4, vm0, $0xb8;
	[tilespmem:$0x10400] =	vst v63  }
0x97: {  	_ = 	snop  }
0x98: {  	[tilespmem:s13], [sflag:$0x2] =	stream.indirect_vreg.gather [hbm4b:s5+s2], $0x80, v4, vm0, $0xb8;
	[tilespmem:$0x10400] =	vst v63  }
0x99: {  	_ = 	snop  }
0x9a: {  	[tilespmem:s14], [sflag:$0x2] =	stream.indirect_vreg.gather [hbm4b:s3+s2], $0x80, v3, vm0, $0xb8;
	[tilespmem:$0x10400] =	vst v63  }
0x9b: {  	_ = 	snop  }
0x9c: {  	[tilespmem:s15], [sflag:$0x2] =	stream.indirect_vreg.gather [hbm4b:s5+s2], $0x80, v3, vm0, $0xb8;
	[tilespmem:$0x10400] =	vst v63  }
0x9d: {  	_ =	swait.ge [sflag:s16], $0x8000  }
0x9e: {  	p0 =	seq.s32 s20, $0xE000;
	[sflag:s16] =	ssyncset.done $0x0  }
.Ltmp4:
0x9f: {  	s21 =	sadd.s32 s20, s7;
	[sflag:s16] =	ssyncadd.s32 $0xFFFF8000;
	(pc) =	sbr.rel @p0 .LBB2_4-.Ltmp4, $4  }
0xa0: {  	[hbm4b:s21+s2] =	stream.linear.scatter [tilespmem:s9], [sflag:$0x4], $0x8000, $0x38;
	[tilespmem:$0x10400] =	vst v63  }
0xa1: {  	_ =	swait.ge [sflag:s17], $0x8000  }
0xa2: {  	[sflag:s17] =	ssyncset.done $0x0  }
0xa3: {  	[sflag:s17] =	ssyncadd.s32 $0xFFFF8000  }
0xa4: {  	v3 =	vld [tilespmem:s19+$0x20];
	_ =	sdelay $0x4  }
0xa5: {  	v4 =	vshll.u32 v3, $0x2  }
0xa6: {  	v3 =	vand.u32 $0x7, v3;
	v4 =	vand.u32 $0xFFFFFFE0, v4  }
0xa7: {  	v3 =	vor.u32 v3, v4  }
0xa8: {  	v4 =	vperm.xlane v3, v0;
	_ =	sdelay $0x1  }
0xa9: {  	v4 =	vadd.s32 v1, v4;
	_ =	sdelay $0x1  }
0xaa: {  	v3 =	vperm.xlane v3, v2;
	_ =	sdelay $0x1  }
0xab: {  	v3 =	vadd.s32 v1, v3  }
0xac: {  	[tilespmem:s9], [sflag:$0x1] =	stream.indirect_vreg.gather [hbm4b:s3+s2], $0x80, v4, vm0, $0xb8;
	[tilespmem:$0x10400] =	vst v63  }
0xad: {  	s22 =	simm.s32 $0xC00  }
0xae: {  	[tilespmem:s22], [sflag:$0x1] =	stream.indirect_vreg.gather [hbm4b:s5+s2], $0x80, v4, vm0, $0xb8;
	[tilespmem:$0x10400] =	vst v63  }
0xaf: {  	s22 =	simm.s32 $0x1400  }
0xb0: {  	[tilespmem:s22], [sflag:$0x1] =	stream.indirect_vreg.gather [hbm4b:s3+s2], $0x80, v3, vm0, $0xb8;
	[tilespmem:$0x10400] =	vst v63  }
0xb1: {  	s22 =	simm.s32 $0x1C00  }
0xb2: {  	[tilespmem:s22], [sflag:$0x1] =	stream.indirect_vreg.gather [hbm4b:s5+s2], $0x80, v3, vm0, $0xb8;
	[tilespmem:$0x10400] =	vst v63  }
0xb3: {  	v3 =	vld [tilespmem:s19+$0x30];
	_ =	sdelay $0x4  }
0xb4: {  	v61 =	vshll.u32 v3, $0x2  }
0xb5: {  	v3 =	vand.u32 $0x7, v3;
	v4 =	vand.u32 $0xFFFFFFE0, v61  }
0xb6: {  	v3 =	vor.u32 v3, v4  }
0xb7: {  	v4 =	vperm.xlane v3, v0;
	_ =	sdelay $0x1  }
0xb8: {  	v4 =	vadd.s32 v1, v4;
	_ =	sdelay $0x1  }
0xb9: {  	v3 =	vperm.xlane v3, v2;
	_ =	sdelay $0x1  }
0xba: {  	s22 =	simm.s32 $0x2400;
	v3 =	vadd.s32 v1, v3  }
0xbb: {  	[tilespmem:s22], [sflag:$0x1] =	stream.indirect_vreg.gather [hbm4b:s3+s2], $0x80, v4, vm0, $0xb8;
	[tilespmem:$0x10400] =	vst v63  }
0xbc: {  	s22 =	simm.s32 $0x2C00  }
0xbd: {  	[tilespmem:s22], [sflag:$0x1] =	stream.indirect_vreg.gather [hbm4b:s5+s2], $0x80, v4, vm0, $0xb8;
	[tilespmem:$0x10400] =	vst v63  }
0xbe: {  	s22 =	simm.s32 $0x3400  }
0xbf: {  	[tilespmem:s22], [sflag:$0x1] =	stream.indirect_vreg.gather [hbm4b:s3+s2], $0x80, v3, vm0, $0xb8;
	[tilespmem:$0x10400] =	vst v63  }
0xc0: {  	s22 =	simm.s32 $0x3C00  }
0xc1: {  	[tilespmem:s22], [sflag:$0x1] =	stream.indirect_vreg.gather [hbm4b:s5+s2], $0x80, v3, vm0, $0xb8;
	[tilespmem:$0x10400] =	vst v63  }
0xc2: {  	v3 =	vld [tilespmem:s19+$0x40];
	_ =	sdelay $0x4  }
0xc3: {  	v62 =	vshll.u32 v3, $0x2  }
0xc4: {  	v3 =	vand.u32 $0x7, v3;
	v4 =	vand.u32 $0xFFFFFFE0, v62  }
0xc5: {  	v3 =	vor.u32 v3, v4  }
0xc6: {  	v4 =	vperm.xlane v3, v0;
	_ =	sdelay $0x1  }
0xc7: {  	v4 =	vadd.s32 v1, v4;
	_ =	sdelay $0x1  }
0xc8: {  	v3 =	vperm.xlane v3, v2;
	_ =	sdelay $0x1  }
0xc9: {  	s22 =	simm.s32 $0x4400;
	v3 =	vadd.s32 v1, v3  }
0xca: {  	[tilespmem:s22], [sflag:$0x1] =	stream.indirect_vreg.gather [hbm4b:s3+s2], $0x80, v4, vm0, $0xb8;
	[tilespmem:$0x10400] =	vst v63  }
0xcb: {  	s22 =	simm.s32 $0x4C00  }
0xcc: {  	[tilespmem:s22], [sflag:$0x1] =	stream.indirect_vreg.gather [hbm4b:s5+s2], $0x80, v4, vm0, $0xb8;
	[tilespmem:$0x10400] =	vst v63  }
0xcd: {  	s22 =	simm.s32 $0x5400  }
0xce: {  	[tilespmem:s22], [sflag:$0x1] =	stream.indirect_vreg.gather [hbm4b:s3+s2], $0x80, v3, vm0, $0xb8;
	[tilespmem:$0x10400] =	vst v63  }
0xcf: {  	s22 =	simm.s32 $0x5C00  }
0xd0: {  	[tilespmem:s22], [sflag:$0x1] =	stream.indirect_vreg.gather [hbm4b:s5+s2], $0x80, v3, vm0, $0xb8;
	[tilespmem:$0x10400] =	vst v63  }
0xd1: {  	v3 =	vld [tilespmem:s19+$0x50];
	_ =	sdelay $0x4  }
0xd2: {  	v63 =	vshll.u32 v3, $0x2  }
0xd3: {  	v3 =	vand.u32 $0x7, v3;
	v4 =	vand.u32 $0xFFFFFFE0, v63  }
0xd4: {  	v3 =	vor.u32 v3, v4  }
0xd5: {  	v4 =	vperm.xlane v3, v0;
	_ =	sdelay $0x1  }
0xd6: {  	v4 =	vadd.s32 v1, v4;
	_ =	sdelay $0x2  }
0xd7: {  	v3 =	vperm.xlane v3, v2  }
0xd8: {  	s22 =	simm.s32 $0x6400  }
0xd9: {  	v3 =	vadd.s32 v1, v3;
	[tilespmem:s22], [sflag:$0x1] =	stream.indirect_vreg.gather [hbm4b:s3+s2], $0x80, v4, vm0, $0xb8;
	[tilespmem:$0x10400] =	vst v63  }
0xda: {  	s22 =	simm.s32 $0x6C00  }
0xdb: {  	[tilespmem:s22], [sflag:$0x1] =	stream.indirect_vreg.gather [hbm4b:s5+s2], $0x80, v4, vm0, $0xb8;
	[tilespmem:$0x10400] =	vst v63  }
.Ltmp5:
0xdc: {  	_ = 	snop;
	(pc) =	sbr.rel .LBB2_4-.Ltmp5, $4  }
0xdd: {  	_ = 	snop  }
0xde: {  	[tilespmem:s23], [sflag:$0x1] =	stream.indirect_vreg.gather [hbm4b:s3+s2], $0x80, v3, vm0, $0xb8;
	[tilespmem:$0x10400] =	vst v63  }
0xdf: {  	_ = 	snop  }
0xe0: {  	[tilespmem:s24], [sflag:$0x1] =	stream.indirect_vreg.gather [hbm4b:s5+s2], $0x80, v3, vm0, $0xb8;
	[tilespmem:$0x10400] =	vst v63  }
.LBB2_6:
0xe1: {  	_ =	sfence.sel $0x180000  }
0xe2: {  	[bflag:$0x0] =	sbarrier.arrive $0xFFFF  }
0xe3: {  	_ =	strace $0x9000004D  }
0xe4: {  	s0 =	stileid.u32;
	[bflag:$0x2] =	sbarrier.arrive $0xFFFF  }
0xe5: {  	p0 =	sne.s32 s0, $0x0;
	s0 =	rddreg [dreg:$0x1]  }
0xe6: {  	s0 =	sadd.s32 @!p0 $0x100000, s0  }
0xe7: {  	[sflag:s0] =	ssyncadd.tile.s32 @!p0 $0x1;
	_ =	shalt  }
.Lfunc_end2:
_tile_overlayer_lowered:
.L_overlay_start_2:
0xe8: {  	(tag) =	ssettag $0x2  }
0xe9: {  	s0 =	rddreg [dreg:$0x0];
	s2 =	stileid.u32  }
0xea: {  	s1 =	rddreg [dreg:$0x1];
	p0 =	sne.s32 s2, $0x0  }
0xeb: {  	s3 =	rddreg [dreg:$0x2];
	[bflag:$0x3] =	sbarrier.arrive $0xFFFF;
	s2 =	simm.s32 @!p0 $0x1C03  }
0xec: {  	[timem:s3], [sflag:s2] =	dma.local @!p0 [hbm:s0], s1  }
0xed: {  	s0 =	simm.s32 @!p0 $0x3  }
0xee: {  	_ =	swait.ge @!p0 [sflag:s0], s1  }
0xef: {  	s1 =	ssub.s32 @!p0 $0x0, s1;
	[sflag:s0] =	ssyncset.done @!p0 $0x0  }
0xf0: {  	[sflag:s0] =	ssyncadd.s32 @!p0 s1  }
0xf1: {  	[bflag:$0x3] =	sbarrier.arrive $0xFFFF  }
0xf2: {  	_ =	shalt  }

// kernel: kernel.8.cloned.1.call-start
scs
__scs_entry_jumppad:
0x0: {  	(pc) =	sbr.rel $0x88, $3  }
0x1: {  	(tag) =	ssettag $0x0;
	lr =	simm.s32 $0x1  }
0x2: {  	[smem:$0x3F98] =	sst lr;
	_ =	strace $0xD0000000  }
0x3: {  	_ = 	snop  }
0x4: {  	_ = 	snop  }
0x5: {  	_ = 	snop  }
0x6: {  	_ = 	snop  }
0x7: {  	_ = 	snop  }
__scs_overlays_trampoline_lowered:
0x8: {  	[smem:$0x3FA7] =	sst s0  }
0x9: {  	[smem:$0x3FA8] =	sst s1  }
0xa: {  	[smem:$0x3FA9] =	sst s2  }
0xb: {  	[smem:$0x3FAA] =	sst s3  }
0xc: {  	[smem:$0x3FAB] =	sst s4  }
0xd: {  	[smem:$0x3FAC] =	sst s5  }
0xe: {  	[smem:$0x3FAD] =	sst s6  }
0xf: {  	[smem:$0x3FAE] =	sst s7  }
0x10: {  	[smem:$0x3FAF] =	sst s8  }
0x11: {  	[smem:$0x3FB0] =	sst s9;
	s0 =	simm.s32 @!p0 $0x0  }
0x12: {  	s1 =	sld [smem:$0x3F96];
	s0 =	simm.s32 @p0 $0x1  }
0x13: {  	[smem:$0x3FB1] =	sst s0;
	s0 =	simm.s32 @!p1 $0x0  }
0x14: {  	s2 =	sld [smem:$0x3F95];
	s0 =	simm.s32 @p1 $0x1  }
0x15: {  	[smem:$0x3FB2] =	sst s0;
	s0 =	simm.s32 @!p2 $0x0  }
0x16: {  	s3 =	sld [smem:$0x3FDB];
	s0 =	simm.s32 @p2 $0x1  }
0x17: {  	s4 =	simm.s32 $0x1BF5;
	[smem:$0x3FB4] =	sst s0  }
0x18: {  	s0 =	sld [smem:$0x3F97];
	_ =	swait.ge [sflag:s4], $0x0  }
0x19: {  	s7 =	sld [smem:$0x3F98]  }
0x1a: {  	s8 =	sadd.s32 $0xFFFFE003, lr  }
0x1b: {  	s9 =	sadd.s32 $0xFFFFFEF7, lr;
	s5 =	simm.s32 $0xFFFFFFFF;
	p2 =	slt.u32 s8, $0xFFFFF086  }
0x1c: {  	p1 =	slt.u32 s9, $0xF7A;
	s5 =	simm.s32 @!p2 $0x0  }
0x1d: {  	s5 =	simm.s32 @p1 $0x1;
	p0 =	seq.s32 s7, s2  }
0x1e: {  	s7 =	smul.u32 @!p0 $0xF7A, s2;
	p2 =	seq.s32 @!p0 s5, $0x0  }
0x1f: {  	s9 =	smul.u32 $0xF7A, s1;
	s8 =	simm.s32 @!p0 $0x1BF5;
	p2 =	por !p2, p0  }
0x20: {  	[sflag:s8] =	ssyncset.s32 @!p0 $0xFFFFF086;
	s6 =	sadd.s32 @!p0 s3, s7;
	s7 =	simm.s32 @!p0 $0x108  }
0x21: {  	s3 =	sadd.s32 s3, s9;
	s6 =	sadd.s32 @!p0 $0x88, s6;
	s7 =	simm.s32 @p2 $0x1082  }
0x22: {  	[simem:s7], [sflag:s8] =	dma.local @!p0 [hbm:s6], $0xF7A  }
0x23: {  	s9 =	sor.u32 $0xD0000000, s2;
	s6 =	simm.s32 $0x108;
	_ =	swait.ge @!p0 [sflag:s8], $0x0  }
0x24: {  	s3 =	sadd.s32 $0x88, s3;
	s6 =	simm.s32 @!p1 $0x1082;
	[sflag:s4] =	ssyncset.s32 $0xFFFFF086  }
0x25: {  	[simem:s6], [sflag:s4] =	dma.local [hbm:s3], $0xF7A  }
0x26: {  	[smem:$0x3F98] =	sst s1;
	(tag) =	ssettag s2;
	_ =	strace s9  }
0x27: {  	s1 =	sld [smem:$0x3FA8]  }
0x28: {  	s2 =	sld [smem:$0x3FA9]  }
0x29: {  	s4 =	sld [smem:$0x3FAB]  }
0x2a: {  	p0 =	seq.s32 s5, $0x0;
	s5 =	sld [smem:$0x3FAC]  }
0x2b: {  	s6 =	sld [smem:$0x3FAD]  }
0x2c: {  	s7 =	sld [smem:$0x3FAE]  }
0x2d: {  	s3 =	simm.s32 $0x108;
	s8 =	sld [smem:$0x3FAF]  }
0x2e: {  	s3 =	simm.s32 @!p0 $0x1082;
	s9 =	sld [smem:$0x3FB0]  }
0x2f: {  	lr =	sadd.s32 s0, s3;
	s0 =	sld [smem:$0x3FA7]  }
0x30: {  	s3 =	sld [smem:$0x3FAA]  }
0x31: {  	[smem:$0x3FB3] =	sst s10  }
0x32: {  	s10 =	sld [smem:$0x3FB1];
	_ =	sdelay $0x3  }
0x33: {  	p0 =	seq.s32 s10, $0x1;
	s10 =	sld [smem:$0x3FB3];
	_ =	sdelay $0x3  }
0x34: {  	[smem:$0x3FB3] =	sst s10  }
0x35: {  	s10 =	sld [smem:$0x3FB2];
	_ =	sdelay $0x3  }
0x36: {  	p1 =	seq.s32 s10, $0x1;
	s10 =	sld [smem:$0x3FB3];
	_ =	sdelay $0x3  }
0x37: {  	[smem:$0x3FB3] =	sst s10  }
0x38: {  	s10 =	sld [smem:$0x3FB4]  }
0x39: {  	_ = 	snop;
	(pc) =	sbr.ind lr, $3  }
0x3a: {  	_ = 	snop  }
0x3b: {  	_ = 	snop  }
0x3c: {  	p2 =	seq.s32 s10, $0x1;
	s10 =	sld [smem:$0x3FB3]  }
0x3d: {  	_ =	shalt  }
0x3e: {  	_ =	shalt  }
0x3f: {  	_ =	shalt  }
0x40: {  	_ =	shalt  }
0x41: {  	_ =	shalt  }
0x42: {  	_ =	shalt  }
0x43: {  	_ =	shalt  }
0x44: {  	_ =	shalt  }
0x45: {  	_ =	shalt  }
0x46: {  	_ =	shalt  }
0x47: {  	_ =	shalt  }
0x48: {  	_ =	shalt  }
0x49: {  	_ =	shalt  }
0x4a: {  	_ =	shalt  }
0x4b: {  	_ =	shalt  }
0x4c: {  	_ =	shalt  }
0x4d: {  	_ =	shalt  }
0x4e: {  	_ =	shalt  }
0x4f: {  	_ =	shalt  }
0x50: {  	_ =	shalt  }
0x51: {  	_ =	shalt  }
0x52: {  	_ =	shalt  }
0x53: {  	_ =	shalt  }
0x54: {  	_ =	shalt  }
0x55: {  	_ =	shalt  }
0x56: {  	_ =	shalt  }
0x57: {  	_ =	shalt  }
0x58: {  	_ =	shalt  }
0x59: {  	_ =	shalt  }
0x5a: {  	_ =	shalt  }
0x5b: {  	_ =	shalt  }
0x5c: {  	_ =	shalt  }
0x5d: {  	_ =	shalt  }
0x5e: {  	_ =	shalt  }
0x5f: {  	_ =	shalt  }
0x60: {  	_ =	shalt  }
0x61: {  	_ =	shalt  }
0x62: {  	_ =	shalt  }
0x63: {  	_ =	shalt  }
0x64: {  	_ =	shalt  }
0x65: {  	_ =	shalt  }
0x66: {  	_ =	shalt  }
0x67: {  	_ =	shalt  }
0x68: {  	_ =	shalt  }
0x69: {  	_ =	shalt  }
0x6a: {  	_ =	shalt  }
0x6b: {  	_ =	shalt  }
0x6c: {  	_ =	shalt  }
0x6d: {  	_ =	shalt  }
0x6e: {  	_ =	shalt  }
0x6f: {  	_ =	shalt  }
0x70: {  	_ =	shalt  }
0x71: {  	_ =	shalt  }
0x72: {  	_ =	shalt  }
0x73: {  	_ =	shalt  }
0x74: {  	_ =	shalt  }
0x75: {  	_ =	shalt  }
0x76: {  	_ =	shalt  }
0x77: {  	_ =	shalt  }
0x78: {  	_ =	shalt  }
0x79: {  	_ =	shalt  }
0x7a: {  	_ =	shalt  }
0x7b: {  	_ =	shalt  }
0x7c: {  	_ =	shalt  }
0x7d: {  	_ =	shalt  }
0x7e: {  	_ =	shalt  }
0x7f: {  	_ =	shalt  }
0x80: {  	_ =	shalt  }
0x81: {  	_ =	shalt  }
0x82: {  	_ =	shalt  }
0x83: {  	_ =	shalt  }
0x84: {  	_ =	shalt  }
0x85: {  	_ =	shalt  }
0x86: {  	_ =	shalt  }
0x87: {  	_ =	shalt  }
.Lfunc_end0:
.L_simem_size_0:
called_computation.1_lowered:
.L_overlay_start_0:
0x88: {  	s2 =	sld [smem:$0x3FD9]  }
0x89: {  	s3 =	sld [smem:$0x3FFE];
	_ =	sdelay $0x1  }
0x8a: {  	s1 =	srdreg.scid  }
0x8b: {  	s0 =	sand.u32 $0x1, s1  }
0x8c: {  	s17 =	sshll.u32 s0, $0xA;
	s2 =	sadd.s32 s3, s2  }
0x8d: {  	s2 =	sadd.s32 s2, s17  }
0x8e: {  	[smem:$0x3FBF] =	sst s2  }
0x8f: {  	_ = 	snop  }
0x90: {  	s18 =	sld [smem:$0x3FC9];
	(tm) =	ssettm $0x1  }
0x91: {  	s19 =	sld [smem:$0x3FFB];
	_ =	sdelay $0x3  }
0x92: {  	_ =	strace s19  }
0x93: {  	s2 =	sld [smem:$0x3FFC];
	_ =	sdelay $0x3  }
0x94: {  	_ =	strace s2  }
0x95: {  	s2 =	sld [smem:$0x3FFD];
	_ =	sdelay $0x3  }
0x96: {  	_ =	strace s2  }
0x97: {  	_ =	strace $0x8FFFFFFF  }
0x98: {  	s20 =	sld [smem:$0x3FDB];
	_ =	sdelay $0x1  }
0x99: {  	s4 =	simm.s32 $_scs_section_size  }
0x9a: {  	s5 =	simm.s32 $_size__tile_overlayer_lowered;
	s6 =	simm.s32 $_tile_overlayer_lowered  }
0x9b: {  	s7 =	simm.s32 $0x1BFF;
	s21 =	sshll.u32 s6, $0x1;
	s4 =	sadd.s32 s4, s20  }
0x9c: {  	s22 =	simm.s32 $0x0;
	s5 =	sshll.u32 s5, $0x1;
	s6 =	sadd.s32 s21, s4  }
0x9d: {  	[timem:s22], [sflag:s7] =	dma.local [hbm:s6], s5  }
0x9e: {  	_ =	swait.ge [sflag:s7], s5  }
0x9f: {  	s5 =	ssub.s32 $0x0, s5;
	[sflag:s7] =	ssyncset.done $0x0  }
0xa0: {  	[sflag:s7] =	ssyncadd.s32 s5;
	_ =	sdelay $0x1  }
0xa1: {  	s23 =	simm.s32 $0x1B8B  }
0xa2: {  	_ =	swait.ge [sflag:s23], $0x1  }
0xa3: {  	[sflag:s23] =	ssyncset.done $0x0  }
0xa4: {  	[sflag:s23] =	ssyncadd.s32 $0xFFFFFFFF  }
0xa5: {  	s5 =	sld [smem:$0x0]  }
0xa6: {  	s6 =	sand.u32 $0xFFFFFFFE, s1  }
0xa7: {  	p0 =	sne.s32 s1, s6  }
0xa8: {  	s6 =	sshll.u32 @p0 s6, $0xE  }
0xa9: {  	s6 =	sadd.s32 @p0 $0x11B8D, s6;
	s7 =	sshll.u32 @p0 s5, $0x11  }
0xaa: {  	s6 =	sor.u32 @p0 s7, s6  }
0xab: {  	[sflag:s6] =	ssyncadd.remote.s32 @p0 $0x1;
	_ =	sdelay $0x1  }
0xac: {  	s6 =	simm.s32 @p0 $0x1B8D  }
0xad: {  	_ =	swait.eq @p0 [sflag:s6], $0x1  }
0xae: {  	[sflag:s6] =	ssyncadd.s32 @p0 $0xFFFFFFFF  }
0xaf: {  	s7 =	sshll.u32 @!p0 s1, $0xE  }
0xb0: {  	s7 =	sor.u32 @!p0 $0x4000, s7;
	s6 =	simm.s32 @!p0 $0x1B8D  }
0xb1: {  	s5 =	sshll.u32 @!p0 s5, $0x11;
	s7 =	sadd.s32 @!p0 $0x11B8D, s7;
	_ =	swait.eq @!p0 [sflag:s6], $0x1  }
0xb2: {  	s5 =	sor.u32 @!p0 s5, s7;
	[sflag:s6] =	ssyncadd.s32 @!p0 $0xFFFFFFFF  }
0xb3: {  	s25 =	simm.s32 $0x1B8E;
	s24 =	sld [smem:$0x3FFE];
	[sflag:s5] =	ssyncadd.remote.s32 @!p0 $0x1  }
0xb4: {  	s26 =	simm.s32 $execute0_lowered;
	[smem:$0x3FD2] =	sst s25  }
0xb5: {  	s6 =	sshll.u32 s26, $0x1;
	_ =	strace $0x80000049;
	[dreg:$0x1] =	wrdreg $0xFFFFFFFF  }
0xb6: {  	s28 =	simm.s32 $_size_execute0_lowered;
	s4 =	sadd.s32 s4, s6;
	[dreg:$0x0] =	wrdreg $0x0  }
0xb7: {  	s6 =	sshll.u32 s28, $0x1;
	[dreg:$0x2] =	wrdreg s4  }
0xb8: {  	[dreg:$0x3] =	wrdreg s6  }
0xb9: {  	[dreg:$0x4] =	wrdreg $0xC0  }
0xba: {  	_ =	task [dreg:s22], $0x5FFFF  }
0xbb: {  	[dreg:$0x1] =	wrdreg $0xFFFFFFFF  }
0xbc: {  	[dreg:$0x0] =	wrdreg $0x60  }
0xbd: {  	[dreg:$0x2] =	wrdreg s18  }
0xbe: {  	[dreg:$0x3] =	wrdreg s24  }
0xbf: {  	[dreg:$0x4] =	wrdreg $0xA  }
0xc0: {  	_ =	task.clear_ibuf [dreg:s22], $0x5FFFF;
	_ =	strace $0x90000049  }
0xc1: {  	s29 =	simm.s32 $0xA;
	_ =	strace $0x8000004B  }
0xc2: {  	_ =	swait.ge [sflag:s29], $0x1  }
0xc3: {  	[sflag:s29] =	ssyncadd.s32 $0xFFFFFFFF  }
0xc4: {  	_ =	strace $0x9000004B  }
0xc5: {  	_ =	sfence  }
0xc6: {  	s30 =	sld [smem:$0x0];
	_ =	sdelay $0x2  }
0xc7: {  	s31 =	sshll.u32 s1, $0xD;
	s1 =	sshrl.u32 s1, $0x2  }
0xc8: {  	s4 =	sand.u32 $0x4000, s31;
	s1 =	sadd.s32 s1, s30  }
0xc9: {  	s0 =	sor.u32 s4, s0;
	s1 =	sshll.u32 s1, $0x11  }
0xca: {  	s0 =	sor.u32 s1, s0  }
0xcb: {  	s0 =	sadd.s32 $0x8F2B, s0  }
0xcc: {  	[sflag:s0] =	ssyncadd.remote.s32 $0x1  }
0xcd: {  	_ =	sfence.sel $0xFFFF  }
0xce: {  	[dreg:$0x0] =	wrdreg $0xFFFFFFFF;
	(pc) =	sbr.abs _section_cstart, $3  }
0xcf: {  	[dreg:$0x1] =	wrdreg $0xFFFFFFFF  }
0xd0: {  	_ =	task.clear_ibuf [dreg:s22], $0x2FFFF;
	_ =	strace $0x9FFFFFFF  }
0xd1: {  	(tm) =	ssettm $0x7FFFFFFF  }
tec
execute0_lowered:
.L_overlay_start_1:
0x0: {  	(tag) =	ssettag $0x1  }
0x1: {  	s0 =	srdreg.scid  }
0x2: {  	s2 =	stileid.u32;
	s1 =	rddreg [dreg:$0x0]  }
0x3: {  	s3 =	rddreg [dreg:$0x1];
	s23 =	simm.s32 $0x10000;
	s24 =	simm.s32 $0x10200  }
0x4: {  	s25 =	simm.s32 $0x10400;
	s0 =	sand.u32 $0x1, s0;
	s2 =	sshll.u32 s2, $0x1  }
0x5: {  	s26 =	simm.s32 $0x10600;
	s4 =	sor.u32 s0, s2;
	s2 =	simm.s32 $0x0  }
0x6: {  	s16 =	simm.s32 $0x4;
	s31 =	simm.s32 $0x8800;
	[smem:$0x7FF] =	sst s2  }
0x7: {  	s29 =	simm.s32 $0xB000;
	_ =	strace $0x8000004A;
	[dreg:$0xa] =	wrdreg s23  }
0x8: {  	s28 =	simm.s32 $0xC000;
	s30 =	simm.s32 $0xD800;
	[dreg:$0xb] =	wrdreg s24  }
0x9: {  	s5 =	sshll.u32 s4, $0x6;
	s4 =	sshll.u32 s4, $0xE;
	[dreg:$0xc] =	wrdreg s25  }
0xa: {  	s5 =	sadd.s32 s5, s3;
	s19 =	sadd.s32 s1, s4;
	[dreg:$0xd] =	wrdreg s26  }
0xb: {  	s0 =	ssub.s32 $0x2, s0;
	s6 =	sadd.s32 $0x1600, s5;
	[dreg:$0xe] =	wrdreg s19  }
0xc: {  	s21 =	sshrl.u32 s0, $0x1;
	s17 =	sadd.s32 $0x1E00, s5;
	[dreg:$0x3] =	wrdreg s6  }
0xd: {  	s4 =	sadd.s32 $0x3600, s3;
	s18 =	sadd.s32 $0x2600, s5;
	[dreg:$0x4] =	wrdreg s17  }
0xe: {  	s0 =	ssub.s32 s0, s21;
	s5 =	sadd.s32 $0x2E00, s5;
	[dreg:$0x5] =	wrdreg s18  }
0xf: {  	s25 =	simm.s32 $0x3;
	s1 =	sadd.s32 $0x1000, s19;
	[dreg:$0x6] =	wrdreg s5  }
0x10: {  	s26 =	simm.s32 $0xB800;
	s20 =	sadd.s32 $0x2000, s19;
	[dreg:$0x7] =	wrdreg s1  }
0x11: {  	v2 =	vlaneseq.u32;
	s23 =	simm.s32 $0xC800;
	s22 =	sadd.s32 $0x3000, s19;
	[dreg:$0x8] =	wrdreg s20  }
0x12: {  	vm0 =	vmmov $0xffff;
	v1 =	vshrl.u32 v2, $0x3;
	s24 =	simm.s32 $0xD000;
	s21 =	simm.s32 $0xF000;
	[dreg:$0x9] =	wrdreg s22  }
0x13: {  	v0 =	vand.u32 $0x7, v2;
	v2 =	vor.u32 $0x8, v2;
	v1 =	vmul.u32 $0x8, v1;
	s5 =	sadd.s32 $0x3700, s3;
	s3 =	smax.u32 s0, $0x1;
	s22 =	simm.s32 $0xF800  }
.LBB2_1:
0x14: {  	[dreg:$0xf] =	wrdreg s3  }
0x15: {  	s17 =	rddreg [dreg:$0x3]  }
0x16: {  	s18 =	rddreg [dreg:$0xa];
	s0 =	simm.s32 $0x5  }
0x17: {  	[tilespmem:s18], [sflag:$0x5] =	stream.linear.gather [hbm4b:s17+s2], $0x200, $0x38;
	[tilespmem:$0x10800] =	vst v63  }
0x18: {  	_ =	swait.ge [sflag:s0], $0x200  }
0x19: {  	s18 =	rddreg [dreg:$0x4];
	[sflag:s0] =	ssyncset.done $0x0  }
0x1a: {  	s19 =	rddreg [dreg:$0xb];
	[sflag:s0] =	ssyncadd.s32 $0xFFFFFE00  }
0x1b: {  	[tilespmem:s19], [sflag:$0x5] =	stream.linear.gather [hbm4b:s18+s2], $0x200, $0x38;
	[tilespmem:$0x10800] =	vst v63  }
0x1c: {  	_ =	swait.ge [sflag:s0], $0x200  }
0x1d: {  	s20 =	rddreg [dreg:$0x5];
	[sflag:s0] =	ssyncset.done $0x0  }
0x1e: {  	s1 =	rddreg [dreg:$0xc];
	[sflag:s0] =	ssyncadd.s32 $0xFFFFFE00  }
0x1f: {  	[tilespmem:s1], [sflag:$0x5] =	stream.linear.gather [hbm4b:s20+s2], $0x200, $0x38;
	[tilespmem:$0x10800] =	vst v63  }
0x20: {  	_ =	swait.ge [sflag:s0], $0x200  }
0x21: {  	s3 =	rddreg [dreg:$0x6];
	[sflag:s0] =	ssyncset.done $0x0  }
0x22: {  	s6 =	rddreg [dreg:$0xd];
	[sflag:s0] =	ssyncadd.s32 $0xFFFFFE00  }
0x23: {  	[tilespmem:s6], [sflag:$0x5] =	stream.linear.gather [hbm4b:s3+s2], $0x200, $0x38;
	[tilespmem:$0x10800] =	vst v63  }
0x24: {  	_ =	swait.ge [sflag:s0], $0x200  }
0x25: {  	[sflag:s0] =	ssyncset.done $0x0  }
0x26: {  	s8 =	rddreg [dreg:$0xe];
	[sflag:s0] =	ssyncadd.s32 $0xFFFFFE00  }
0x27: {  	[tilespmem:s2], [sflag:$0x1] =	stream.linear.gather [hbm4b:s8+s2], $0x8000, $0x38;
	[tilespmem:$0x10800] =	vst v63  }
0x28: {  	s9 =	simm.s32 $0x8000;
	s18 =	simm.s32 $0x1;
	s7 =	rddreg [dreg:$0x7]  }
0x29: {  	[tilespmem:s9], [sflag:$0x2] =	stream.linear.gather [hbm4b:s7+s2], $0x8000, $0x38;
	[tilespmem:$0x10800] =	vst v63  }
0x2a: {  	_ =	swait.ge [sflag:s18], $0x8000  }
0x2b: {  	[sflag:s18] =	ssyncset.done $0x0  }
0x2c: {  	[sflag:s18] =	ssyncadd.s32 $0xFFFF8000  }
0x2d: {  	v3 =	vld [tilespmem:$0x10000];
	_ =	sdelay $0x4  }
0x2e: {  	v4 =	vshll.u32 v3, $0x2  }
0x2f: {  	v3 =	vand.u32 $0x7, v3;
	v4 =	vand.u32 $0xFFFFFFE0, v4  }
0x30: {  	v3 =	vor.u32 v3, v4  }
0x31: {  	v4 =	vperm.xlane v3, v0;
	_ =	sdelay $0x1  }
0x32: {  	v4 =	vadd.s32 v1, v4;
	_ =	sdelay $0x1  }
0x33: {  	v3 =	vperm.xlane v3, v2;
	_ =	sdelay $0x1  }
0x34: {  	v3 =	vadd.s32 v1, v3  }
0x35: {  	[hbm4b:s4+s2] =	stream.indirect_vreg.scatter [tilespmem:s2], [sflag:$0x3], $0x80, v4, vm0, $0xb8;
	[tilespmem:$0x10800] =	vst v63  }
0x36: {  	s10 =	simm.s32 $0x800  }
0x37: {  	[hbm4b:s5+s2] =	stream.indirect_vreg.scatter [tilespmem:s10], [sflag:$0x3], $0x80, v4, vm0, $0xb8;
	[tilespmem:$0x10800] =	vst v63  }
0x38: {  	s11 =	simm.s32 $0x1000  }
0x39: {  	[hbm4b:s4+s2] =	stream.indirect_vreg.scatter [tilespmem:s11], [sflag:$0x3], $0x80, v3, vm0, $0xb8;
	[tilespmem:$0x10800] =	vst v63  }
0x3a: {  	s12 =	simm.s32 $0x1800  }
0x3b: {  	[hbm4b:s5+s2] =	stream.indirect_vreg.scatter [tilespmem:s12], [sflag:$0x3], $0x80, v3, vm0, $0xb8;
	[tilespmem:$0x10800] =	vst v63  }
0x3c: {  	v3 =	vld [tilespmem:$0x10010];
	_ =	sdelay $0x4  }
0x3d: {  	v57 =	vshll.u32 v3, $0x2  }
0x3e: {  	v3 =	vand.u32 $0x7, v3;
	v4 =	vand.u32 $0xFFFFFFE0, v57  }
0x3f: {  	v3 =	vor.u32 v3, v4  }
0x40: {  	v4 =	vperm.xlane v3, v0;
	_ =	sdelay $0x1  }
0x41: {  	v4 =	vadd.s32 v1, v4;
	_ =	sdelay $0x1  }
0x42: {  	v3 =	vperm.xlane v3, v2;
	_ =	sdelay $0x1  }
0x43: {  	s13 =	simm.s32 $0x2000;
	v3 =	vadd.s32 v1, v3  }
0x44: {  	[hbm4b:s4+s2] =	stream.indirect_vreg.scatter [tilespmem:s13], [sflag:$0x3], $0x80, v4, vm0, $0xb8;
	[tilespmem:$0x10800] =	vst v63  }
0x45: {  	s14 =	simm.s32 $0x2800  }
0x46: {  	[hbm4b:s5+s2] =	stream.indirect_vreg.scatter [tilespmem:s14], [sflag:$0x3], $0x80, v4, vm0, $0xb8;
	[tilespmem:$0x10800] =	vst v63  }
0x47: {  	s15 =	simm.s32 $0x3000  }
0x48: {  	[hbm4b:s4+s2] =	stream.indirect_vreg.scatter [tilespmem:s15], [sflag:$0x3], $0x80, v3, vm0, $0xb8;
	[tilespmem:$0x10800] =	vst v63  }
0x49: {  	s17 =	simm.s32 $0x3800  }
0x4a: {  	[hbm4b:s5+s2] =	stream.indirect_vreg.scatter [tilespmem:s17], [sflag:$0x3], $0x80, v3, vm0, $0xb8;
	[tilespmem:$0x10800] =	vst v63  }
0x4b: {  	v3 =	vld [tilespmem:$0x10020];
	_ =	sdelay $0x4  }
0x4c: {  	v58 =	vshll.u32 v3, $0x2  }
0x4d: {  	v3 =	vand.u32 $0x7, v3;
	v4 =	vand.u32 $0xFFFFFFE0, v58  }
0x4e: {  	v3 =	vor.u32 v3, v4  }
0x4f: {  	v4 =	vperm.xlane v3, v0;
	_ =	sdelay $0x1  }
0x50: {  	v4 =	vadd.s32 v1, v4;
	_ =	sdelay $0x1  }
0x51: {  	v3 =	vperm.xlane v3, v2;
	_ =	sdelay $0x1  }
0x52: {  	s19 =	simm.s32 $0x4000;
	v3 =	vadd.s32 v1, v3  }
0x53: {  	[hbm4b:s4+s2] =	stream.indirect_vreg.scatter [tilespmem:s19], [sflag:$0x3], $0x80, v4, vm0, $0xb8;
	[tilespmem:$0x10800] =	vst v63  }
0x54: {  	s20 =	simm.s32 $0x4800  }
0x55: {  	[hbm4b:s5+s2] =	stream.indirect_vreg.scatter [tilespmem:s20], [sflag:$0x3], $0x80, v4, vm0, $0xb8;
	[tilespmem:$0x10800] =	vst v63  }
0x56: {  	s3 =	simm.s32 $0x5000  }
0x57: {  	[hbm4b:s4+s2] =	stream.indirect_vreg.scatter [tilespmem:s3], [sflag:$0x3], $0x80, v3, vm0, $0xb8;
	[tilespmem:$0x10800] =	vst v63  }
0x58: {  	s8 =	simm.s32 $0x5800  }
0x59: {  	[hbm4b:s5+s2] =	stream.indirect_vreg.scatter [tilespmem:s8], [sflag:$0x3], $0x80, v3, vm0, $0xb8;
	[tilespmem:$0x10800] =	vst v63  }
0x5a: {  	v3 =	vld [tilespmem:$0x10030];
	_ =	sdelay $0x4  }
0x5b: {  	v59 =	vshll.u32 v3, $0x2  }
0x5c: {  	v3 =	vand.u32 $0x7, v3;
	v4 =	vand.u32 $0xFFFFFFE0, v59  }
0x5d: {  	v3 =	vor.u32 v3, v4  }
0x5e: {  	v4 =	vperm.xlane v3, v0;
	_ =	sdelay $0x1  }
0x5f: {  	v4 =	vadd.s32 v1, v4;
	_ =	sdelay $0x1  }
0x60: {  	v3 =	vperm.xlane v3, v2;
	_ =	sdelay $0x1  }
0x61: {  	s9 =	simm.s32 $0x6000;
	v3 =	vadd.s32 v1, v3  }
0x62: {  	[hbm4b:s4+s2] =	stream.indirect_vreg.scatter [tilespmem:s9], [sflag:$0x3], $0x80, v4, vm0, $0xb8;
	[tilespmem:$0x10800] =	vst v63  }
0x63: {  	s10 =	simm.s32 $0x6800  }
0x64: {  	[hbm4b:s5+s2] =	stream.indirect_vreg.scatter [tilespmem:s10], [sflag:$0x3], $0x80, v4, vm0, $0xb8;
	[tilespmem:$0x10800] =	vst v63  }
0x65: {  	s14 =	simm.s32 $0x7000  }
0x66: {  	[hbm4b:s4+s2] =	stream.indirect_vreg.scatter [tilespmem:s14], [sflag:$0x3], $0x80, v3, vm0, $0xb8;
	[tilespmem:$0x10800] =	vst v63  }
0x67: {  	s15 =	simm.s32 $0x7800  }
0x68: {  	[hbm4b:s5+s2] =	stream.indirect_vreg.scatter [tilespmem:s15], [sflag:$0x3], $0x80, v3, vm0, $0xb8;
	[tilespmem:$0x10800] =	vst v63  }
0x69: {  	v3 =	vld [tilespmem:$0x10200];
	_ =	sdelay $0x4  }
0x6a: {  	v60 =	vshll.u32 v3, $0x2  }
0x6b: {  	v3 =	vand.u32 $0x7, v3;
	v4 =	vand.u32 $0xFFFFFFE0, v60  }
0x6c: {  	v3 =	vor.u32 v3, v4  }
0x6d: {  	v4 =	vperm.xlane v3, v0;
	_ =	sdelay $0x1  }
0x6e: {  	v4 =	vadd.s32 v1, v4;
	_ =	sdelay $0x1  }
0x6f: {  	v3 =	vperm.xlane v3, v2;
	_ =	sdelay $0x1  }
0x70: {  	v3 =	vadd.s32 v1, v3  }
0x71: {  	[hbm4b:s4+s2] =	stream.indirect_vreg.scatter [tilespmem:s2], [sflag:$0x3], $0x80, v4, vm0, $0xb8;
	[tilespmem:$0x10800] =	vst v63  }
0x72: {  	s1 =	simm.s32 $0x800  }
0x73: {  	[hbm4b:s5+s2] =	stream.indirect_vreg.scatter [tilespmem:s1], [sflag:$0x3], $0x80, v4, vm0, $0xb8;
	[tilespmem:$0x10800] =	vst v63  }
0x74: {  	s0 =	simm.s32 $0x1000  }
0x75: {  	[hbm4b:s4+s2] =	stream.indirect_vreg.scatter [tilespmem:s0], [sflag:$0x3], $0x80, v3, vm0, $0xb8;
	[tilespmem:$0x10800] =	vst v63  }
0x76: {  	s7 =	simm.s32 $0x1800  }
0x77: {  	[hbm4b:s5+s2] =	stream.indirect_vreg.scatter [tilespmem:s7], [sflag:$0x3], $0x80, v3, vm0, $0xb8;
	[tilespmem:$0x10800] =	vst v63  }
0x78: {  	v3 =	vld [tilespmem:$0x10210];
	_ =	sdelay $0x4  }
0x79: {  	v61 =	vshll.u32 v3, $0x2  }
0x7a: {  	v3 =	vand.u32 $0x7, v3;
	v4 =	vand.u32 $0xFFFFFFE0, v61  }
0x7b: {  	v3 =	vor.u32 v3, v4  }
0x7c: {  	v4 =	vperm.xlane v3, v0;
	_ =	sdelay $0x1  }
0x7d: {  	v4 =	vadd.s32 v1, v4;
	_ =	sdelay $0x1  }
0x7e: {  	v3 =	vperm.xlane v3, v2;
	_ =	sdelay $0x1  }
0x7f: {  	s6 =	simm.s32 $0x2000;
	v3 =	vadd.s32 v1, v3  }
0x80: {  	[hbm4b:s4+s2] =	stream.indirect_vreg.scatter [tilespmem:s6], [sflag:$0x3], $0x80, v4, vm0, $0xb8;
	[tilespmem:$0x10800] =	vst v63  }
0x81: {  	s11 =	simm.s32 $0x2800  }
0x82: {  	[hbm4b:s5+s2] =	stream.indirect_vreg.scatter [tilespmem:s11], [sflag:$0x3], $0x80, v4, vm0, $0xb8;
	[tilespmem:$0x10800] =	vst v63  }
0x83: {  	s12 =	simm.s32 $0x3000  }
0x84: {  	[hbm4b:s4+s2] =	stream.indirect_vreg.scatter [tilespmem:s12], [sflag:$0x3], $0x80, v3, vm0, $0xb8;
	[tilespmem:$0x10800] =	vst v63  }
0x85: {  	s13 =	simm.s32 $0x3800  }
0x86: {  	[hbm4b:s5+s2] =	stream.indirect_vreg.scatter [tilespmem:s13], [sflag:$0x3], $0x80, v3, vm0, $0xb8;
	[tilespmem:$0x10800] =	vst v63  }
0x87: {  	v3 =	vld [tilespmem:$0x10220];
	_ =	sdelay $0x4  }
0x88: {  	v62 =	vshll.u32 v3, $0x2  }
0x89: {  	v3 =	vand.u32 $0x7, v3;
	v4 =	vand.u32 $0xFFFFFFE0, v62  }
0x8a: {  	v3 =	vor.u32 v3, v4  }
0x8b: {  	v4 =	vperm.xlane v3, v0;
	_ =	sdelay $0x1  }
0x8c: {  	v4 =	vadd.s32 v1, v4;
	_ =	sdelay $0x1  }
0x8d: {  	v3 =	vperm.xlane v3, v2;
	_ =	sdelay $0x1  }
0x8e: {  	s17 =	simm.s32 $0x4000;
	v3 =	vadd.s32 v1, v3  }
0x8f: {  	[hbm4b:s4+s2] =	stream.indirect_vreg.scatter [tilespmem:s17], [sflag:$0x3], $0x80, v4, vm0, $0xb8;
	[tilespmem:$0x10800] =	vst v63  }
0x90: {  	s19 =	simm.s32 $0x4800  }
0x91: {  	[hbm4b:s5+s2] =	stream.indirect_vreg.scatter [tilespmem:s19], [sflag:$0x3], $0x80, v4, vm0, $0xb8;
	[tilespmem:$0x10800] =	vst v63  }
0x92: {  	s20 =	simm.s32 $0x5000  }
0x93: {  	[hbm4b:s4+s2] =	stream.indirect_vreg.scatter [tilespmem:s20], [sflag:$0x3], $0x80, v3, vm0, $0xb8;
	[tilespmem:$0x10800] =	vst v63  }
0x94: {  	s8 =	simm.s32 $0x5800  }
0x95: {  	[hbm4b:s5+s2] =	stream.indirect_vreg.scatter [tilespmem:s8], [sflag:$0x3], $0x80, v3, vm0, $0xb8;
	[tilespmem:$0x10800] =	vst v63  }
0x96: {  	v3 =	vld [tilespmem:$0x10230];
	_ =	sdelay $0x4  }
0x97: {  	v63 =	vshll.u32 v3, $0x2  }
0x98: {  	v3 =	vand.u32 $0x7, v3;
	v4 =	vand.u32 $0xFFFFFFE0, v63  }
0x99: {  	v3 =	vor.u32 v3, v4  }
0x9a: {  	v4 =	vperm.xlane v3, v0;
	_ =	sdelay $0x1  }
0x9b: {  	v4 =	vadd.s32 v1, v4;
	_ =	sdelay $0x1  }
0x9c: {  	v3 =	vperm.xlane v3, v2;
	_ =	sdelay $0x1  }
0x9d: {  	s9 =	simm.s32 $0x6000;
	v3 =	vadd.s32 v1, v3  }
0x9e: {  	[hbm4b:s4+s2] =	stream.indirect_vreg.scatter [tilespmem:s9], [sflag:$0x3], $0x80, v4, vm0, $0xb8;
	[tilespmem:$0x10800] =	vst v63  }
0x9f: {  	s3 =	simm.s32 $0x6800  }
0xa0: {  	[hbm4b:s5+s2] =	stream.indirect_vreg.scatter [tilespmem:s3], [sflag:$0x3], $0x80, v4, vm0, $0xb8;
	[tilespmem:$0x10800] =	vst v63  }
0xa1: {  	s10 =	simm.s32 $0x7000  }
0xa2: {  	[hbm4b:s4+s2] =	stream.indirect_vreg.scatter [tilespmem:s10], [sflag:$0x3], $0x80, v3, vm0, $0xb8;
	[tilespmem:$0x10800] =	vst v63  }
0xa3: {  	s14 =	simm.s32 $0x7800  }
0xa4: {  	[hbm4b:s5+s2] =	stream.indirect_vreg.scatter [tilespmem:s14], [sflag:$0x3], $0x80, v3, vm0, $0xb8;
	[tilespmem:$0x10800] =	vst v63  }
0xa5: {  	v3 =	vld [tilespmem:$0x10400];
	_ =	sdelay $0x4  }
0xa6: {  	v8 =	vshll.u32 v3, $0x2  }
0xa7: {  	v3 =	vand.u32 $0x7, v3;
	v4 =	vand.u32 $0xFFFFFFE0, v8  }
0xa8: {  	v3 =	vor.u32 v3, v4  }
0xa9: {  	v4 =	vperm.xlane v3, v0;
	_ =	sdelay $0x1  }
0xaa: {  	v4 =	vadd.s32 v1, v4;
	_ =	sdelay $0x1  }
0xab: {  	v3 =	vperm.xlane v3, v2;
	_ =	sdelay $0x1  }
0xac: {  	v3 =	vadd.s32 v1, v3  }
0xad: {  	[hbm4b:s4+s2] =	stream.indirect_vreg.scatter [tilespmem:s2], [sflag:$0x3], $0x80, v4, vm0, $0xb8;
	[tilespmem:$0x10800] =	vst v63  }
0xae: {  	_ = 	snop  }
0xaf: {  	[hbm4b:s5+s2] =	stream.indirect_vreg.scatter [tilespmem:s1], [sflag:$0x3], $0x80, v4, vm0, $0xb8;
	[tilespmem:$0x10800] =	vst v63  }
0xb0: {  	_ = 	snop  }
0xb1: {  	[hbm4b:s4+s2] =	stream.indirect_vreg.scatter [tilespmem:s0], [sflag:$0x3], $0x80, v3, vm0, $0xb8;
	[tilespmem:$0x10800] =	vst v63  }
0xb2: {  	s7 =	simm.s32 $0x1800  }
0xb3: {  	[hbm4b:s5+s2] =	stream.indirect_vreg.scatter [tilespmem:s7], [sflag:$0x3], $0x80, v3, vm0, $0xb8;
	[tilespmem:$0x10800] =	vst v63  }
0xb4: {  	v3 =	vld [tilespmem:$0x10410];
	_ =	sdelay $0x4  }
0xb5: {  	v9 =	vshll.u32 v3, $0x2  }
0xb6: {  	v3 =	vand.u32 $0x7, v3;
	v4 =	vand.u32 $0xFFFFFFE0, v9  }
0xb7: {  	v3 =	vor.u32 v3, v4  }
0xb8: {  	v4 =	vperm.xlane v3, v0;
	_ =	sdelay $0x1  }
0xb9: {  	v4 =	vadd.s32 v1, v4;
	_ =	sdelay $0x1  }
0xba: {  	v3 =	vperm.xlane v3, v2;
	_ =	sdelay $0x1  }
0xbb: {  	s6 =	simm.s32 $0x2000;
	v3 =	vadd.s32 v1, v3  }
0xbc: {  	[hbm4b:s4+s2] =	stream.indirect_vreg.scatter [tilespmem:s6], [sflag:$0x3], $0x80, v4, vm0, $0xb8;
	[tilespmem:$0x10800] =	vst v63  }
0xbd: {  	s11 =	simm.s32 $0x2800  }
0xbe: {  	[hbm4b:s5+s2] =	stream.indirect_vreg.scatter [tilespmem:s11], [sflag:$0x3], $0x80, v4, vm0, $0xb8;
	[tilespmem:$0x10800] =	vst v63  }
0xbf: {  	s12 =	simm.s32 $0x3000  }
0xc0: {  	[hbm4b:s4+s2] =	stream.indirect_vreg.scatter [tilespmem:s12], [sflag:$0x3], $0x80, v3, vm0, $0xb8;
	[tilespmem:$0x10800] =	vst v63  }
0xc1: {  	s15 =	simm.s32 $0x3800  }
0xc2: {  	[hbm4b:s5+s2] =	stream.indirect_vreg.scatter [tilespmem:s15], [sflag:$0x3], $0x80, v3, vm0, $0xb8;
	[tilespmem:$0x10800] =	vst v63  }
0xc3: {  	v3 =	vld [tilespmem:$0x10420];
	_ =	sdelay $0x4  }
0xc4: {  	v10 =	vshll.u32 v3, $0x2  }
0xc5: {  	v3 =	vand.u32 $0x7, v3;
	v4 =	vand.u32 $0xFFFFFFE0, v10  }
0xc6: {  	v3 =	vor.u32 v3, v4  }
0xc7: {  	v4 =	vperm.xlane v3, v0;
	_ =	sdelay $0x1  }
0xc8: {  	v4 =	vadd.s32 v1, v4;
	_ =	sdelay $0x1  }
0xc9: {  	v3 =	vperm.xlane v3, v2;
	_ =	sdelay $0x1  }
0xca: {  	s17 =	simm.s32 $0x4000;
	v3 =	vadd.s32 v1, v3  }
0xcb: {  	[hbm4b:s4+s2] =	stream.indirect_vreg.scatter [tilespmem:s17], [sflag:$0x3], $0x80, v4, vm0, $0xb8;
	[tilespmem:$0x10800] =	vst v63  }
0xcc: {  	s19 =	simm.s32 $0x4800  }
0xcd: {  	[hbm4b:s5+s2] =	stream.indirect_vreg.scatter [tilespmem:s19], [sflag:$0x3], $0x80, v4, vm0, $0xb8;
	[tilespmem:$0x10800] =	vst v63  }
0xce: {  	s20 =	simm.s32 $0x5000  }
0xcf: {  	[hbm4b:s4+s2] =	stream.indirect_vreg.scatter [tilespmem:s20], [sflag:$0x3], $0x80, v3, vm0, $0xb8;
	[tilespmem:$0x10800] =	vst v63  }
0xd0: {  	s8 =	simm.s32 $0x5800  }
0xd1: {  	[hbm4b:s5+s2] =	stream.indirect_vreg.scatter [tilespmem:s8], [sflag:$0x3], $0x80, v3, vm0, $0xb8;
	[tilespmem:$0x10800] =	vst v63  }
0xd2: {  	v3 =	vld [tilespmem:$0x10430];
	_ =	sdelay $0x4  }
0xd3: {  	v11 =	vshll.u32 v3, $0x2  }
0xd4: {  	v3 =	vand.u32 $0x7, v3;
	v4 =	vand.u32 $0xFFFFFFE0, v11  }
0xd5: {  	v3 =	vor.u32 v3, v4  }
0xd6: {  	v4 =	vperm.xlane v3, v0;
	_ =	sdelay $0x1  }
0xd7: {  	v4 =	vadd.s32 v1, v4;
	_ =	sdelay $0x1  }
0xd8: {  	v3 =	vperm.xlane v3, v2;
	_ =	sdelay $0x1  }
0xd9: {  	s9 =	simm.s32 $0x6000;
	v3 =	vadd.s32 v1, v3  }
0xda: {  	[hbm4b:s4+s2] =	stream.indirect_vreg.scatter [tilespmem:s9], [sflag:$0x3], $0x80, v4, vm0, $0xb8;
	[tilespmem:$0x10800] =	vst v63  }
0xdb: {  	s13 =	simm.s32 $0x6800  }
0xdc: {  	[hbm4b:s5+s2] =	stream.indirect_vreg.scatter [tilespmem:s13], [sflag:$0x3], $0x80, v4, vm0, $0xb8;
	[tilespmem:$0x10800] =	vst v63  }
0xdd: {  	s10 =	simm.s32 $0x7000  }
0xde: {  	[hbm4b:s4+s2] =	stream.indirect_vreg.scatter [tilespmem:s10], [sflag:$0x3], $0x80, v3, vm0, $0xb8;
	[tilespmem:$0x10800] =	vst v63  }
0xdf: {  	s14 =	simm.s32 $0x7800  }
0xe0: {  	[hbm4b:s5+s2] =	stream.indirect_vreg.scatter [tilespmem:s14], [sflag:$0x3], $0x80, v3, vm0, $0xb8;
	[tilespmem:$0x10800] =	vst v63  }
0xe1: {  	v3 =	vld [tilespmem:$0x10600];
	_ =	sdelay $0x4  }
0xe2: {  	v12 =	vshll.u32 v3, $0x2  }
0xe3: {  	v3 =	vand.u32 $0x7, v3;
	v4 =	vand.u32 $0xFFFFFFE0, v12  }
0xe4: {  	v3 =	vor.u32 v3, v4  }
0xe5: {  	v4 =	vperm.xlane v3, v0;
	_ =	sdelay $0x1  }
0xe6: {  	v4 =	vadd.s32 v1, v4;
	_ =	sdelay $0x1  }
0xe7: {  	v3 =	vperm.xlane v3, v2;
	_ =	sdelay $0x1  }
0xe8: {  	v3 =	vadd.s32 v1, v3  }
0xe9: {  	[hbm4b:s4+s2] =	stream.indirect_vreg.scatter [tilespmem:s2], [sflag:$0x3], $0x80, v4, vm0, $0xb8;
	[tilespmem:$0x10800] =	vst v63  }
0xea: {  	_ = 	snop  }
0xeb: {  	[hbm4b:s5+s2] =	stream.indirect_vreg.scatter [tilespmem:s1], [sflag:$0x3], $0x80, v4, vm0, $0xb8;
	[tilespmem:$0x10800] =	vst v63  }
0xec: {  	s0 =	simm.s32 $0x1000  }
0xed: {  	[hbm4b:s4+s2] =	stream.indirect_vreg.scatter [tilespmem:s0], [sflag:$0x3], $0x80, v3, vm0, $0xb8;
	[tilespmem:$0x10800] =	vst v63  }
0xee: {  	s7 =	simm.s32 $0x1800  }
0xef: {  	[hbm4b:s5+s2] =	stream.indirect_vreg.scatter [tilespmem:s7], [sflag:$0x3], $0x80, v3, vm0, $0xb8;
	[tilespmem:$0x10800] =	vst v63  }
0xf0: {  	v3 =	vld [tilespmem:$0x10610];
	_ =	sdelay $0x4  }
0xf1: {  	v13 =	vshll.u32 v3, $0x2  }
0xf2: {  	v3 =	vand.u32 $0x7, v3;
	v4 =	vand.u32 $0xFFFFFFE0, v13  }
0xf3: {  	v3 =	vor.u32 v3, v4  }
0xf4: {  	v4 =	vperm.xlane v3, v0;
	_ =	sdelay $0x1  }
0xf5: {  	v4 =	vadd.s32 v1, v4;
	_ =	sdelay $0x1  }
0xf6: {  	v3 =	vperm.xlane v3, v2;
	_ =	sdelay $0x1  }
0xf7: {  	s6 =	simm.s32 $0x2000;
	v3 =	vadd.s32 v1, v3  }
0xf8: {  	[hbm4b:s4+s2] =	stream.indirect_vreg.scatter [tilespmem:s6], [sflag:$0x3], $0x80, v4, vm0, $0xb8;
	[tilespmem:$0x10800] =	vst v63  }
0xf9: {  	s11 =	simm.s32 $0x2800  }
0xfa: {  	[hbm4b:s5+s2] =	stream.indirect_vreg.scatter [tilespmem:s11], [sflag:$0x3], $0x80, v4, vm0, $0xb8;
	[tilespmem:$0x10800] =	vst v63  }
0xfb: {  	s12 =	simm.s32 $0x3000  }
0xfc: {  	[hbm4b:s4+s2] =	stream.indirect_vreg.scatter [tilespmem:s12], [sflag:$0x3], $0x80, v3, vm0, $0xb8;
	[tilespmem:$0x10800] =	vst v63  }
0xfd: {  	s15 =	simm.s32 $0x3800  }
0xfe: {  	[hbm4b:s5+s2] =	stream.indirect_vreg.scatter [tilespmem:s15], [sflag:$0x3], $0x80, v3, vm0, $0xb8;
	[tilespmem:$0x10800] =	vst v63  }
0xff: {  	v3 =	vld [tilespmem:$0x10620];
	_ =	sdelay $0x4  }
0x100: {  	v14 =	vshll.u32 v3, $0x2  }
0x101: {  	v3 =	vand.u32 $0x7, v3;
	v4 =	vand.u32 $0xFFFFFFE0, v14  }
0x102: {  	v3 =	vor.u32 v3, v4  }
0x103: {  	v4 =	vperm.xlane v3, v0;
	_ =	sdelay $0x1  }
0x104: {  	v4 =	vadd.s32 v1, v4;
	_ =	sdelay $0x1  }
0x105: {  	v3 =	vperm.xlane v3, v2;
	_ =	sdelay $0x1  }
0x106: {  	s17 =	simm.s32 $0x4000;
	v3 =	vadd.s32 v1, v3  }
0x107: {  	[hbm4b:s4+s2] =	stream.indirect_vreg.scatter [tilespmem:s17], [sflag:$0x3], $0x80, v4, vm0, $0xb8;
	[tilespmem:$0x10800] =	vst v63  }
0x108: {  	s19 =	simm.s32 $0x4800  }
0x109: {  	[hbm4b:s5+s2] =	stream.indirect_vreg.scatter [tilespmem:s19], [sflag:$0x3], $0x80, v4, vm0, $0xb8;
	[tilespmem:$0x10800] =	vst v63  }
0x10a: {  	s20 =	simm.s32 $0x5000  }
0x10b: {  	[hbm4b:s4+s2] =	stream.indirect_vreg.scatter [tilespmem:s20], [sflag:$0x3], $0x80, v3, vm0, $0xb8;
	[tilespmem:$0x10800] =	vst v63  }
0x10c: {  	s3 =	simm.s32 $0x5800  }
0x10d: {  	[hbm4b:s5+s2] =	stream.indirect_vreg.scatter [tilespmem:s3], [sflag:$0x3], $0x80, v3, vm0, $0xb8;
	[tilespmem:$0x10800] =	vst v63  }
0x10e: {  	v3 =	vld [tilespmem:$0x10630];
	_ =	sdelay $0x4  }
0x10f: {  	v15 =	vshll.u32 v3, $0x2  }
0x110: {  	v3 =	vand.u32 $0x7, v3;
	v4 =	vand.u32 $0xFFFFFFE0, v15  }
0x111: {  	v3 =	vor.u32 v3, v4  }
0x112: {  	v4 =	vperm.xlane v3, v0;
	_ =	sdelay $0x1  }
0x113: {  	v4 =	vadd.s32 v1, v4;
	_ =	sdelay $0x1  }
0x114: {  	v3 =	vperm.xlane v3, v2;
	_ =	sdelay $0x1  }
0x115: {  	s8 =	simm.s32 $0x6000;
	v3 =	vadd.s32 v1, v3  }
0x116: {  	[hbm4b:s4+s2] =	stream.indirect_vreg.scatter [tilespmem:s8], [sflag:$0x3], $0x80, v4, vm0, $0xb8;
	[tilespmem:$0x10800] =	vst v63  }
0x117: {  	s9 =	simm.s32 $0x6800  }
0x118: {  	[hbm4b:s5+s2] =	stream.indirect_vreg.scatter [tilespmem:s9], [sflag:$0x3], $0x80, v4, vm0, $0xb8;
	[tilespmem:$0x10800] =	vst v63  }
0x119: {  	s10 =	simm.s32 $0x7000  }
0x11a: {  	[hbm4b:s4+s2] =	stream.indirect_vreg.scatter [tilespmem:s10], [sflag:$0x3], $0x80, v3, vm0, $0xb8;
	[tilespmem:$0x10800] =	vst v63  }
0x11b: {  	s14 =	simm.s32 $0x7800  }
0x11c: {  	[hbm4b:s5+s2] =	stream.indirect_vreg.scatter [tilespmem:s14], [sflag:$0x3], $0x80, v3, vm0, $0xb8;
	[tilespmem:$0x10800] =	vst v63  }
0x11d: {  	_ =	swait.ge [sflag:s25], $0x8000  }
0x11e: {  	[sflag:s25] =	ssyncset.done $0x0  }
0x11f: {  	[sflag:s25] =	ssyncadd.s32 $0xFFFF8000  }
0x120: {  	_ =	swait.ge [sflag:s25], $0x8000  }
0x121: {  	[sflag:s25] =	ssyncset.done $0x0  }
0x122: {  	[sflag:s25] =	ssyncadd.s32 $0xFFFF8000  }
0x123: {  	_ =	swait.ge [sflag:s25], $0x8000  }
0x124: {  	[sflag:s25] =	ssyncset.done $0x0  }
0x125: {  	[sflag:s25] =	ssyncadd.s32 $0xFFFF8000  }
0x126: {  	_ =	swait.ge [sflag:s25], $0x8000  }
0x127: {  	[sflag:s25] =	ssyncset.done $0x0  }
0x128: {  	s19 =	simm.s32 $0x2;
	s15 =	rddreg [dreg:$0x8];
	[sflag:s25] =	ssyncadd.s32 $0xFFFF8000  }
0x129: {  	[tilespmem:s2], [sflag:$0x1] =	stream.linear.gather [hbm4b:s15+s2], $0x8000, $0x38;
	[tilespmem:$0x10800] =	vst v63  }
0x12a: {  	_ =	swait.ge [sflag:s19], $0x8000  }
0x12b: {  	[sflag:s19] =	ssyncset.done $0x0  }
0x12c: {  	[sflag:s19] =	ssyncadd.s32 $0xFFFF8000  }
0x12d: {  	v3 =	vld [tilespmem:$0x10080];
	_ =	sdelay $0x4  }
0x12e: {  	v16 =	vshll.u32 v3, $0x2  }
0x12f: {  	v3 =	vand.u32 $0x7, v3;
	v4 =	vand.u32 $0xFFFFFFE0, v16  }
0x130: {  	v3 =	vor.u32 v3, v4  }
0x131: {  	v4 =	vperm.xlane v3, v0;
	_ =	sdelay $0x1  }
0x132: {  	v4 =	vadd.s32 v1, v4;
	_ =	sdelay $0x1  }
0x133: {  	v3 =	vperm.xlane v3, v2;
	_ =	sdelay $0x1  }
0x134: {  	s17 =	simm.s32 $0x8000;
	v3 =	vadd.s32 v1, v3  }
0x135: {  	[hbm4b:s4+s2] =	stream.indirect_vreg.scatter [tilespmem:s17], [sflag:$0x4], $0x80, v4, vm0, $0xb8;
	[tilespmem:$0x10800] =	vst v63  }
0x136: {  	_ = 	snop  }
0x137: {  	[hbm4b:s5+s2] =	stream.indirect_vreg.scatter [tilespmem:s31], [sflag:$0x4], $0x80, v4, vm0, $0xb8;
	[tilespmem:$0x10800] =	vst v63  }
0x138: {  	s7 =	simm.s32 $0x9000  }
0x139: {  	[hbm4b:s4+s2] =	stream.indirect_vreg.scatter [tilespmem:s7], [sflag:$0x4], $0x80, v3, vm0, $0xb8;
	[tilespmem:$0x10800] =	vst v63  }
0x13a: {  	s8 =	simm.s32 $0x9800  }
0x13b: {  	[hbm4b:s5+s2] =	stream.indirect_vreg.scatter [tilespmem:s8], [sflag:$0x4], $0x80, v3, vm0, $0xb8;
	[tilespmem:$0x10800] =	vst v63  }
0x13c: {  	v3 =	vld [tilespmem:$0x10090];
	_ =	sdelay $0x4  }
0x13d: {  	v17 =	vshll.u32 v3, $0x2  }
0x13e: {  	v3 =	vand.u32 $0x7, v3;
	v4 =	vand.u32 $0xFFFFFFE0, v17  }
0x13f: {  	v3 =	vor.u32 v3, v4  }
0x140: {  	v4 =	vperm.xlane v3, v0;
	_ =	sdelay $0x1  }
0x141: {  	v4 =	vadd.s32 v1, v4;
	_ =	sdelay $0x1  }
0x142: {  	v3 =	vperm.xlane v3, v2;
	_ =	sdelay $0x1  }
0x143: {  	s10 =	simm.s32 $0xA000;
	v3 =	vadd.s32 v1, v3  }
0x144: {  	[hbm4b:s4+s2] =	stream.indirect_vreg.scatter [tilespmem:s10], [sflag:$0x4], $0x80, v4, vm0, $0xb8;
	[tilespmem:$0x10800] =	vst v63  }
0x145: {  	s12 =	simm.s32 $0xA800  }
0x146: {  	[hbm4b:s5+s2] =	stream.indirect_vreg.scatter [tilespmem:s12], [sflag:$0x4], $0x80, v4, vm0, $0xb8;
	[tilespmem:$0x10800] =	vst v63  }
0x147: {  	_ = 	snop  }
0x148: {  	[hbm4b:s4+s2] =	stream.indirect_vreg.scatter [tilespmem:s29], [sflag:$0x4], $0x80, v3, vm0, $0xb8;
	[tilespmem:$0x10800] =	vst v63  }
0x149: {  	_ = 	snop  }
0x14a: {  	[hbm4b:s5+s2] =	stream.indirect_vreg.scatter [tilespmem:s26], [sflag:$0x4], $0x80, v3, vm0, $0xb8;
	[tilespmem:$0x10800] =	vst v63  }
0x14b: {  	v3 =	vld [tilespmem:$0x100A0];
	_ =	sdelay $0x4  }
0x14c: {  	v18 =	vshll.u32 v3, $0x2  }
0x14d: {  	v3 =	vand.u32 $0x7, v3;
	v4 =	vand.u32 $0xFFFFFFE0, v18  }
0x14e: {  	v3 =	vor.u32 v3, v4  }
0x14f: {  	v4 =	vperm.xlane v3, v0;
	_ =	sdelay $0x1  }
0x150: {  	v4 =	vadd.s32 v1, v4;
	_ =	sdelay $0x1  }
0x151: {  	v3 =	vperm.xlane v3, v2;
	_ =	sdelay $0x1  }
0x152: {  	v3 =	vadd.s32 v1, v3  }
0x153: {  	[hbm4b:s4+s2] =	stream.indirect_vreg.scatter [tilespmem:s28], [sflag:$0x4], $0x80, v4, vm0, $0xb8;
	[tilespmem:$0x10800] =	vst v63  }
0x154: {  	_ = 	snop  }
0x155: {  	[hbm4b:s5+s2] =	stream.indirect_vreg.scatter [tilespmem:s23], [sflag:$0x4], $0x80, v4, vm0, $0xb8;
	[tilespmem:$0x10800] =	vst v63  }
0x156: {  	_ = 	snop  }
0x157: {  	[hbm4b:s4+s2] =	stream.indirect_vreg.scatter [tilespmem:s24], [sflag:$0x4], $0x80, v3, vm0, $0xb8;
	[tilespmem:$0x10800] =	vst v63  }
0x158: {  	_ = 	snop  }
0x159: {  	[hbm4b:s5+s2] =	stream.indirect_vreg.scatter [tilespmem:s30], [sflag:$0x4], $0x80, v3, vm0, $0xb8;
	[tilespmem:$0x10800] =	vst v63  }
0x15a: {  	v3 =	vld [tilespmem:$0x100B0];
	_ =	sdelay $0x4  }
0x15b: {  	v19 =	vshll.u32 v3, $0x2  }
0x15c: {  	v3 =	vand.u32 $0x7, v3;
	v4 =	vand.u32 $0xFFFFFFE0, v19  }
0x15d: {  	v3 =	vor.u32 v3, v4  }
0x15e: {  	v4 =	vperm.xlane v3, v0;
	_ =	sdelay $0x1  }
0x15f: {  	v4 =	vadd.s32 v1, v4;
	_ =	sdelay $0x1  }
0x160: {  	v3 =	vperm.xlane v3, v2;
	_ =	sdelay $0x1  }
0x161: {  	s14 =	simm.s32 $0xE000;
	v3 =	vadd.s32 v1, v3  }
0x162: {  	[hbm4b:s4+s2] =	stream.indirect_vreg.scatter [tilespmem:s14], [sflag:$0x4], $0x80, v4, vm0, $0xb8;
	[tilespmem:$0x10800] =	vst v63  }
0x163: {  	s20 =	simm.s32 $0xE800  }
0x164: {  	[hbm4b:s5+s2] =	stream.indirect_vreg.scatter [tilespmem:s20], [sflag:$0x4], $0x80, v4, vm0, $0xb8;
	[tilespmem:$0x10800] =	vst v63  }
0x165: {  	_ = 	snop  }
0x166: {  	[hbm4b:s4+s2] =	stream.indirect_vreg.scatter [tilespmem:s21], [sflag:$0x4], $0x80, v3, vm0, $0xb8;
	[tilespmem:$0x10800] =	vst v63  }
0x167: {  	_ = 	snop  }
0x168: {  	[hbm4b:s5+s2] =	stream.indirect_vreg.scatter [tilespmem:s22], [sflag:$0x4], $0x80, v3, vm0, $0xb8;
	[tilespmem:$0x10800] =	vst v63  }
0x169: {  	v3 =	vld [tilespmem:$0x10280];
	_ =	sdelay $0x4  }
0x16a: {  	v20 =	vshll.u32 v3, $0x2  }
0x16b: {  	v3 =	vand.u32 $0x7, v3;
	v4 =	vand.u32 $0xFFFFFFE0, v20  }
0x16c: {  	v3 =	vor.u32 v3, v4  }
0x16d: {  	v4 =	vperm.xlane v3, v0;
	_ =	sdelay $0x1  }
0x16e: {  	v4 =	vadd.s32 v1, v4;
	_ =	sdelay $0x1  }
0x16f: {  	v3 =	vperm.xlane v3, v2;
	_ =	sdelay $0x1  }
0x170: {  	v3 =	vadd.s32 v1, v3  }
0x171: {  	[hbm4b:s4+s2] =	stream.indirect_vreg.scatter [tilespmem:s17], [sflag:$0x4], $0x80, v4, vm0, $0xb8;
	[tilespmem:$0x10800] =	vst v63  }
0x172: {  	_ = 	snop  }
0x173: {  	[hbm4b:s5+s2] =	stream.indirect_vreg.scatter [tilespmem:s31], [sflag:$0x4], $0x80, v4, vm0, $0xb8;
	[tilespmem:$0x10800] =	vst v63  }
0x174: {  	s0 =	simm.s32 $0x9000  }
0x175: {  	[hbm4b:s4+s2] =	stream.indirect_vreg.scatter [tilespmem:s0], [sflag:$0x4], $0x80, v3, vm0, $0xb8;
	[tilespmem:$0x10800] =	vst v63  }
0x176: {  	s9 =	simm.s32 $0x9800  }
0x177: {  	[hbm4b:s5+s2] =	stream.indirect_vreg.scatter [tilespmem:s9], [sflag:$0x4], $0x80, v3, vm0, $0xb8;
	[tilespmem:$0x10800] =	vst v63  }
0x178: {  	v3 =	vld [tilespmem:$0x10290];
	_ =	sdelay $0x4  }
0x179: {  	v21 =	vshll.u32 v3, $0x2  }
0x17a: {  	v3 =	vand.u32 $0x7, v3;
	v4 =	vand.u32 $0xFFFFFFE0, v21  }
0x17b: {  	v3 =	vor.u32 v3, v4  }
0x17c: {  	v4 =	vperm.xlane v3, v0;
	_ =	sdelay $0x1  }
0x17d: {  	v4 =	vadd.s32 v1, v4;
	_ =	sdelay $0x1  }
0x17e: {  	v3 =	vperm.xlane v3, v2;
	_ =	sdelay $0x1  }
0x17f: {  	s11 =	simm.s32 $0xA000;
	v3 =	vadd.s32 v1, v3  }
0x180: {  	[hbm4b:s4+s2] =	stream.indirect_vreg.scatter [tilespmem:s11], [sflag:$0x4], $0x80, v4, vm0, $0xb8;
	[tilespmem:$0x10800] =	vst v63  }
0x181: {  	s13 =	simm.s32 $0xA800  }
0x182: {  	[hbm4b:s5+s2] =	stream.indirect_vreg.scatter [tilespmem:s13], [sflag:$0x4], $0x80, v4, vm0, $0xb8;
	[tilespmem:$0x10800] =	vst v63  }
0x183: {  	_ = 	snop  }
0x184: {  	[hbm4b:s4+s2] =	stream.indirect_vreg.scatter [tilespmem:s29], [sflag:$0x4], $0x80, v3, vm0, $0xb8;
	[tilespmem:$0x10800] =	vst v63  }
0x185: {  	_ = 	snop  }
0x186: {  	[hbm4b:s5+s2] =	stream.indirect_vreg.scatter [tilespmem:s26], [sflag:$0x4], $0x80, v3, vm0, $0xb8;
	[tilespmem:$0x10800] =	vst v63  }
0x187: {  	v3 =	vld [tilespmem:$0x102A0];
	_ =	sdelay $0x4  }
0x188: {  	v22 =	vshll.u32 v3, $0x2  }
0x189: {  	v3 =	vand.u32 $0x7, v3;
	v4 =	vand.u32 $0xFFFFFFE0, v22  }
0x18a: {  	v3 =	vor.u32 v3, v4  }
0x18b: {  	v4 =	vperm.xlane v3, v0;
	_ =	sdelay $0x1  }
0x18c: {  	v4 =	vadd.s32 v1, v4;
	_ =	sdelay $0x1  }
0x18d: {  	v3 =	vperm.xlane v3, v2;
	_ =	sdelay $0x1  }
0x18e: {  	v3 =	vadd.s32 v1, v3  }
0x18f: {  	[hbm4b:s4+s2] =	stream.indirect_vreg.scatter [tilespmem:s28], [sflag:$0x4], $0x80, v4, vm0, $0xb8;
	[tilespmem:$0x10800] =	vst v63  }
0x190: {  	_ = 	snop  }
0x191: {  	[hbm4b:s5+s2] =	stream.indirect_vreg.scatter [tilespmem:s23], [sflag:$0x4], $0x80, v4, vm0, $0xb8;
	[tilespmem:$0x10800] =	vst v63  }
0x192: {  	_ = 	snop  }
0x193: {  	[hbm4b:s4+s2] =	stream.indirect_vreg.scatter [tilespmem:s24], [sflag:$0x4], $0x80, v3, vm0, $0xb8;
	[tilespmem:$0x10800] =	vst v63  }
0x194: {  	_ = 	snop  }
0x195: {  	[hbm4b:s5+s2] =	stream.indirect_vreg.scatter [tilespmem:s30], [sflag:$0x4], $0x80, v3, vm0, $0xb8;
	[tilespmem:$0x10800] =	vst v63  }
0x196: {  	v3 =	vld [tilespmem:$0x102B0];
	_ =	sdelay $0x4  }
0x197: {  	v23 =	vshll.u32 v3, $0x2  }
0x198: {  	v3 =	vand.u32 $0x7, v3;
	v4 =	vand.u32 $0xFFFFFFE0, v23  }
0x199: {  	v3 =	vor.u32 v3, v4  }
0x19a: {  	v4 =	vperm.xlane v3, v0;
	_ =	sdelay $0x1  }
0x19b: {  	v4 =	vadd.s32 v1, v4;
	_ =	sdelay $0x1  }
0x19c: {  	v3 =	vperm.xlane v3, v2;
	_ =	sdelay $0x1  }
0x19d: {  	s15 =	simm.s32 $0xE000;
	v3 =	vadd.s32 v1, v3  }
0x19e: {  	[hbm4b:s4+s2] =	stream.indirect_vreg.scatter [tilespmem:s15], [sflag:$0x4], $0x80, v4, vm0, $0xb8;
	[tilespmem:$0x10800] =	vst v63  }
0x19f: {  	_ = 	snop  }
0x1a0: {  	[hbm4b:s5+s2] =	stream.indirect_vreg.scatter [tilespmem:s20], [sflag:$0x4], $0x80, v4, vm0, $0xb8;
	[tilespmem:$0x10800] =	vst v63  }
0x1a1: {  	_ = 	snop  }
0x1a2: {  	[hbm4b:s4+s2] =	stream.indirect_vreg.scatter [tilespmem:s21], [sflag:$0x4], $0x80, v3, vm0, $0xb8;
	[tilespmem:$0x10800] =	vst v63  }
0x1a3: {  	_ = 	snop  }
0x1a4: {  	[hbm4b:s5+s2] =	stream.indirect_vreg.scatter [tilespmem:s22], [sflag:$0x4], $0x80, v3, vm0, $0xb8;
	[tilespmem:$0x10800] =	vst v63  }
0x1a5: {  	v3 =	vld [tilespmem:$0x10480];
	_ =	sdelay $0x4  }
0x1a6: {  	v24 =	vshll.u32 v3, $0x2  }
0x1a7: {  	v3 =	vand.u32 $0x7, v3;
	v4 =	vand.u32 $0xFFFFFFE0, v24  }
0x1a8: {  	v3 =	vor.u32 v3, v4  }
0x1a9: {  	v4 =	vperm.xlane v3, v0;
	_ =	sdelay $0x1  }
0x1aa: {  	v4 =	vadd.s32 v1, v4;
	_ =	sdelay $0x1  }
0x1ab: {  	v3 =	vperm.xlane v3, v2;
	_ =	sdelay $0x1  }
0x1ac: {  	s17 =	simm.s32 $0x8000;
	v3 =	vadd.s32 v1, v3  }
0x1ad: {  	[hbm4b:s4+s2] =	stream.indirect_vreg.scatter [tilespmem:s17], [sflag:$0x4], $0x80, v4, vm0, $0xb8;
	[tilespmem:$0x10800] =	vst v63  }
0x1ae: {  	_ = 	snop  }
0x1af: {  	[hbm4b:s5+s2] =	stream.indirect_vreg.scatter [tilespmem:s31], [sflag:$0x4], $0x80, v4, vm0, $0xb8;
	[tilespmem:$0x10800] =	vst v63  }
0x1b0: {  	_ = 	snop  }
0x1b1: {  	[hbm4b:s4+s2] =	stream.indirect_vreg.scatter [tilespmem:s0], [sflag:$0x4], $0x80, v3, vm0, $0xb8;
	[tilespmem:$0x10800] =	vst v63  }
0x1b2: {  	_ = 	snop  }
0x1b3: {  	[hbm4b:s5+s2] =	stream.indirect_vreg.scatter [tilespmem:s9], [sflag:$0x4], $0x80, v3, vm0, $0xb8;
	[tilespmem:$0x10800] =	vst v63  }
0x1b4: {  	v3 =	vld [tilespmem:$0x10490];
	_ =	sdelay $0x4  }
0x1b5: {  	v25 =	vshll.u32 v3, $0x2  }
0x1b6: {  	v3 =	vand.u32 $0x7, v3;
	v4 =	vand.u32 $0xFFFFFFE0, v25  }
0x1b7: {  	v3 =	vor.u32 v3, v4  }
0x1b8: {  	v4 =	vperm.xlane v3, v0;
	_ =	sdelay $0x1  }
0x1b9: {  	v4 =	vadd.s32 v1, v4;
	_ =	sdelay $0x1  }
0x1ba: {  	v3 =	vperm.xlane v3, v2;
	_ =	sdelay $0x1  }
0x1bb: {  	v3 =	vadd.s32 v1, v3  }
0x1bc: {  	[hbm4b:s4+s2] =	stream.indirect_vreg.scatter [tilespmem:s11], [sflag:$0x4], $0x80, v4, vm0, $0xb8;
	[tilespmem:$0x10800] =	vst v63  }
0x1bd: {  	_ = 	snop  }
0x1be: {  	[hbm4b:s5+s2] =	stream.indirect_vreg.scatter [tilespmem:s13], [sflag:$0x4], $0x80, v4, vm0, $0xb8;
	[tilespmem:$0x10800] =	vst v63  }
0x1bf: {  	_ = 	snop  }
0x1c0: {  	[hbm4b:s4+s2] =	stream.indirect_vreg.scatter [tilespmem:s29], [sflag:$0x4], $0x80, v3, vm0, $0xb8;
	[tilespmem:$0x10800] =	vst v63  }
0x1c1: {  	_ = 	snop  }
0x1c2: {  	[hbm4b:s5+s2] =	stream.indirect_vreg.scatter [tilespmem:s26], [sflag:$0x4], $0x80, v3, vm0, $0xb8;
	[tilespmem:$0x10800] =	vst v63  }
0x1c3: {  	v3 =	vld [tilespmem:$0x104A0];
	_ =	sdelay $0x4  }
0x1c4: {  	v26 =	vshll.u32 v3, $0x2  }
0x1c5: {  	v3 =	vand.u32 $0x7, v3;
	v4 =	vand.u32 $0xFFFFFFE0, v26  }
0x1c6: {  	v3 =	vor.u32 v3, v4  }
0x1c7: {  	v4 =	vperm.xlane v3, v0;
	_ =	sdelay $0x1  }
0x1c8: {  	v4 =	vadd.s32 v1, v4;
	_ =	sdelay $0x1  }
0x1c9: {  	v3 =	vperm.xlane v3, v2;
	_ =	sdelay $0x1  }
0x1ca: {  	v3 =	vadd.s32 v1, v3  }
0x1cb: {  	[hbm4b:s4+s2] =	stream.indirect_vreg.scatter [tilespmem:s28], [sflag:$0x4], $0x80, v4, vm0, $0xb8;
	[tilespmem:$0x10800] =	vst v63  }
0x1cc: {  	_ = 	snop  }
0x1cd: {  	[hbm4b:s5+s2] =	stream.indirect_vreg.scatter [tilespmem:s23], [sflag:$0x4], $0x80, v4, vm0, $0xb8;
	[tilespmem:$0x10800] =	vst v63  }
0x1ce: {  	_ = 	snop  }
0x1cf: {  	[hbm4b:s4+s2] =	stream.indirect_vreg.scatter [tilespmem:s24], [sflag:$0x4], $0x80, v3, vm0, $0xb8;
	[tilespmem:$0x10800] =	vst v63  }
0x1d0: {  	_ = 	snop  }
0x1d1: {  	[hbm4b:s5+s2] =	stream.indirect_vreg.scatter [tilespmem:s30], [sflag:$0x4], $0x80, v3, vm0, $0xb8;
	[tilespmem:$0x10800] =	vst v63  }
0x1d2: {  	v3 =	vld [tilespmem:$0x104B0];
	_ =	sdelay $0x4  }
0x1d3: {  	v27 =	vshll.u32 v3, $0x2  }
0x1d4: {  	v3 =	vand.u32 $0x7, v3;
	v4 =	vand.u32 $0xFFFFFFE0, v27  }
0x1d5: {  	v3 =	vor.u32 v3, v4  }
0x1d6: {  	v4 =	vperm.xlane v3, v0;
	_ =	sdelay $0x1  }
0x1d7: {  	v4 =	vadd.s32 v1, v4;
	_ =	sdelay $0x1  }
0x1d8: {  	v3 =	vperm.xlane v3, v2;
	_ =	sdelay $0x1  }
0x1d9: {  	v3 =	vadd.s32 v1, v3  }
0x1da: {  	[hbm4b:s4+s2] =	stream.indirect_vreg.scatter [tilespmem:s15], [sflag:$0x4], $0x80, v4, vm0, $0xb8;
	[tilespmem:$0x10800] =	vst v63  }
0x1db: {  	_ = 	snop  }
0x1dc: {  	[hbm4b:s5+s2] =	stream.indirect_vreg.scatter [tilespmem:s20], [sflag:$0x4], $0x80, v4, vm0, $0xb8;
	[tilespmem:$0x10800] =	vst v63  }
0x1dd: {  	_ = 	snop  }
0x1de: {  	[hbm4b:s4+s2] =	stream.indirect_vreg.scatter [tilespmem:s21], [sflag:$0x4], $0x80, v3, vm0, $0xb8;
	[tilespmem:$0x10800] =	vst v63  }
0x1df: {  	_ = 	snop  }
0x1e0: {  	[hbm4b:s5+s2] =	stream.indirect_vreg.scatter [tilespmem:s22], [sflag:$0x4], $0x80, v3, vm0, $0xb8;
	[tilespmem:$0x10800] =	vst v63  }
0x1e1: {  	v3 =	vld [tilespmem:$0x10680];
	_ =	sdelay $0x4  }
0x1e2: {  	v28 =	vshll.u32 v3, $0x2  }
0x1e3: {  	v3 =	vand.u32 $0x7, v3;
	v4 =	vand.u32 $0xFFFFFFE0, v28  }
0x1e4: {  	v3 =	vor.u32 v3, v4  }
0x1e5: {  	v4 =	vperm.xlane v3, v0;
	_ =	sdelay $0x1  }
0x1e6: {  	v4 =	vadd.s32 v1, v4;
	_ =	sdelay $0x1  }
0x1e7: {  	v3 =	vperm.xlane v3, v2;
	_ =	sdelay $0x1  }
0x1e8: {  	v3 =	vadd.s32 v1, v3  }
0x1e9: {  	[hbm4b:s4+s2] =	stream.indirect_vreg.scatter [tilespmem:s17], [sflag:$0x4], $0x80, v4, vm0, $0xb8;
	[tilespmem:$0x10800] =	vst v63  }
0x1ea: {  	_ = 	snop  }
0x1eb: {  	[hbm4b:s5+s2] =	stream.indirect_vreg.scatter [tilespmem:s31], [sflag:$0x4], $0x80, v4, vm0, $0xb8;
	[tilespmem:$0x10800] =	vst v63  }
0x1ec: {  	_ = 	snop  }
0x1ed: {  	[hbm4b:s4+s2] =	stream.indirect_vreg.scatter [tilespmem:s0], [sflag:$0x4], $0x80, v3, vm0, $0xb8;
	[tilespmem:$0x10800] =	vst v63  }
0x1ee: {  	_ = 	snop  }
0x1ef: {  	[hbm4b:s5+s2] =	stream.indirect_vreg.scatter [tilespmem:s9], [sflag:$0x4], $0x80, v3, vm0, $0xb8;
	[tilespmem:$0x10800] =	vst v63  }
0x1f0: {  	v3 =	vld [tilespmem:$0x10690];
	_ =	sdelay $0x4  }
0x1f1: {  	v29 =	vshll.u32 v3, $0x2  }
0x1f2: {  	v3 =	vand.u32 $0x7, v3;
	v4 =	vand.u32 $0xFFFFFFE0, v29  }
0x1f3: {  	v3 =	vor.u32 v3, v4  }
0x1f4: {  	v4 =	vperm.xlane v3, v0;
	_ =	sdelay $0x1  }
0x1f5: {  	v4 =	vadd.s32 v1, v4;
	_ =	sdelay $0x1  }
0x1f6: {  	v3 =	vperm.xlane v3, v2;
	_ =	sdelay $0x1  }
0x1f7: {  	v3 =	vadd.s32 v1, v3  }
0x1f8: {  	[hbm4b:s4+s2] =	stream.indirect_vreg.scatter [tilespmem:s11], [sflag:$0x4], $0x80, v4, vm0, $0xb8;
	[tilespmem:$0x10800] =	vst v63  }
0x1f9: {  	_ = 	snop  }
0x1fa: {  	[hbm4b:s5+s2] =	stream.indirect_vreg.scatter [tilespmem:s13], [sflag:$0x4], $0x80, v4, vm0, $0xb8;
	[tilespmem:$0x10800] =	vst v63  }
0x1fb: {  	_ = 	snop  }
0x1fc: {  	[hbm4b:s4+s2] =	stream.indirect_vreg.scatter [tilespmem:s29], [sflag:$0x4], $0x80, v3, vm0, $0xb8;
	[tilespmem:$0x10800] =	vst v63  }
0x1fd: {  	_ = 	snop  }
0x1fe: {  	[hbm4b:s5+s2] =	stream.indirect_vreg.scatter [tilespmem:s26], [sflag:$0x4], $0x80, v3, vm0, $0xb8;
	[tilespmem:$0x10800] =	vst v63  }
0x1ff: {  	v3 =	vld [tilespmem:$0x106A0];
	_ =	sdelay $0x4  }
0x200: {  	v30 =	vshll.u32 v3, $0x2  }
0x201: {  	v3 =	vand.u32 $0x7, v3;
	v4 =	vand.u32 $0xFFFFFFE0, v30  }
0x202: {  	v3 =	vor.u32 v3, v4  }
0x203: {  	v4 =	vperm.xlane v3, v0;
	_ =	sdelay $0x1  }
0x204: {  	v4 =	vadd.s32 v1, v4;
	_ =	sdelay $0x1  }
0x205: {  	v3 =	vperm.xlane v3, v2;
	_ =	sdelay $0x1  }
0x206: {  	v3 =	vadd.s32 v1, v3  }
0x207: {  	[hbm4b:s4+s2] =	stream.indirect_vreg.scatter [tilespmem:s28], [sflag:$0x4], $0x80, v4, vm0, $0xb8;
	[tilespmem:$0x10800] =	vst v63  }
0x208: {  	_ = 	snop  }
0x209: {  	[hbm4b:s5+s2] =	stream.indirect_vreg.scatter [tilespmem:s23], [sflag:$0x4], $0x80, v4, vm0, $0xb8;
	[tilespmem:$0x10800] =	vst v63  }
0x20a: {  	_ = 	snop  }
0x20b: {  	[hbm4b:s4+s2] =	stream.indirect_vreg.scatter [tilespmem:s24], [sflag:$0x4], $0x80, v3, vm0, $0xb8;
	[tilespmem:$0x10800] =	vst v63  }
0x20c: {  	_ = 	snop  }
0x20d: {  	[hbm4b:s5+s2] =	stream.indirect_vreg.scatter [tilespmem:s30], [sflag:$0x4], $0x80, v3, vm0, $0xb8;
	[tilespmem:$0x10800] =	vst v63  }
0x20e: {  	v3 =	vld [tilespmem:$0x106B0];
	_ =	sdelay $0x4  }
0x20f: {  	v31 =	vshll.u32 v3, $0x2  }
0x210: {  	v3 =	vand.u32 $0x7, v3;
	v4 =	vand.u32 $0xFFFFFFE0, v31  }
0x211: {  	v3 =	vor.u32 v3, v4  }
0x212: {  	v4 =	vperm.xlane v3, v0;
	_ =	sdelay $0x1  }
0x213: {  	v4 =	vadd.s32 v1, v4;
	_ =	sdelay $0x1  }
0x214: {  	v3 =	vperm.xlane v3, v2;
	_ =	sdelay $0x1  }
0x215: {  	v3 =	vadd.s32 v1, v3  }
0x216: {  	[hbm4b:s4+s2] =	stream.indirect_vreg.scatter [tilespmem:s15], [sflag:$0x4], $0x80, v4, vm0, $0xb8;
	[tilespmem:$0x10800] =	vst v63  }
0x217: {  	_ = 	snop  }
0x218: {  	[hbm4b:s5+s2] =	stream.indirect_vreg.scatter [tilespmem:s20], [sflag:$0x4], $0x80, v4, vm0, $0xb8;
	[tilespmem:$0x10800] =	vst v63  }
0x219: {  	_ = 	snop  }
0x21a: {  	[hbm4b:s4+s2] =	stream.indirect_vreg.scatter [tilespmem:s21], [sflag:$0x4], $0x80, v3, vm0, $0xb8;
	[tilespmem:$0x10800] =	vst v63  }
0x21b: {  	_ = 	snop  }
0x21c: {  	[hbm4b:s5+s2] =	stream.indirect_vreg.scatter [tilespmem:s22], [sflag:$0x4], $0x80, v3, vm0, $0xb8;
	[tilespmem:$0x10800] =	vst v63  }
0x21d: {  	_ =	swait.ge [sflag:s16], $0x8000  }
0x21e: {  	[sflag:s16] =	ssyncset.done $0x0  }
0x21f: {  	[sflag:s16] =	ssyncadd.s32 $0xFFFF8000  }
0x220: {  	_ =	swait.ge [sflag:s16], $0x8000  }
0x221: {  	[sflag:s16] =	ssyncset.done $0x0  }
0x222: {  	[sflag:s16] =	ssyncadd.s32 $0xFFFF8000  }
0x223: {  	_ =	swait.ge [sflag:s16], $0x8000  }
0x224: {  	[sflag:s16] =	ssyncset.done $0x0  }
0x225: {  	[sflag:s16] =	ssyncadd.s32 $0xFFFF8000  }
0x226: {  	_ =	swait.ge [sflag:s16], $0x8000  }
0x227: {  	[sflag:s16] =	ssyncset.done $0x0  }
0x228: {  	s3 =	rddreg [dreg:$0x9];
	[sflag:s16] =	ssyncadd.s32 $0xFFFF8000  }
0x229: {  	[tilespmem:s17], [sflag:$0x2] =	stream.linear.gather [hbm4b:s3+s2], $0x8000, $0x38;
	[tilespmem:$0x10800] =	vst v63  }
0x22a: {  	_ =	swait.ge [sflag:s18], $0x8000  }
0x22b: {  	[sflag:s18] =	ssyncset.done $0x0  }
0x22c: {  	[sflag:s18] =	ssyncadd.s32 $0xFFFF8000  }
0x22d: {  	v3 =	vld [tilespmem:$0x10100];
	_ =	sdelay $0x4  }
0x22e: {  	v32 =	vshll.u32 v3, $0x2  }
0x22f: {  	v3 =	vand.u32 $0x7, v3;
	v4 =	vand.u32 $0xFFFFFFE0, v32  }
0x230: {  	v3 =	vor.u32 v3, v4  }
0x231: {  	v4 =	vperm.xlane v3, v0;
	_ =	sdelay $0x1  }
0x232: {  	v4 =	vadd.s32 v1, v4;
	_ =	sdelay $0x1  }
0x233: {  	v3 =	vperm.xlane v3, v2;
	_ =	sdelay $0x1  }
0x234: {  	v3 =	vadd.s32 v1, v3  }
0x235: {  	[hbm4b:s4+s2] =	stream.indirect_vreg.scatter [tilespmem:s2], [sflag:$0x3], $0x80, v4, vm0, $0xb8;
	[tilespmem:$0x10800] =	vst v63  }
0x236: {  	s17 =	simm.s32 $0x800  }
0x237: {  	[hbm4b:s5+s2] =	stream.indirect_vreg.scatter [tilespmem:s17], [sflag:$0x3], $0x80, v4, vm0, $0xb8;
	[tilespmem:$0x10800] =	vst v63  }
0x238: {  	s18 =	simm.s32 $0x1000  }
0x239: {  	[hbm4b:s4+s2] =	stream.indirect_vreg.scatter [tilespmem:s18], [sflag:$0x3], $0x80, v3, vm0, $0xb8;
	[tilespmem:$0x10800] =	vst v63  }
0x23a: {  	s1 =	simm.s32 $0x1800  }
0x23b: {  	[hbm4b:s5+s2] =	stream.indirect_vreg.scatter [tilespmem:s1], [sflag:$0x3], $0x80, v3, vm0, $0xb8;
	[tilespmem:$0x10800] =	vst v63  }
0x23c: {  	v3 =	vld [tilespmem:$0x10110];
	_ =	sdelay $0x4  }
0x23d: {  	v33 =	vshll.u32 v3, $0x2  }
0x23e: {  	v3 =	vand.u32 $0x7, v3;
	v4 =	vand.u32 $0xFFFFFFE0, v33  }
0x23f: {  	v3 =	vor.u32 v3, v4  }
0x240: {  	v4 =	vperm.xlane v3, v0;
	_ =	sdelay $0x1  }
0x241: {  	v4 =	vadd.s32 v1, v4;
	_ =	sdelay $0x1  }
0x242: {  	v3 =	vperm.xlane v3, v2;
	_ =	sdelay $0x1  }
0x243: {  	s0 =	simm.s32 $0x2000;
	v3 =	vadd.s32 v1, v3  }
0x244: {  	[hbm4b:s4+s2] =	stream.indirect_vreg.scatter [tilespmem:s0], [sflag:$0x3], $0x80, v4, vm0, $0xb8;
	[tilespmem:$0x10800] =	vst v63  }
0x245: {  	s7 =	simm.s32 $0x2800  }
0x246: {  	[hbm4b:s5+s2] =	stream.indirect_vreg.scatter [tilespmem:s7], [sflag:$0x3], $0x80, v4, vm0, $0xb8;
	[tilespmem:$0x10800] =	vst v63  }
0x247: {  	s8 =	simm.s32 $0x3000  }
0x248: {  	[hbm4b:s4+s2] =	stream.indirect_vreg.scatter [tilespmem:s8], [sflag:$0x3], $0x80, v3, vm0, $0xb8;
	[tilespmem:$0x10800] =	vst v63  }
0x249: {  	s10 =	simm.s32 $0x3800  }
0x24a: {  	[hbm4b:s5+s2] =	stream.indirect_vreg.scatter [tilespmem:s10], [sflag:$0x3], $0x80, v3, vm0, $0xb8;
	[tilespmem:$0x10800] =	vst v63  }
0x24b: {  	v3 =	vld [tilespmem:$0x10120];
	_ =	sdelay $0x4  }
0x24c: {  	v34 =	vshll.u32 v3, $0x2  }
0x24d: {  	v3 =	vand.u32 $0x7, v3;
	v4 =	vand.u32 $0xFFFFFFE0, v34  }
0x24e: {  	v3 =	vor.u32 v3, v4  }
0x24f: {  	v4 =	vperm.xlane v3, v0;
	_ =	sdelay $0x1  }
0x250: {  	v4 =	vadd.s32 v1, v4;
	_ =	sdelay $0x1  }
0x251: {  	v3 =	vperm.xlane v3, v2;
	_ =	sdelay $0x1  }
0x252: {  	s11 =	simm.s32 $0x4000;
	v3 =	vadd.s32 v1, v3  }
0x253: {  	[hbm4b:s4+s2] =	stream.indirect_vreg.scatter [tilespmem:s11], [sflag:$0x3], $0x80, v4, vm0, $0xb8;
	[tilespmem:$0x10800] =	vst v63  }
0x254: {  	s12 =	simm.s32 $0x4800  }
0x255: {  	[hbm4b:s5+s2] =	stream.indirect_vreg.scatter [tilespmem:s12], [sflag:$0x3], $0x80, v4, vm0, $0xb8;
	[tilespmem:$0x10800] =	vst v63  }
0x256: {  	s13 =	simm.s32 $0x5000  }
0x257: {  	[hbm4b:s4+s2] =	stream.indirect_vreg.scatter [tilespmem:s13], [sflag:$0x3], $0x80, v3, vm0, $0xb8;
	[tilespmem:$0x10800] =	vst v63  }
0x258: {  	s3 =	simm.s32 $0x5800  }
0x259: {  	[hbm4b:s5+s2] =	stream.indirect_vreg.scatter [tilespmem:s3], [sflag:$0x3], $0x80, v3, vm0, $0xb8;
	[tilespmem:$0x10800] =	vst v63  }
0x25a: {  	v3 =	vld [tilespmem:$0x10130];
	_ =	sdelay $0x4  }
0x25b: {  	v35 =	vshll.u32 v3, $0x2  }
0x25c: {  	v3 =	vand.u32 $0x7, v3;
	v4 =	vand.u32 $0xFFFFFFE0, v35  }
0x25d: {  	v3 =	vor.u32 v3, v4  }
0x25e: {  	v4 =	vperm.xlane v3, v0;
	_ =	sdelay $0x1  }
0x25f: {  	v4 =	vadd.s32 v1, v4;
	_ =	sdelay $0x1  }
0x260: {  	v3 =	vperm.xlane v3, v2;
	_ =	sdelay $0x1  }
0x261: {  	s6 =	simm.s32 $0x6000;
	v3 =	vadd.s32 v1, v3  }
0x262: {  	[hbm4b:s4+s2] =	stream.indirect_vreg.scatter [tilespmem:s6], [sflag:$0x3], $0x80, v4, vm0, $0xb8;
	[tilespmem:$0x10800] =	vst v63  }
0x263: {  	s9 =	simm.s32 $0x6800  }
0x264: {  	[hbm4b:s5+s2] =	stream.indirect_vreg.scatter [tilespmem:s9], [sflag:$0x3], $0x80, v4, vm0, $0xb8;
	[tilespmem:$0x10800] =	vst v63  }
0x265: {  	s14 =	simm.s32 $0x7000  }
0x266: {  	[hbm4b:s4+s2] =	stream.indirect_vreg.scatter [tilespmem:s14], [sflag:$0x3], $0x80, v3, vm0, $0xb8;
	[tilespmem:$0x10800] =	vst v63  }
0x267: {  	s15 =	simm.s32 $0x7800  }
0x268: {  	[hbm4b:s5+s2] =	stream.indirect_vreg.scatter [tilespmem:s15], [sflag:$0x3], $0x80, v3, vm0, $0xb8;
	[tilespmem:$0x10800] =	vst v63  }
0x269: {  	v3 =	vld [tilespmem:$0x10300];
	_ =	sdelay $0x4  }
0x26a: {  	v36 =	vshll.u32 v3, $0x2  }
0x26b: {  	v3 =	vand.u32 $0x7, v3;
	v4 =	vand.u32 $0xFFFFFFE0, v36  }
0x26c: {  	v3 =	vor.u32 v3, v4  }
0x26d: {  	v4 =	vperm.xlane v3, v0;
	_ =	sdelay $0x1  }
0x26e: {  	v4 =	vadd.s32 v1, v4;
	_ =	sdelay $0x1  }
0x26f: {  	v3 =	vperm.xlane v3, v2;
	_ =	sdelay $0x1  }
0x270: {  	v3 =	vadd.s32 v1, v3  }
0x271: {  	[hbm4b:s4+s2] =	stream.indirect_vreg.scatter [tilespmem:s2], [sflag:$0x3], $0x80, v4, vm0, $0xb8;
	[tilespmem:$0x10800] =	vst v63  }
0x272: {  	_ = 	snop  }
0x273: {  	[hbm4b:s5+s2] =	stream.indirect_vreg.scatter [tilespmem:s17], [sflag:$0x3], $0x80, v4, vm0, $0xb8;
	[tilespmem:$0x10800] =	vst v63  }
0x274: {  	_ = 	snop  }
0x275: {  	[hbm4b:s4+s2] =	stream.indirect_vreg.scatter [tilespmem:s18], [sflag:$0x3], $0x80, v3, vm0, $0xb8;
	[tilespmem:$0x10800] =	vst v63  }
0x276: {  	_ = 	snop  }
0x277: {  	[hbm4b:s5+s2] =	stream.indirect_vreg.scatter [tilespmem:s1], [sflag:$0x3], $0x80, v3, vm0, $0xb8;
	[tilespmem:$0x10800] =	vst v63  }
0x278: {  	v3 =	vld [tilespmem:$0x10310];
	_ =	sdelay $0x4  }
0x279: {  	v37 =	vshll.u32 v3, $0x2  }
0x27a: {  	v3 =	vand.u32 $0x7, v3;
	v4 =	vand.u32 $0xFFFFFFE0, v37  }
0x27b: {  	v3 =	vor.u32 v3, v4  }
0x27c: {  	v4 =	vperm.xlane v3, v0;
	_ =	sdelay $0x1  }
0x27d: {  	v4 =	vadd.s32 v1, v4;
	_ =	sdelay $0x1  }
0x27e: {  	v3 =	vperm.xlane v3, v2;
	_ =	sdelay $0x1  }
0x27f: {  	v3 =	vadd.s32 v1, v3  }
0x280: {  	[hbm4b:s4+s2] =	stream.indirect_vreg.scatter [tilespmem:s0], [sflag:$0x3], $0x80, v4, vm0, $0xb8;
	[tilespmem:$0x10800] =	vst v63  }
0x281: {  	_ = 	snop  }
0x282: {  	[hbm4b:s5+s2] =	stream.indirect_vreg.scatter [tilespmem:s7], [sflag:$0x3], $0x80, v4, vm0, $0xb8;
	[tilespmem:$0x10800] =	vst v63  }
0x283: {  	_ = 	snop  }
0x284: {  	[hbm4b:s4+s2] =	stream.indirect_vreg.scatter [tilespmem:s8], [sflag:$0x3], $0x80, v3, vm0, $0xb8;
	[tilespmem:$0x10800] =	vst v63  }
0x285: {  	_ = 	snop  }
0x286: {  	[hbm4b:s5+s2] =	stream.indirect_vreg.scatter [tilespmem:s10], [sflag:$0x3], $0x80, v3, vm0, $0xb8;
	[tilespmem:$0x10800] =	vst v63  }
0x287: {  	v3 =	vld [tilespmem:$0x10320];
	_ =	sdelay $0x4  }
0x288: {  	v38 =	vshll.u32 v3, $0x2  }
0x289: {  	v3 =	vand.u32 $0x7, v3;
	v4 =	vand.u32 $0xFFFFFFE0, v38  }
0x28a: {  	v3 =	vor.u32 v3, v4  }
0x28b: {  	v4 =	vperm.xlane v3, v0;
	_ =	sdelay $0x1  }
0x28c: {  	v4 =	vadd.s32 v1, v4;
	_ =	sdelay $0x1  }
0x28d: {  	v3 =	vperm.xlane v3, v2;
	_ =	sdelay $0x1  }
0x28e: {  	v3 =	vadd.s32 v1, v3  }
0x28f: {  	[hbm4b:s4+s2] =	stream.indirect_vreg.scatter [tilespmem:s11], [sflag:$0x3], $0x80, v4, vm0, $0xb8;
	[tilespmem:$0x10800] =	vst v63  }
0x290: {  	_ = 	snop  }
0x291: {  	[hbm4b:s5+s2] =	stream.indirect_vreg.scatter [tilespmem:s12], [sflag:$0x3], $0x80, v4, vm0, $0xb8;
	[tilespmem:$0x10800] =	vst v63  }
0x292: {  	_ = 	snop  }
0x293: {  	[hbm4b:s4+s2] =	stream.indirect_vreg.scatter [tilespmem:s13], [sflag:$0x3], $0x80, v3, vm0, $0xb8;
	[tilespmem:$0x10800] =	vst v63  }
0x294: {  	_ = 	snop  }
0x295: {  	[hbm4b:s5+s2] =	stream.indirect_vreg.scatter [tilespmem:s3], [sflag:$0x3], $0x80, v3, vm0, $0xb8;
	[tilespmem:$0x10800] =	vst v63  }
0x296: {  	v3 =	vld [tilespmem:$0x10330];
	_ =	sdelay $0x4  }
0x297: {  	v39 =	vshll.u32 v3, $0x2  }
0x298: {  	v3 =	vand.u32 $0x7, v3;
	v4 =	vand.u32 $0xFFFFFFE0, v39  }
0x299: {  	v3 =	vor.u32 v3, v4  }
0x29a: {  	v4 =	vperm.xlane v3, v0;
	_ =	sdelay $0x1  }
0x29b: {  	v4 =	vadd.s32 v1, v4;
	_ =	sdelay $0x1  }
0x29c: {  	v3 =	vperm.xlane v3, v2;
	_ =	sdelay $0x1  }
0x29d: {  	v3 =	vadd.s32 v1, v3  }
0x29e: {  	[hbm4b:s4+s2] =	stream.indirect_vreg.scatter [tilespmem:s6], [sflag:$0x3], $0x80, v4, vm0, $0xb8;
	[tilespmem:$0x10800] =	vst v63  }
0x29f: {  	_ = 	snop  }
0x2a0: {  	[hbm4b:s5+s2] =	stream.indirect_vreg.scatter [tilespmem:s9], [sflag:$0x3], $0x80, v4, vm0, $0xb8;
	[tilespmem:$0x10800] =	vst v63  }
0x2a1: {  	_ = 	snop  }
0x2a2: {  	[hbm4b:s4+s2] =	stream.indirect_vreg.scatter [tilespmem:s14], [sflag:$0x3], $0x80, v3, vm0, $0xb8;
	[tilespmem:$0x10800] =	vst v63  }
0x2a3: {  	_ = 	snop  }
0x2a4: {  	[hbm4b:s5+s2] =	stream.indirect_vreg.scatter [tilespmem:s15], [sflag:$0x3], $0x80, v3, vm0, $0xb8;
	[tilespmem:$0x10800] =	vst v63  }
0x2a5: {  	v3 =	vld [tilespmem:$0x10500];
	_ =	sdelay $0x4  }
0x2a6: {  	v40 =	vshll.u32 v3, $0x2  }
0x2a7: {  	v3 =	vand.u32 $0x7, v3;
	v4 =	vand.u32 $0xFFFFFFE0, v40  }
0x2a8: {  	v3 =	vor.u32 v3, v4  }
0x2a9: {  	v4 =	vperm.xlane v3, v0;
	_ =	sdelay $0x1  }
0x2aa: {  	v4 =	vadd.s32 v1, v4;
	_ =	sdelay $0x1  }
0x2ab: {  	v3 =	vperm.xlane v3, v2;
	_ =	sdelay $0x1  }
0x2ac: {  	v3 =	vadd.s32 v1, v3  }
0x2ad: {  	[hbm4b:s4+s2] =	stream.indirect_vreg.scatter [tilespmem:s2], [sflag:$0x3], $0x80, v4, vm0, $0xb8;
	[tilespmem:$0x10800] =	vst v63  }
0x2ae: {  	s17 =	simm.s32 $0x800  }
0x2af: {  	[hbm4b:s5+s2] =	stream.indirect_vreg.scatter [tilespmem:s17], [sflag:$0x3], $0x80, v4, vm0, $0xb8;
	[tilespmem:$0x10800] =	vst v63  }
0x2b0: {  	s18 =	simm.s32 $0x1000  }
0x2b1: {  	[hbm4b:s4+s2] =	stream.indirect_vreg.scatter [tilespmem:s18], [sflag:$0x3], $0x80, v3, vm0, $0xb8;
	[tilespmem:$0x10800] =	vst v63  }
0x2b2: {  	s1 =	simm.s32 $0x1800  }
0x2b3: {  	[hbm4b:s5+s2] =	stream.indirect_vreg.scatter [tilespmem:s1], [sflag:$0x3], $0x80, v3, vm0, $0xb8;
	[tilespmem:$0x10800] =	vst v63  }
0x2b4: {  	v3 =	vld [tilespmem:$0x10510];
	_ =	sdelay $0x4  }
0x2b5: {  	v41 =	vshll.u32 v3, $0x2  }
0x2b6: {  	v3 =	vand.u32 $0x7, v3;
	v4 =	vand.u32 $0xFFFFFFE0, v41  }
0x2b7: {  	v3 =	vor.u32 v3, v4  }
0x2b8: {  	v4 =	vperm.xlane v3, v0;
	_ =	sdelay $0x1  }
0x2b9: {  	v4 =	vadd.s32 v1, v4;
	_ =	sdelay $0x1  }
0x2ba: {  	v3 =	vperm.xlane v3, v2;
	_ =	sdelay $0x1  }
0x2bb: {  	s0 =	simm.s32 $0x2000;
	v3 =	vadd.s32 v1, v3  }
0x2bc: {  	[hbm4b:s4+s2] =	stream.indirect_vreg.scatter [tilespmem:s0], [sflag:$0x3], $0x80, v4, vm0, $0xb8;
	[tilespmem:$0x10800] =	vst v63  }
0x2bd: {  	s7 =	simm.s32 $0x2800  }
0x2be: {  	[hbm4b:s5+s2] =	stream.indirect_vreg.scatter [tilespmem:s7], [sflag:$0x3], $0x80, v4, vm0, $0xb8;
	[tilespmem:$0x10800] =	vst v63  }
0x2bf: {  	s8 =	simm.s32 $0x3000  }
0x2c0: {  	[hbm4b:s4+s2] =	stream.indirect_vreg.scatter [tilespmem:s8], [sflag:$0x3], $0x80, v3, vm0, $0xb8;
	[tilespmem:$0x10800] =	vst v63  }
0x2c1: {  	s10 =	simm.s32 $0x3800  }
0x2c2: {  	[hbm4b:s5+s2] =	stream.indirect_vreg.scatter [tilespmem:s10], [sflag:$0x3], $0x80, v3, vm0, $0xb8;
	[tilespmem:$0x10800] =	vst v63  }
0x2c3: {  	v3 =	vld [tilespmem:$0x10520];
	_ =	sdelay $0x4  }
0x2c4: {  	v42 =	vshll.u32 v3, $0x2  }
0x2c5: {  	v3 =	vand.u32 $0x7, v3;
	v4 =	vand.u32 $0xFFFFFFE0, v42  }
0x2c6: {  	v3 =	vor.u32 v3, v4  }
0x2c7: {  	v4 =	vperm.xlane v3, v0;
	_ =	sdelay $0x1  }
0x2c8: {  	v4 =	vadd.s32 v1, v4;
	_ =	sdelay $0x1  }
0x2c9: {  	v3 =	vperm.xlane v3, v2;
	_ =	sdelay $0x1  }
0x2ca: {  	s11 =	simm.s32 $0x4000;
	v3 =	vadd.s32 v1, v3  }
0x2cb: {  	[hbm4b:s4+s2] =	stream.indirect_vreg.scatter [tilespmem:s11], [sflag:$0x3], $0x80, v4, vm0, $0xb8;
	[tilespmem:$0x10800] =	vst v63  }
0x2cc: {  	s12 =	simm.s32 $0x4800  }
0x2cd: {  	[hbm4b:s5+s2] =	stream.indirect_vreg.scatter [tilespmem:s12], [sflag:$0x3], $0x80, v4, vm0, $0xb8;
	[tilespmem:$0x10800] =	vst v63  }
0x2ce: {  	s13 =	simm.s32 $0x5000  }
0x2cf: {  	[hbm4b:s4+s2] =	stream.indirect_vreg.scatter [tilespmem:s13], [sflag:$0x3], $0x80, v3, vm0, $0xb8;
	[tilespmem:$0x10800] =	vst v63  }
0x2d0: {  	s3 =	simm.s32 $0x5800  }
0x2d1: {  	[hbm4b:s5+s2] =	stream.indirect_vreg.scatter [tilespmem:s3], [sflag:$0x3], $0x80, v3, vm0, $0xb8;
	[tilespmem:$0x10800] =	vst v63  }
0x2d2: {  	v3 =	vld [tilespmem:$0x10530];
	_ =	sdelay $0x4  }
0x2d3: {  	v43 =	vshll.u32 v3, $0x2  }
0x2d4: {  	v3 =	vand.u32 $0x7, v3;
	v4 =	vand.u32 $0xFFFFFFE0, v43  }
0x2d5: {  	v3 =	vor.u32 v3, v4  }
0x2d6: {  	v4 =	vperm.xlane v3, v0;
	_ =	sdelay $0x1  }
0x2d7: {  	v4 =	vadd.s32 v1, v4;
	_ =	sdelay $0x1  }
0x2d8: {  	v3 =	vperm.xlane v3, v2;
	_ =	sdelay $0x1  }
0x2d9: {  	s6 =	simm.s32 $0x6000;
	v3 =	vadd.s32 v1, v3  }
0x2da: {  	[hbm4b:s4+s2] =	stream.indirect_vreg.scatter [tilespmem:s6], [sflag:$0x3], $0x80, v4, vm0, $0xb8;
	[tilespmem:$0x10800] =	vst v63  }
0x2db: {  	s9 =	simm.s32 $0x6800  }
0x2dc: {  	[hbm4b:s5+s2] =	stream.indirect_vreg.scatter [tilespmem:s9], [sflag:$0x3], $0x80, v4, vm0, $0xb8;
	[tilespmem:$0x10800] =	vst v63  }
0x2dd: {  	s14 =	simm.s32 $0x7000  }
0x2de: {  	[hbm4b:s4+s2] =	stream.indirect_vreg.scatter [tilespmem:s14], [sflag:$0x3], $0x80, v3, vm0, $0xb8;
	[tilespmem:$0x10800] =	vst v63  }
0x2df: {  	s15 =	simm.s32 $0x7800  }
0x2e0: {  	[hbm4b:s5+s2] =	stream.indirect_vreg.scatter [tilespmem:s15], [sflag:$0x3], $0x80, v3, vm0, $0xb8;
	[tilespmem:$0x10800] =	vst v63  }
0x2e1: {  	v3 =	vld [tilespmem:$0x10700];
	_ =	sdelay $0x4  }
0x2e2: {  	v44 =	vshll.u32 v3, $0x2  }
0x2e3: {  	v3 =	vand.u32 $0x7, v3;
	v4 =	vand.u32 $0xFFFFFFE0, v44  }
0x2e4: {  	v3 =	vor.u32 v3, v4  }
0x2e5: {  	v4 =	vperm.xlane v3, v0;
	_ =	sdelay $0x1  }
0x2e6: {  	v4 =	vadd.s32 v1, v4;
	_ =	sdelay $0x1  }
0x2e7: {  	v3 =	vperm.xlane v3, v2;
	_ =	sdelay $0x1  }
0x2e8: {  	v3 =	vadd.s32 v1, v3  }
0x2e9: {  	[hbm4b:s4+s2] =	stream.indirect_vreg.scatter [tilespmem:s2], [sflag:$0x3], $0x80, v4, vm0, $0xb8;
	[tilespmem:$0x10800] =	vst v63  }
0x2ea: {  	_ = 	snop  }
0x2eb: {  	[hbm4b:s5+s2] =	stream.indirect_vreg.scatter [tilespmem:s17], [sflag:$0x3], $0x80, v4, vm0, $0xb8;
	[tilespmem:$0x10800] =	vst v63  }
0x2ec: {  	_ = 	snop  }
0x2ed: {  	[hbm4b:s4+s2] =	stream.indirect_vreg.scatter [tilespmem:s18], [sflag:$0x3], $0x80, v3, vm0, $0xb8;
	[tilespmem:$0x10800] =	vst v63  }
0x2ee: {  	_ = 	snop  }
0x2ef: {  	[hbm4b:s5+s2] =	stream.indirect_vreg.scatter [tilespmem:s1], [sflag:$0x3], $0x80, v3, vm0, $0xb8;
	[tilespmem:$0x10800] =	vst v63  }
0x2f0: {  	v3 =	vld [tilespmem:$0x10710];
	_ =	sdelay $0x4  }
0x2f1: {  	v45 =	vshll.u32 v3, $0x2  }
0x2f2: {  	v3 =	vand.u32 $0x7, v3;
	v4 =	vand.u32 $0xFFFFFFE0, v45  }
0x2f3: {  	v3 =	vor.u32 v3, v4  }
0x2f4: {  	v4 =	vperm.xlane v3, v0;
	_ =	sdelay $0x1  }
0x2f5: {  	v4 =	vadd.s32 v1, v4;
	_ =	sdelay $0x1  }
0x2f6: {  	v3 =	vperm.xlane v3, v2;
	_ =	sdelay $0x1  }
0x2f7: {  	v3 =	vadd.s32 v1, v3  }
0x2f8: {  	[hbm4b:s4+s2] =	stream.indirect_vreg.scatter [tilespmem:s0], [sflag:$0x3], $0x80, v4, vm0, $0xb8;
	[tilespmem:$0x10800] =	vst v63  }
0x2f9: {  	_ = 	snop  }
0x2fa: {  	[hbm4b:s5+s2] =	stream.indirect_vreg.scatter [tilespmem:s7], [sflag:$0x3], $0x80, v4, vm0, $0xb8;
	[tilespmem:$0x10800] =	vst v63  }
0x2fb: {  	_ = 	snop  }
0x2fc: {  	[hbm4b:s4+s2] =	stream.indirect_vreg.scatter [tilespmem:s8], [sflag:$0x3], $0x80, v3, vm0, $0xb8;
	[tilespmem:$0x10800] =	vst v63  }
0x2fd: {  	_ = 	snop  }
0x2fe: {  	[hbm4b:s5+s2] =	stream.indirect_vreg.scatter [tilespmem:s10], [sflag:$0x3], $0x80, v3, vm0, $0xb8;
	[tilespmem:$0x10800] =	vst v63  }
0x2ff: {  	v3 =	vld [tilespmem:$0x10720];
	_ =	sdelay $0x4  }
0x300: {  	v46 =	vshll.u32 v3, $0x2  }
0x301: {  	v3 =	vand.u32 $0x7, v3;
	v4 =	vand.u32 $0xFFFFFFE0, v46  }
0x302: {  	v3 =	vor.u32 v3, v4  }
0x303: {  	v4 =	vperm.xlane v3, v0;
	_ =	sdelay $0x1  }
0x304: {  	v4 =	vadd.s32 v1, v4;
	_ =	sdelay $0x1  }
0x305: {  	v3 =	vperm.xlane v3, v2;
	_ =	sdelay $0x1  }
0x306: {  	v3 =	vadd.s32 v1, v3  }
0x307: {  	[hbm4b:s4+s2] =	stream.indirect_vreg.scatter [tilespmem:s11], [sflag:$0x3], $0x80, v4, vm0, $0xb8;
	[tilespmem:$0x10800] =	vst v63  }
0x308: {  	_ = 	snop  }
0x309: {  	[hbm4b:s5+s2] =	stream.indirect_vreg.scatter [tilespmem:s12], [sflag:$0x3], $0x80, v4, vm0, $0xb8;
	[tilespmem:$0x10800] =	vst v63  }
0x30a: {  	_ = 	snop  }
0x30b: {  	[hbm4b:s4+s2] =	stream.indirect_vreg.scatter [tilespmem:s13], [sflag:$0x3], $0x80, v3, vm0, $0xb8;
	[tilespmem:$0x10800] =	vst v63  }
0x30c: {  	_ = 	snop  }
0x30d: {  	[hbm4b:s5+s2] =	stream.indirect_vreg.scatter [tilespmem:s3], [sflag:$0x3], $0x80, v3, vm0, $0xb8;
	[tilespmem:$0x10800] =	vst v63  }
0x30e: {  	v3 =	vld [tilespmem:$0x10730];
	_ =	sdelay $0x4  }
0x30f: {  	v47 =	vshll.u32 v3, $0x2  }
0x310: {  	v3 =	vand.u32 $0x7, v3;
	v4 =	vand.u32 $0xFFFFFFE0, v47  }
0x311: {  	v3 =	vor.u32 v3, v4  }
0x312: {  	v4 =	vperm.xlane v3, v0;
	_ =	sdelay $0x1  }
0x313: {  	v4 =	vadd.s32 v1, v4;
	_ =	sdelay $0x1  }
0x314: {  	v3 =	vperm.xlane v3, v2;
	_ =	sdelay $0x1  }
0x315: {  	v3 =	vadd.s32 v1, v3  }
0x316: {  	[hbm4b:s4+s2] =	stream.indirect_vreg.scatter [tilespmem:s6], [sflag:$0x3], $0x80, v4, vm0, $0xb8;
	[tilespmem:$0x10800] =	vst v63  }
0x317: {  	_ = 	snop  }
0x318: {  	[hbm4b:s5+s2] =	stream.indirect_vreg.scatter [tilespmem:s9], [sflag:$0x3], $0x80, v4, vm0, $0xb8;
	[tilespmem:$0x10800] =	vst v63  }
0x319: {  	_ = 	snop  }
0x31a: {  	[hbm4b:s4+s2] =	stream.indirect_vreg.scatter [tilespmem:s14], [sflag:$0x3], $0x80, v3, vm0, $0xb8;
	[tilespmem:$0x10800] =	vst v63  }
0x31b: {  	_ = 	snop  }
0x31c: {  	[hbm4b:s5+s2] =	stream.indirect_vreg.scatter [tilespmem:s15], [sflag:$0x3], $0x80, v3, vm0, $0xb8;
	[tilespmem:$0x10800] =	vst v63  }
0x31d: {  	s3 =	rddreg [dreg:$0xf];
	_ =	swait.ge [sflag:s25], $0x8000  }
0x31e: {  	[sflag:s25] =	ssyncset.done $0x0  }
0x31f: {  	[sflag:s25] =	ssyncadd.s32 $0xFFFF8000  }
0x320: {  	_ =	swait.ge [sflag:s25], $0x8000  }
0x321: {  	[sflag:s25] =	ssyncset.done $0x0  }
0x322: {  	[sflag:s25] =	ssyncadd.s32 $0xFFFF8000  }
0x323: {  	_ =	swait.ge [sflag:s25], $0x8000  }
0x324: {  	[sflag:s25] =	ssyncset.done $0x0  }
0x325: {  	[sflag:s25] =	ssyncadd.s32 $0xFFFF8000  }
0x326: {  	_ =	swait.ge [sflag:s25], $0x8000  }
0x327: {  	[sflag:s25] =	ssyncset.done $0x0  }
0x328: {  	[sflag:s25] =	ssyncadd.s32 $0xFFFF8000  }
0x329: {  	_ =	swait.ge [sflag:s19], $0x8000  }
0x32a: {  	[sflag:s19] =	ssyncset.done $0x0  }
0x32b: {  	[sflag:s19] =	ssyncadd.s32 $0xFFFF8000  }
0x32c: {  	v3 =	vld [tilespmem:$0x10180];
	_ =	sdelay $0x4  }
0x32d: {  	v48 =	vshll.u32 v3, $0x2  }
0x32e: {  	v3 =	vand.u32 $0x7, v3;
	v4 =	vand.u32 $0xFFFFFFE0, v48  }
0x32f: {  	v3 =	vor.u32 v3, v4  }
0x330: {  	v4 =	vperm.xlane v3, v0;
	_ =	sdelay $0x1  }
0x331: {  	v4 =	vadd.s32 v1, v4;
	_ =	sdelay $0x1  }
0x332: {  	v3 =	vperm.xlane v3, v2;
	_ =	sdelay $0x1  }
0x333: {  	s6 =	simm.s32 $0x8000;
	v3 =	vadd.s32 v1, v3  }
0x334: {  	[hbm4b:s4+s2] =	stream.indirect_vreg.scatter [tilespmem:s6], [sflag:$0x4], $0x80, v4, vm0, $0xb8;
	[tilespmem:$0x10800] =	vst v63  }
0x335: {  	_ = 	snop  }
0x336: {  	[hbm4b:s5+s2] =	stream.indirect_vreg.scatter [tilespmem:s31], [sflag:$0x4], $0x80, v4, vm0, $0xb8;
	[tilespmem:$0x10800] =	vst v63  }
0x337: {  	s7 =	simm.s32 $0x9000  }
0x338: {  	[hbm4b:s4+s2] =	stream.indirect_vreg.scatter [tilespmem:s7], [sflag:$0x4], $0x80, v3, vm0, $0xb8;
	[tilespmem:$0x10800] =	vst v63  }
0x339: {  	s8 =	simm.s32 $0x9800  }
0x33a: {  	[hbm4b:s5+s2] =	stream.indirect_vreg.scatter [tilespmem:s8], [sflag:$0x4], $0x80, v3, vm0, $0xb8;
	[tilespmem:$0x10800] =	vst v63  }
0x33b: {  	v3 =	vld [tilespmem:$0x10190];
	_ =	sdelay $0x4  }
0x33c: {  	v49 =	vshll.u32 v3, $0x2  }
0x33d: {  	v3 =	vand.u32 $0x7, v3;
	v4 =	vand.u32 $0xFFFFFFE0, v49  }
0x33e: {  	v3 =	vor.u32 v3, v4  }
0x33f: {  	v4 =	vperm.xlane v3, v0;
	_ =	sdelay $0x1  }
0x340: {  	v4 =	vadd.s32 v1, v4;
	_ =	sdelay $0x1  }
0x341: {  	v3 =	vperm.xlane v3, v2;
	_ =	sdelay $0x1  }
0x342: {  	s9 =	simm.s32 $0xA000;
	v3 =	vadd.s32 v1, v3  }
0x343: {  	[hbm4b:s4+s2] =	stream.indirect_vreg.scatter [tilespmem:s9], [sflag:$0x4], $0x80, v4, vm0, $0xb8;
	[tilespmem:$0x10800] =	vst v63  }
0x344: {  	s11 =	simm.s32 $0xA800  }
0x345: {  	[hbm4b:s5+s2] =	stream.indirect_vreg.scatter [tilespmem:s11], [sflag:$0x4], $0x80, v4, vm0, $0xb8;
	[tilespmem:$0x10800] =	vst v63  }
0x346: {  	_ = 	snop  }
0x347: {  	[hbm4b:s4+s2] =	stream.indirect_vreg.scatter [tilespmem:s29], [sflag:$0x4], $0x80, v3, vm0, $0xb8;
	[tilespmem:$0x10800] =	vst v63  }
0x348: {  	_ = 	snop  }
0x349: {  	[hbm4b:s5+s2] =	stream.indirect_vreg.scatter [tilespmem:s26], [sflag:$0x4], $0x80, v3, vm0, $0xb8;
	[tilespmem:$0x10800] =	vst v63  }
0x34a: {  	v3 =	vld [tilespmem:$0x101A0];
	_ =	sdelay $0x4  }
0x34b: {  	v50 =	vshll.u32 v3, $0x2  }
0x34c: {  	v3 =	vand.u32 $0x7, v3;
	v4 =	vand.u32 $0xFFFFFFE0, v50  }
0x34d: {  	v3 =	vor.u32 v3, v4  }
0x34e: {  	v4 =	vperm.xlane v3, v0;
	_ =	sdelay $0x1  }
0x34f: {  	v4 =	vadd.s32 v1, v4;
	_ =	sdelay $0x1  }
0x350: {  	v3 =	vperm.xlane v3, v2;
	_ =	sdelay $0x1  }
0x351: {  	v3 =	vadd.s32 v1, v3  }
0x352: {  	[hbm4b:s4+s2] =	stream.indirect_vreg.scatter [tilespmem:s28], [sflag:$0x4], $0x80, v4, vm0, $0xb8;
	[tilespmem:$0x10800] =	vst v63  }
0x353: {  	_ = 	snop  }
0x354: {  	[hbm4b:s5+s2] =	stream.indirect_vreg.scatter [tilespmem:s23], [sflag:$0x4], $0x80, v4, vm0, $0xb8;
	[tilespmem:$0x10800] =	vst v63  }
0x355: {  	_ = 	snop  }
0x356: {  	[hbm4b:s4+s2] =	stream.indirect_vreg.scatter [tilespmem:s24], [sflag:$0x4], $0x80, v3, vm0, $0xb8;
	[tilespmem:$0x10800] =	vst v63  }
0x357: {  	_ = 	snop  }
0x358: {  	[hbm4b:s5+s2] =	stream.indirect_vreg.scatter [tilespmem:s30], [sflag:$0x4], $0x80, v3, vm0, $0xb8;
	[tilespmem:$0x10800] =	vst v63  }
0x359: {  	v3 =	vld [tilespmem:$0x101B0];
	_ =	sdelay $0x4  }
0x35a: {  	v51 =	vshll.u32 v3, $0x2  }
0x35b: {  	v3 =	vand.u32 $0x7, v3;
	v4 =	vand.u32 $0xFFFFFFE0, v51  }
0x35c: {  	v3 =	vor.u32 v3, v4  }
0x35d: {  	v4 =	vperm.xlane v3, v0;
	_ =	sdelay $0x1  }
0x35e: {  	v4 =	vadd.s32 v1, v4;
	_ =	sdelay $0x1  }
0x35f: {  	v3 =	vperm.xlane v3, v2;
	_ =	sdelay $0x1  }
0x360: {  	s12 =	simm.s32 $0xE000;
	v3 =	vadd.s32 v1, v3  }
0x361: {  	[hbm4b:s4+s2] =	stream.indirect_vreg.scatter [tilespmem:s12], [sflag:$0x4], $0x80, v4, vm0, $0xb8;
	[tilespmem:$0x10800] =	vst v63  }
0x362: {  	_ = 	snop  }
0x363: {  	[hbm4b:s5+s2] =	stream.indirect_vreg.scatter [tilespmem:s20], [sflag:$0x4], $0x80, v4, vm0, $0xb8;
	[tilespmem:$0x10800] =	vst v63  }
0x364: {  	_ = 	snop  }
0x365: {  	[hbm4b:s4+s2] =	stream.indirect_vreg.scatter [tilespmem:s21], [sflag:$0x4], $0x80, v3, vm0, $0xb8;
	[tilespmem:$0x10800] =	vst v63  }
0x366: {  	_ = 	snop  }
0x367: {  	[hbm4b:s5+s2] =	stream.indirect_vreg.scatter [tilespmem:s22], [sflag:$0x4], $0x80, v3, vm0, $0xb8;
	[tilespmem:$0x10800] =	vst v63  }
0x368: {  	v3 =	vld [tilespmem:$0x10380];
	_ =	sdelay $0x4  }
0x369: {  	v52 =	vshll.u32 v3, $0x2  }
0x36a: {  	v3 =	vand.u32 $0x7, v3;
	v4 =	vand.u32 $0xFFFFFFE0, v52  }
0x36b: {  	v3 =	vor.u32 v3, v4  }
0x36c: {  	v4 =	vperm.xlane v3, v0;
	_ =	sdelay $0x1  }
0x36d: {  	v4 =	vadd.s32 v1, v4;
	_ =	sdelay $0x1  }
0x36e: {  	v3 =	vperm.xlane v3, v2;
	_ =	sdelay $0x1  }
0x36f: {  	v3 =	vadd.s32 v1, v3  }
0x370: {  	[hbm4b:s4+s2] =	stream.indirect_vreg.scatter [tilespmem:s6], [sflag:$0x4], $0x80, v4, vm0, $0xb8;
	[tilespmem:$0x10800] =	vst v63  }
0x371: {  	_ = 	snop  }
0x372: {  	[hbm4b:s5+s2] =	stream.indirect_vreg.scatter [tilespmem:s31], [sflag:$0x4], $0x80, v4, vm0, $0xb8;
	[tilespmem:$0x10800] =	vst v63  }
0x373: {  	_ = 	snop  }
0x374: {  	[hbm4b:s4+s2] =	stream.indirect_vreg.scatter [tilespmem:s7], [sflag:$0x4], $0x80, v3, vm0, $0xb8;
	[tilespmem:$0x10800] =	vst v63  }
0x375: {  	_ = 	snop  }
0x376: {  	[hbm4b:s5+s2] =	stream.indirect_vreg.scatter [tilespmem:s8], [sflag:$0x4], $0x80, v3, vm0, $0xb8;
	[tilespmem:$0x10800] =	vst v63  }
0x377: {  	v3 =	vld [tilespmem:$0x10390];
	_ =	sdelay $0x4  }
0x378: {  	v53 =	vshll.u32 v3, $0x2  }
0x379: {  	v3 =	vand.u32 $0x7, v3;
	v4 =	vand.u32 $0xFFFFFFE0, v53  }
0x37a: {  	v3 =	vor.u32 v3, v4  }
0x37b: {  	v4 =	vperm.xlane v3, v0;
	_ =	sdelay $0x1  }
0x37c: {  	v4 =	vadd.s32 v1, v4;
	_ =	sdelay $0x1  }
0x37d: {  	v3 =	vperm.xlane v3, v2;
	_ =	sdelay $0x1  }
0x37e: {  	v3 =	vadd.s32 v1, v3  }
0x37f: {  	[hbm4b:s4+s2] =	stream.indirect_vreg.scatter [tilespmem:s9], [sflag:$0x4], $0x80, v4, vm0, $0xb8;
	[tilespmem:$0x10800] =	vst v63  }
0x380: {  	_ = 	snop  }
0x381: {  	[hbm4b:s5+s2] =	stream.indirect_vreg.scatter [tilespmem:s11], [sflag:$0x4], $0x80, v4, vm0, $0xb8;
	[tilespmem:$0x10800] =	vst v63  }
0x382: {  	_ = 	snop  }
0x383: {  	[hbm4b:s4+s2] =	stream.indirect_vreg.scatter [tilespmem:s29], [sflag:$0x4], $0x80, v3, vm0, $0xb8;
	[tilespmem:$0x10800] =	vst v63  }
0x384: {  	_ = 	snop  }
0x385: {  	[hbm4b:s5+s2] =	stream.indirect_vreg.scatter [tilespmem:s26], [sflag:$0x4], $0x80, v3, vm0, $0xb8;
	[tilespmem:$0x10800] =	vst v63  }
0x386: {  	v3 =	vld [tilespmem:$0x103A0];
	_ =	sdelay $0x4  }
0x387: {  	v54 =	vshll.u32 v3, $0x2  }
0x388: {  	v3 =	vand.u32 $0x7, v3;
	v4 =	vand.u32 $0xFFFFFFE0, v54  }
0x389: {  	v3 =	vor.u32 v3, v4  }
0x38a: {  	v4 =	vperm.xlane v3, v0;
	_ =	sdelay $0x1  }
0x38b: {  	v4 =	vadd.s32 v1, v4;
	_ =	sdelay $0x1  }
0x38c: {  	v3 =	vperm.xlane v3, v2;
	_ =	sdelay $0x1  }
0x38d: {  	v3 =	vadd.s32 v1, v3  }
0x38e: {  	[hbm4b:s4+s2] =	stream.indirect_vreg.scatter [tilespmem:s28], [sflag:$0x4], $0x80, v4, vm0, $0xb8;
	[tilespmem:$0x10800] =	vst v63  }
0x38f: {  	_ = 	snop  }
0x390: {  	[hbm4b:s5+s2] =	stream.indirect_vreg.scatter [tilespmem:s23], [sflag:$0x4], $0x80, v4, vm0, $0xb8;
	[tilespmem:$0x10800] =	vst v63  }
0x391: {  	_ = 	snop  }
0x392: {  	[hbm4b:s4+s2] =	stream.indirect_vreg.scatter [tilespmem:s24], [sflag:$0x4], $0x80, v3, vm0, $0xb8;
	[tilespmem:$0x10800] =	vst v63  }
0x393: {  	_ = 	snop  }
0x394: {  	[hbm4b:s5+s2] =	stream.indirect_vreg.scatter [tilespmem:s30], [sflag:$0x4], $0x80, v3, vm0, $0xb8;
	[tilespmem:$0x10800] =	vst v63  }
0x395: {  	v3 =	vld [tilespmem:$0x103B0];
	_ =	sdelay $0x4  }
0x396: {  	v55 =	vshll.u32 v3, $0x2  }
0x397: {  	v3 =	vand.u32 $0x7, v3;
	v4 =	vand.u32 $0xFFFFFFE0, v55  }
0x398: {  	v3 =	vor.u32 v3, v4  }
0x399: {  	v4 =	vperm.xlane v3, v0;
	_ =	sdelay $0x1  }
0x39a: {  	v4 =	vadd.s32 v1, v4;
	_ =	sdelay $0x1  }
0x39b: {  	v3 =	vperm.xlane v3, v2;
	_ =	sdelay $0x1  }
0x39c: {  	v3 =	vadd.s32 v1, v3  }
0x39d: {  	[hbm4b:s4+s2] =	stream.indirect_vreg.scatter [tilespmem:s12], [sflag:$0x4], $0x80, v4, vm0, $0xb8;
	[tilespmem:$0x10800] =	vst v63  }
0x39e: {  	_ = 	snop  }
0x39f: {  	[hbm4b:s5+s2] =	stream.indirect_vreg.scatter [tilespmem:s20], [sflag:$0x4], $0x80, v4, vm0, $0xb8;
	[tilespmem:$0x10800] =	vst v63  }
0x3a0: {  	_ = 	snop  }
0x3a1: {  	[hbm4b:s4+s2] =	stream.indirect_vreg.scatter [tilespmem:s21], [sflag:$0x4], $0x80, v3, vm0, $0xb8;
	[tilespmem:$0x10800] =	vst v63  }
0x3a2: {  	_ = 	snop  }
0x3a3: {  	[hbm4b:s5+s2] =	stream.indirect_vreg.scatter [tilespmem:s22], [sflag:$0x4], $0x80, v3, vm0, $0xb8;
	[tilespmem:$0x10800] =	vst v63  }
0x3a4: {  	v3 =	vld [tilespmem:$0x10580];
	_ =	sdelay $0x4  }
0x3a5: {  	v56 =	vshll.u32 v3, $0x2  }
0x3a6: {  	v3 =	vand.u32 $0x7, v3;
	v4 =	vand.u32 $0xFFFFFFE0, v56  }
0x3a7: {  	v3 =	vor.u32 v3, v4  }
0x3a8: {  	v4 =	vperm.xlane v3, v0;
	_ =	sdelay $0x1  }
0x3a9: {  	v4 =	vadd.s32 v1, v4;
	_ =	sdelay $0x1  }
0x3aa: {  	v3 =	vperm.xlane v3, v2;
	_ =	sdelay $0x1  }
0x3ab: {  	s13 =	simm.s32 $0x8000;
	v3 =	vadd.s32 v1, v3  }
0x3ac: {  	[hbm4b:s4+s2] =	stream.indirect_vreg.scatter [tilespmem:s13], [sflag:$0x4], $0x80, v4, vm0, $0xb8;
	[tilespmem:$0x10800] =	vst v63  }
0x3ad: {  	_ = 	snop  }
0x3ae: {  	[hbm4b:s5+s2] =	stream.indirect_vreg.scatter [tilespmem:s31], [sflag:$0x4], $0x80, v4, vm0, $0xb8;
	[tilespmem:$0x10800] =	vst v63  }
0x3af: {  	s14 =	simm.s32 $0x9000  }
0x3b0: {  	[hbm4b:s4+s2] =	stream.indirect_vreg.scatter [tilespmem:s14], [sflag:$0x4], $0x80, v3, vm0, $0xb8;
	[tilespmem:$0x10800] =	vst v63  }
0x3b1: {  	s15 =	simm.s32 $0x9800  }
0x3b2: {  	[hbm4b:s5+s2] =	stream.indirect_vreg.scatter [tilespmem:s15], [sflag:$0x4], $0x80, v3, vm0, $0xb8;
	[tilespmem:$0x10800] =	vst v63  }
0x3b3: {  	v3 =	vld [tilespmem:$0x10590];
	_ =	sdelay $0x4  }
0x3b4: {  	v57 =	vshll.u32 v3, $0x2  }
0x3b5: {  	v3 =	vand.u32 $0x7, v3;
	v4 =	vand.u32 $0xFFFFFFE0, v57  }
0x3b6: {  	v3 =	vor.u32 v3, v4  }
0x3b7: {  	v4 =	vperm.xlane v3, v0;
	_ =	sdelay $0x1  }
0x3b8: {  	v4 =	vadd.s32 v1, v4;
	_ =	sdelay $0x1  }
0x3b9: {  	v3 =	vperm.xlane v3, v2;
	_ =	sdelay $0x1  }
0x3ba: {  	s17 =	simm.s32 $0xA000;
	v3 =	vadd.s32 v1, v3  }
0x3bb: {  	[hbm4b:s4+s2] =	stream.indirect_vreg.scatter [tilespmem:s17], [sflag:$0x4], $0x80, v4, vm0, $0xb8;
	[tilespmem:$0x10800] =	vst v63  }
0x3bc: {  	s18 =	simm.s32 $0xA800  }
0x3bd: {  	[hbm4b:s5+s2] =	stream.indirect_vreg.scatter [tilespmem:s18], [sflag:$0x4], $0x80, v4, vm0, $0xb8;
	[tilespmem:$0x10800] =	vst v63  }
0x3be: {  	_ = 	snop  }
0x3bf: {  	[hbm4b:s4+s2] =	stream.indirect_vreg.scatter [tilespmem:s29], [sflag:$0x4], $0x80, v3, vm0, $0xb8;
	[tilespmem:$0x10800] =	vst v63  }
0x3c0: {  	_ = 	snop  }
0x3c1: {  	[hbm4b:s5+s2] =	stream.indirect_vreg.scatter [tilespmem:s26], [sflag:$0x4], $0x80, v3, vm0, $0xb8;
	[tilespmem:$0x10800] =	vst v63  }
0x3c2: {  	v3 =	vld [tilespmem:$0x105A0];
	_ =	sdelay $0x4  }
0x3c3: {  	v58 =	vshll.u32 v3, $0x2  }
0x3c4: {  	v3 =	vand.u32 $0x7, v3;
	v4 =	vand.u32 $0xFFFFFFE0, v58  }
0x3c5: {  	v3 =	vor.u32 v3, v4  }
0x3c6: {  	v4 =	vperm.xlane v3, v0;
	_ =	sdelay $0x1  }
0x3c7: {  	v4 =	vadd.s32 v1, v4;
	_ =	sdelay $0x1  }
0x3c8: {  	v3 =	vperm.xlane v3, v2;
	_ =	sdelay $0x1  }
0x3c9: {  	v3 =	vadd.s32 v1, v3  }
0x3ca: {  	[hbm4b:s4+s2] =	stream.indirect_vreg.scatter [tilespmem:s28], [sflag:$0x4], $0x80, v4, vm0, $0xb8;
	[tilespmem:$0x10800] =	vst v63  }
0x3cb: {  	_ = 	snop  }
0x3cc: {  	[hbm4b:s5+s2] =	stream.indirect_vreg.scatter [tilespmem:s23], [sflag:$0x4], $0x80, v4, vm0, $0xb8;
	[tilespmem:$0x10800] =	vst v63  }
0x3cd: {  	_ = 	snop  }
0x3ce: {  	[hbm4b:s4+s2] =	stream.indirect_vreg.scatter [tilespmem:s24], [sflag:$0x4], $0x80, v3, vm0, $0xb8;
	[tilespmem:$0x10800] =	vst v63  }
0x3cf: {  	_ = 	snop  }
0x3d0: {  	[hbm4b:s5+s2] =	stream.indirect_vreg.scatter [tilespmem:s30], [sflag:$0x4], $0x80, v3, vm0, $0xb8;
	[tilespmem:$0x10800] =	vst v63  }
0x3d1: {  	v3 =	vld [tilespmem:$0x105B0];
	_ =	sdelay $0x4  }
0x3d2: {  	v59 =	vshll.u32 v3, $0x2  }
0x3d3: {  	v3 =	vand.u32 $0x7, v3;
	v4 =	vand.u32 $0xFFFFFFE0, v59  }
0x3d4: {  	v3 =	vor.u32 v3, v4  }
0x3d5: {  	v4 =	vperm.xlane v3, v0;
	_ =	sdelay $0x1  }
0x3d6: {  	v4 =	vadd.s32 v1, v4;
	_ =	sdelay $0x1  }
0x3d7: {  	v3 =	vperm.xlane v3, v2;
	_ =	sdelay $0x1  }
0x3d8: {  	s19 =	simm.s32 $0xE000;
	v3 =	vadd.s32 v1, v3  }
0x3d9: {  	[hbm4b:s4+s2] =	stream.indirect_vreg.scatter [tilespmem:s19], [sflag:$0x4], $0x80, v4, vm0, $0xb8;
	[tilespmem:$0x10800] =	vst v63  }
0x3da: {  	_ = 	snop  }
0x3db: {  	[hbm4b:s5+s2] =	stream.indirect_vreg.scatter [tilespmem:s20], [sflag:$0x4], $0x80, v4, vm0, $0xb8;
	[tilespmem:$0x10800] =	vst v63  }
0x3dc: {  	_ = 	snop  }
0x3dd: {  	[hbm4b:s4+s2] =	stream.indirect_vreg.scatter [tilespmem:s21], [sflag:$0x4], $0x80, v3, vm0, $0xb8;
	[tilespmem:$0x10800] =	vst v63  }
0x3de: {  	_ = 	snop  }
0x3df: {  	[hbm4b:s5+s2] =	stream.indirect_vreg.scatter [tilespmem:s22], [sflag:$0x4], $0x80, v3, vm0, $0xb8;
	[tilespmem:$0x10800] =	vst v63  }
0x3e0: {  	v3 =	vld [tilespmem:$0x10780];
	_ =	sdelay $0x4  }
0x3e1: {  	v60 =	vshll.u32 v3, $0x2  }
0x3e2: {  	v3 =	vand.u32 $0x7, v3;
	v4 =	vand.u32 $0xFFFFFFE0, v60  }
0x3e3: {  	v3 =	vor.u32 v3, v4  }
0x3e4: {  	v4 =	vperm.xlane v3, v0;
	_ =	sdelay $0x1  }
0x3e5: {  	v4 =	vadd.s32 v1, v4;
	_ =	sdelay $0x1  }
0x3e6: {  	v3 =	vperm.xlane v3, v2;
	_ =	sdelay $0x1  }
0x3e7: {  	v3 =	vadd.s32 v1, v3  }
0x3e8: {  	[hbm4b:s4+s2] =	stream.indirect_vreg.scatter [tilespmem:s13], [sflag:$0x4], $0x80, v4, vm0, $0xb8;
	[tilespmem:$0x10800] =	vst v63  }
0x3e9: {  	_ = 	snop  }
0x3ea: {  	[hbm4b:s5+s2] =	stream.indirect_vreg.scatter [tilespmem:s31], [sflag:$0x4], $0x80, v4, vm0, $0xb8;
	[tilespmem:$0x10800] =	vst v63  }
0x3eb: {  	_ = 	snop  }
0x3ec: {  	[hbm4b:s4+s2] =	stream.indirect_vreg.scatter [tilespmem:s14], [sflag:$0x4], $0x80, v3, vm0, $0xb8;
	[tilespmem:$0x10800] =	vst v63  }
0x3ed: {  	_ = 	snop  }
0x3ee: {  	[hbm4b:s5+s2] =	stream.indirect_vreg.scatter [tilespmem:s15], [sflag:$0x4], $0x80, v3, vm0, $0xb8;
	[tilespmem:$0x10800] =	vst v63  }
0x3ef: {  	v3 =	vld [tilespmem:$0x10790];
	_ =	sdelay $0x4  }
0x3f0: {  	v61 =	vshll.u32 v3, $0x2  }
0x3f1: {  	v3 =	vand.u32 $0x7, v3;
	v4 =	vand.u32 $0xFFFFFFE0, v61  }
0x3f2: {  	v3 =	vor.u32 v3, v4  }
0x3f3: {  	v4 =	vperm.xlane v3, v0;
	_ =	sdelay $0x1  }
0x3f4: {  	v4 =	vadd.s32 v1, v4;
	_ =	sdelay $0x1  }
0x3f5: {  	v3 =	vperm.xlane v3, v2;
	_ =	sdelay $0x1  }
0x3f6: {  	v3 =	vadd.s32 v1, v3  }
0x3f7: {  	[hbm4b:s4+s2] =	stream.indirect_vreg.scatter [tilespmem:s17], [sflag:$0x4], $0x80, v4, vm0, $0xb8;
	[tilespmem:$0x10800] =	vst v63  }
0x3f8: {  	_ = 	snop  }
0x3f9: {  	[hbm4b:s5+s2] =	stream.indirect_vreg.scatter [tilespmem:s18], [sflag:$0x4], $0x80, v4, vm0, $0xb8;
	[tilespmem:$0x10800] =	vst v63  }
0x3fa: {  	_ = 	snop  }
0x3fb: {  	[hbm4b:s4+s2] =	stream.indirect_vreg.scatter [tilespmem:s29], [sflag:$0x4], $0x80, v3, vm0, $0xb8;
	[tilespmem:$0x10800] =	vst v63  }
0x3fc: {  	_ = 	snop  }
0x3fd: {  	[hbm4b:s5+s2] =	stream.indirect_vreg.scatter [tilespmem:s26], [sflag:$0x4], $0x80, v3, vm0, $0xb8;
	[tilespmem:$0x10800] =	vst v63  }
0x3fe: {  	v3 =	vld [tilespmem:$0x107A0];
	_ =	sdelay $0x4  }
0x3ff: {  	v62 =	vshll.u32 v3, $0x2  }
0x400: {  	v3 =	vand.u32 $0x7, v3;
	v4 =	vand.u32 $0xFFFFFFE0, v62  }
0x401: {  	v3 =	vor.u32 v3, v4  }
0x402: {  	v4 =	vperm.xlane v3, v0;
	_ =	sdelay $0x1  }
0x403: {  	v4 =	vadd.s32 v1, v4;
	_ =	sdelay $0x1  }
0x404: {  	v3 =	vperm.xlane v3, v2;
	_ =	sdelay $0x1  }
0x405: {  	v3 =	vadd.s32 v1, v3  }
0x406: {  	[hbm4b:s4+s2] =	stream.indirect_vreg.scatter [tilespmem:s28], [sflag:$0x4], $0x80, v4, vm0, $0xb8;
	[tilespmem:$0x10800] =	vst v63  }
0x407: {  	_ = 	snop  }
0x408: {  	[hbm4b:s5+s2] =	stream.indirect_vreg.scatter [tilespmem:s23], [sflag:$0x4], $0x80, v4, vm0, $0xb8;
	[tilespmem:$0x10800] =	vst v63  }
0x409: {  	_ = 	snop  }
0x40a: {  	[hbm4b:s4+s2] =	stream.indirect_vreg.scatter [tilespmem:s24], [sflag:$0x4], $0x80, v3, vm0, $0xb8;
	[tilespmem:$0x10800] =	vst v63  }
0x40b: {  	_ = 	snop  }
0x40c: {  	[hbm4b:s5+s2] =	stream.indirect_vreg.scatter [tilespmem:s30], [sflag:$0x4], $0x80, v3, vm0, $0xb8;
	[tilespmem:$0x10800] =	vst v63  }
0x40d: {  	v3 =	vld [tilespmem:$0x107B0];
	_ =	sdelay $0x4  }
0x40e: {  	v63 =	vshll.u32 v3, $0x2  }
0x40f: {  	v3 =	vand.u32 $0x7, v3;
	v4 =	vand.u32 $0xFFFFFFE0, v63  }
0x410: {  	v3 =	vor.u32 v3, v4  }
0x411: {  	v4 =	vperm.xlane v3, v0;
	_ =	sdelay $0x1  }
0x412: {  	v4 =	vadd.s32 v1, v4;
	_ =	sdelay $0x1  }
0x413: {  	v3 =	vperm.xlane v3, v2;
	_ =	sdelay $0x1  }
0x414: {  	v3 =	vadd.s32 v1, v3  }
0x415: {  	[hbm4b:s4+s2] =	stream.indirect_vreg.scatter [tilespmem:s19], [sflag:$0x4], $0x80, v4, vm0, $0xb8;
	[tilespmem:$0x10800] =	vst v63  }
0x416: {  	_ = 	snop  }
0x417: {  	[hbm4b:s5+s2] =	stream.indirect_vreg.scatter [tilespmem:s20], [sflag:$0x4], $0x80, v4, vm0, $0xb8;
	[tilespmem:$0x10800] =	vst v63  }
0x418: {  	_ = 	snop  }
0x419: {  	[hbm4b:s4+s2] =	stream.indirect_vreg.scatter [tilespmem:s21], [sflag:$0x4], $0x80, v3, vm0, $0xb8;
	[tilespmem:$0x10800] =	vst v63  }
0x41a: {  	_ = 	snop  }
0x41b: {  	[hbm4b:s5+s2] =	stream.indirect_vreg.scatter [tilespmem:s22], [sflag:$0x4], $0x80, v3, vm0, $0xb8;
	[tilespmem:$0x10800] =	vst v63  }
0x41c: {  	_ =	swait.ge [sflag:s16], $0x8000  }
0x41d: {  	[sflag:s16] =	ssyncset.done $0x0  }
0x41e: {  	[sflag:s16] =	ssyncadd.s32 $0xFFFF8000  }
0x41f: {  	_ =	swait.ge [sflag:s16], $0x8000  }
0x420: {  	[sflag:s16] =	ssyncset.done $0x0  }
0x421: {  	[sflag:s16] =	ssyncadd.s32 $0xFFFF8000  }
0x422: {  	p0 =	sne.s32 s3, $0x1;
	_ =	swait.ge [sflag:s16], $0x8000  }
.Ltmp0:
0x423: {  	[sflag:s16] =	ssyncset.done $0x0;
	(pc) =	sbr.rel @p0 .LBB2_1-.Ltmp0, $4  }
0x424: {  	[sflag:s16] =	ssyncadd.s32 $0xFFFF8000  }
0x425: {  	_ =	swait.ge [sflag:s16], $0x8000  }
0x426: {  	[sflag:s16] =	ssyncset.done $0x0  }
0x427: {  	s3 =	sadd.s32 $0xFFFFFFFF, s3;
	[sflag:s16] =	ssyncadd.s32 $0xFFFF8000  }
0x428: {  	_ =	sfence.sel $0x180000  }
0x429: {  	[bflag:$0x0] =	sbarrier.arrive $0xFFFF  }
0x42a: {  	_ =	strace $0x9000004A  }
0x42b: {  	s0 =	stileid.u32;
	[bflag:$0x2] =	sbarrier.arrive $0xFFFF  }
0x42c: {  	p0 =	sne.s32 s0, $0x0;
	s0 =	rddreg [dreg:$0x2]  }
0x42d: {  	s0 =	sadd.s32 @!p0 $0x100000, s0  }
0x42e: {  	[sflag:s0] =	ssyncadd.tile.s32 @!p0 $0x1;
	_ =	shalt  }
.Lfunc_end2:
_tile_overlayer_lowered:
.L_overlay_start_2:
0x42f: {  	(tag) =	ssettag $0x2  }
0x430: {  	s0 =	rddreg [dreg:$0x0];
	s2 =	stileid.u32  }
0x431: {  	s1 =	rddreg [dreg:$0x1];
	p0 =	sne.s32 s2, $0x0  }
0x432: {  	s3 =	rddreg [dreg:$0x2];
	[bflag:$0x3] =	sbarrier.arrive $0xFFFF;
	s2 =	simm.s32 @!p0 $0x1C05  }
0x433: {  	[timem:s3], [sflag:s2] =	dma.local @!p0 [hbm:s0], s1  }
0x434: {  	s0 =	simm.s32 @!p0 $0x5  }
0x435: {  	_ =	swait.ge @!p0 [sflag:s0], s1  }
0x436: {  	s1 =	ssub.s32 @!p0 $0x0, s1;
	[sflag:s0] =	ssyncset.done @!p0 $0x0  }
0x437: {  	[sflag:s0] =	ssyncadd.s32 @!p0 s1  }
0x438: {  	[bflag:$0x3] =	sbarrier.arrive $0xFFFF  }
0x439: {  	_ =	shalt  }

// kernel: scatter_offload_async_start
scs
__scs_entry_jumppad:
0x0: {  	(pc) =	sbr.rel $0x88, $3  }
0x1: {  	(tag) =	ssettag $0x0;
	lr =	simm.s32 $0x1  }
0x2: {  	[smem:$0x3F98] =	sst lr;
	_ =	strace $0xD0000000  }
0x3: {  	_ = 	snop  }
0x4: {  	_ = 	snop  }
0x5: {  	_ = 	snop  }
0x6: {  	_ = 	snop  }
0x7: {  	_ = 	snop  }
__scs_overlays_trampoline_lowered:
0x8: {  	[smem:$0x3FA7] =	sst s0  }
0x9: {  	[smem:$0x3FA8] =	sst s1  }
0xa: {  	[smem:$0x3FA9] =	sst s2  }
0xb: {  	[smem:$0x3FAA] =	sst s3  }
0xc: {  	[smem:$0x3FAB] =	sst s4  }
0xd: {  	[smem:$0x3FAC] =	sst s5  }
0xe: {  	[smem:$0x3FAD] =	sst s6  }
0xf: {  	[smem:$0x3FAE] =	sst s7  }
0x10: {  	[smem:$0x3FAF] =	sst s8  }
0x11: {  	[smem:$0x3FB0] =	sst s9;
	s0 =	simm.s32 @!p0 $0x0  }
0x12: {  	s1 =	sld [smem:$0x3F96];
	s0 =	simm.s32 @p0 $0x1  }
0x13: {  	[smem:$0x3FB1] =	sst s0;
	s0 =	simm.s32 @!p1 $0x0  }
0x14: {  	s2 =	sld [smem:$0x3F95];
	s0 =	simm.s32 @p1 $0x1  }
0x15: {  	[smem:$0x3FB2] =	sst s0;
	s0 =	simm.s32 @!p2 $0x0  }
0x16: {  	s3 =	sld [smem:$0x3FDB];
	s0 =	simm.s32 @p2 $0x1  }
0x17: {  	s4 =	simm.s32 $0x1BF5;
	[smem:$0x3FB4] =	sst s0  }
0x18: {  	s0 =	sld [smem:$0x3F97];
	_ =	swait.ge [sflag:s4], $0x0  }
0x19: {  	s7 =	sld [smem:$0x3F98]  }
0x1a: {  	s8 =	sadd.s32 $0xFFFFE003, lr  }
0x1b: {  	s9 =	sadd.s32 $0xFFFFFEF7, lr;
	s5 =	simm.s32 $0xFFFFFFFF;
	p2 =	slt.u32 s8, $0xFFFFF086  }
0x1c: {  	p1 =	slt.u32 s9, $0xF7A;
	s5 =	simm.s32 @!p2 $0x0  }
0x1d: {  	s5 =	simm.s32 @p1 $0x1;
	p0 =	seq.s32 s7, s2  }
0x1e: {  	s7 =	smul.u32 @!p0 $0xF7A, s2;
	p2 =	seq.s32 @!p0 s5, $0x0  }
0x1f: {  	s9 =	smul.u32 $0xF7A, s1;
	s8 =	simm.s32 @!p0 $0x1BF5;
	p2 =	por !p2, p0  }
0x20: {  	[sflag:s8] =	ssyncset.s32 @!p0 $0xFFFFF086;
	s6 =	sadd.s32 @!p0 s3, s7;
	s7 =	simm.s32 @!p0 $0x108  }
0x21: {  	s3 =	sadd.s32 s3, s9;
	s6 =	sadd.s32 @!p0 $0x88, s6;
	s7 =	simm.s32 @p2 $0x1082  }
0x22: {  	[simem:s7], [sflag:s8] =	dma.local @!p0 [hbm:s6], $0xF7A  }
0x23: {  	s9 =	sor.u32 $0xD0000000, s2;
	s6 =	simm.s32 $0x108;
	_ =	swait.ge @!p0 [sflag:s8], $0x0  }
0x24: {  	s3 =	sadd.s32 $0x88, s3;
	s6 =	simm.s32 @!p1 $0x1082;
	[sflag:s4] =	ssyncset.s32 $0xFFFFF086  }
0x25: {  	[simem:s6], [sflag:s4] =	dma.local [hbm:s3], $0xF7A  }
0x26: {  	[smem:$0x3F98] =	sst s1;
	(tag) =	ssettag s2;
	_ =	strace s9  }
0x27: {  	s1 =	sld [smem:$0x3FA8]  }
0x28: {  	s2 =	sld [smem:$0x3FA9]  }
0x29: {  	s4 =	sld [smem:$0x3FAB]  }
0x2a: {  	p0 =	seq.s32 s5, $0x0;
	s5 =	sld [smem:$0x3FAC]  }
0x2b: {  	s6 =	sld [smem:$0x3FAD]  }
0x2c: {  	s7 =	sld [smem:$0x3FAE]  }
0x2d: {  	s3 =	simm.s32 $0x108;
	s8 =	sld [smem:$0x3FAF]  }
0x2e: {  	s3 =	simm.s32 @!p0 $0x1082;
	s9 =	sld [smem:$0x3FB0]  }
0x2f: {  	lr =	sadd.s32 s0, s3;
	s0 =	sld [smem:$0x3FA7]  }
0x30: {  	s3 =	sld [smem:$0x3FAA]  }
0x31: {  	[smem:$0x3FB3] =	sst s10  }
0x32: {  	s10 =	sld [smem:$0x3FB1];
	_ =	sdelay $0x3  }
0x33: {  	p0 =	seq.s32 s10, $0x1;
	s10 =	sld [smem:$0x3FB3];
	_ =	sdelay $0x3  }
0x34: {  	[smem:$0x3FB3] =	sst s10  }
0x35: {  	s10 =	sld [smem:$0x3FB2];
	_ =	sdelay $0x3  }
0x36: {  	p1 =	seq.s32 s10, $0x1;
	s10 =	sld [smem:$0x3FB3];
	_ =	sdelay $0x3  }
0x37: {  	[smem:$0x3FB3] =	sst s10  }
0x38: {  	s10 =	sld [smem:$0x3FB4]  }
0x39: {  	_ = 	snop;
	(pc) =	sbr.ind lr, $3  }
0x3a: {  	_ = 	snop  }
0x3b: {  	_ = 	snop  }
0x3c: {  	p2 =	seq.s32 s10, $0x1;
	s10 =	sld [smem:$0x3FB3]  }
0x3d: {  	_ =	shalt  }
0x3e: {  	_ =	shalt  }
0x3f: {  	_ =	shalt  }
0x40: {  	_ =	shalt  }
0x41: {  	_ =	shalt  }
0x42: {  	_ =	shalt  }
0x43: {  	_ =	shalt  }
0x44: {  	_ =	shalt  }
0x45: {  	_ =	shalt  }
0x46: {  	_ =	shalt  }
0x47: {  	_ =	shalt  }
0x48: {  	_ =	shalt  }
0x49: {  	_ =	shalt  }
0x4a: {  	_ =	shalt  }
0x4b: {  	_ =	shalt  }
0x4c: {  	_ =	shalt  }
0x4d: {  	_ =	shalt  }
0x4e: {  	_ =	shalt  }
0x4f: {  	_ =	shalt  }
0x50: {  	_ =	shalt  }
0x51: {  	_ =	shalt  }
0x52: {  	_ =	shalt  }
0x53: {  	_ =	shalt  }
0x54: {  	_ =	shalt  }
0x55: {  	_ =	shalt  }
0x56: {  	_ =	shalt  }
0x57: {  	_ =	shalt  }
0x58: {  	_ =	shalt  }
0x59: {  	_ =	shalt  }
0x5a: {  	_ =	shalt  }
0x5b: {  	_ =	shalt  }
0x5c: {  	_ =	shalt  }
0x5d: {  	_ =	shalt  }
0x5e: {  	_ =	shalt  }
0x5f: {  	_ =	shalt  }
0x60: {  	_ =	shalt  }
0x61: {  	_ =	shalt  }
0x62: {  	_ =	shalt  }
0x63: {  	_ =	shalt  }
0x64: {  	_ =	shalt  }
0x65: {  	_ =	shalt  }
0x66: {  	_ =	shalt  }
0x67: {  	_ =	shalt  }
0x68: {  	_ =	shalt  }
0x69: {  	_ =	shalt  }
0x6a: {  	_ =	shalt  }
0x6b: {  	_ =	shalt  }
0x6c: {  	_ =	shalt  }
0x6d: {  	_ =	shalt  }
0x6e: {  	_ =	shalt  }
0x6f: {  	_ =	shalt  }
0x70: {  	_ =	shalt  }
0x71: {  	_ =	shalt  }
0x72: {  	_ =	shalt  }
0x73: {  	_ =	shalt  }
0x74: {  	_ =	shalt  }
0x75: {  	_ =	shalt  }
0x76: {  	_ =	shalt  }
0x77: {  	_ =	shalt  }
0x78: {  	_ =	shalt  }
0x79: {  	_ =	shalt  }
0x7a: {  	_ =	shalt  }
0x7b: {  	_ =	shalt  }
0x7c: {  	_ =	shalt  }
0x7d: {  	_ =	shalt  }
0x7e: {  	_ =	shalt  }
0x7f: {  	_ =	shalt  }
0x80: {  	_ =	shalt  }
0x81: {  	_ =	shalt  }
0x82: {  	_ =	shalt  }
0x83: {  	_ =	shalt  }
0x84: {  	_ =	shalt  }
0x85: {  	_ =	shalt  }
0x86: {  	_ =	shalt  }
0x87: {  	_ =	shalt  }
.Lfunc_end0:
.L_simem_size_0:
called_computation_lowered:
.L_overlay_start_0:
0x88: {  	s0 =	sld [smem:$0x3FD9]  }
0x89: {  	s1 =	sld [smem:$0x3FFE];
	_ =	sdelay $0x3  }
0x8a: {  	s0 =	sadd.s32 s1, s0  }
0x8b: {  	[smem:$0x3FBF] =	sst s0  }
0x8c: {  	_ = 	snop  }
0x8d: {  	(tm) =	ssettm $0x1  }
0x8e: {  	s15 =	sld [smem:$0x3FFB];
	_ =	sdelay $0x3  }
0x8f: {  	_ =	strace s15  }
0x90: {  	s0 =	sld [smem:$0x3FFC];
	_ =	sdelay $0x3  }
0x91: {  	_ =	strace s0  }
0x92: {  	s0 =	sld [smem:$0x3FFD];
	_ =	sdelay $0x3  }
0x93: {  	_ =	strace s0  }
0x94: {  	_ =	strace $0x8FFFFFFF  }
0x95: {  	s16 =	sld [smem:$0x3FDB];
	_ =	sdelay $0x1  }
0x96: {  	s17 =	simm.s32 $_scs_section_size  }
0x97: {  	s2 =	simm.s32 $_size__tile_overlayer_lowered;
	s3 =	simm.s32 $_tile_overlayer_lowered  }
0x98: {  	s20 =	simm.s32 $0x1BFF;
	s19 =	sshll.u32 s3, $0x1;
	s0 =	sadd.s32 s17, s16  }
0x99: {  	s4 =	simm.s32 $0x0;
	s18 =	sshll.u32 s2, $0x1;
	s2 =	sadd.s32 s19, s0  }
0x9a: {  	[timem:s4], [sflag:s20] =	dma.local [hbm:s2], s18  }
0x9b: {  	_ =	swait.ge [sflag:s20], s18  }
0x9c: {  	s1 =	ssub.s32 $0x0, s18;
	[sflag:s20] =	ssyncset.done $0x0  }
0x9d: {  	[sflag:s20] =	ssyncadd.s32 s1;
	_ =	sdelay $0x1  }
0x9e: {  	s21 =	simm.s32 $0x1B8B  }
0x9f: {  	_ =	swait.ge [sflag:s21], $0x1  }
0xa0: {  	[sflag:s21] =	ssyncset.done $0x0  }
0xa1: {  	s23 =	simm.s32 $0x1B8E;
	s22 =	sld [smem:$0x3FFE];
	[sflag:s21] =	ssyncadd.s32 $0xFFFFFFFF  }
0xa2: {  	s24 =	simm.s32 $execute0_lowered;
	[smem:$0x3FD2] =	sst s23  }
0xa3: {  	s2 =	sshll.u32 s24, $0x1;
	_ =	strace $0x80000046;
	[dreg:$0x1] =	wrdreg $0xFFFFFFFF  }
0xa4: {  	s25 =	simm.s32 $_size_execute0_lowered;
	s0 =	sadd.s32 s0, s2;
	[dreg:$0x0] =	wrdreg $0x0  }
0xa5: {  	s2 =	sshll.u32 s25, $0x1;
	[dreg:$0x2] =	wrdreg s0  }
0xa6: {  	[dreg:$0x3] =	wrdreg s2  }
0xa7: {  	[dreg:$0x4] =	wrdreg $0xC0  }
0xa8: {  	_ =	task [dreg:s4], $0x5FFFF  }
0xa9: {  	[dreg:$0x1] =	wrdreg $0xFFFFFFFF  }
0xaa: {  	[dreg:$0x0] =	wrdreg $0x60  }
0xab: {  	[dreg:$0x2] =	wrdreg s22  }
0xac: {  	[dreg:$0x3] =	wrdreg $0x9  }
0xad: {  	_ =	task.clear_ibuf [dreg:s4], $0x4FFFF;
	_ =	strace $0x90000046  }
0xae: {  	s26 =	simm.s32 $0x9;
	_ =	strace $0x80000048  }
0xaf: {  	_ =	swait.ge [sflag:s26], $0x1  }
0xb0: {  	[sflag:s26] =	ssyncadd.s32 $0xFFFFFFFF  }
0xb1: {  	_ =	strace $0x90000048  }
0xb2: {  	_ =	sfence  }
0xb3: {  	s28 =	sld [smem:$0x0];
	_ =	sdelay $0x1  }
0xb4: {  	s29 =	srdreg.scid  }
0xb5: {  	s30 =	sshll.u32 s29, $0xD;
	s31 =	sshrl.u32 s29, $0x2  }
0xb6: {  	s1 =	sand.u32 $0x1, s29;
	s2 =	sand.u32 $0x4000, s30;
	s0 =	sadd.s32 s31, s28  }
0xb7: {  	s1 =	sor.u32 s2, s1;
	s0 =	sshll.u32 s0, $0x11  }
0xb8: {  	s0 =	sor.u32 s0, s1  }
0xb9: {  	s0 =	sadd.s32 $0x8F2B, s0  }
0xba: {  	[sflag:s0] =	ssyncadd.remote.s32 $0x1  }
0xbb: {  	_ =	sfence.sel $0xFFFF  }
0xbc: {  	[dreg:$0x0] =	wrdreg $0xFFFFFFFF;
	(pc) =	sbr.abs _section_cstart, $3  }
0xbd: {  	[dreg:$0x1] =	wrdreg $0xFFFFFFFF  }
0xbe: {  	_ =	task.clear_ibuf [dreg:s4], $0x2FFFF;
	_ =	strace $0x9FFFFFFF  }
0xbf: {  	(tm) =	ssettm $0x7FFFFFFF  }
tec
execute0_lowered:
.L_overlay_start_1:
0x0: {  	(tag) =	ssettag $0x1  }
0x1: {  	s4 =	rddreg [dreg:$0x0]  }
0x2: {  	s0 =	rddreg [dreg:$0x1]  }
0x3: {  	_ =	strace $0x80000047;
	s2 =	stileid.u32;
	s3 =	simm.s32 $0x3E  }
0x4: {  	s1 =	sadd.s32 $0x1200, s4;
	p0 =	sne.s32 s2, $0x0;
	[sflag:s3] =	ssyncpa.u1 $0x0  }
0x5: {  	s5 =	simm.s32 @!p0 $0x1C3E;
	s2 =	simm.s32 @!p0 $0x0;
	s6 =	simm.s32 @!p0 $0x0  }
0x6: {  	[spmem:s2], [sflag:s5] =	dma.local @!p0 [hbm:s1], $0x20  }
0x7: {  	s6 =	simm.s32 @p0 $0x10  }
0x8: {  	s7 =	ssub.s32 $0x10, s6  }
0x9: {  	s5 =	simm.s32 @!p0 $0x3E;
	s7 =	sshrl.u32 s7, $0x4  }
0xa: {  	p2 =	por $0x0, $0x0;
	_ =	swait.ge @!p0 [sflag:s5], $0x20;
	s8 =	sadd.s32 $0x1, s7  }
0xb: {  	s31 =	sadd.s32 $0x1000, s4;
	[sflag:s5] =	ssyncset.done @!p0 $0x0;
	p3 =	sne.s32 s8, $0x1  }
.Ltmp0:
0xc: {  	s9 =	sadd.s32 $0x1400, s4;
	[sflag:s5] =	ssyncadd.s32 @!p0 $0xFFFFFFE0;
	(pc) =	sbr.rel @!p3 .LBB2_5-.Ltmp0, $4  }
0xd: {  	s4 =	simm.s32 $0x2;
	s10 =	sshrl.u32 s6, $0x3;
	[bflag:$0x0] =	sbarrier.arrive $0xFFFF  }
0xe: {  	s6 =	sadd.s32 s31, s10;
	[sflag:s3] =	ssyncpa.u1 $0x1;
	s3 =	simm.s32 $0x1  }
0xf: {  	s5 =	sadd.s32 s9, s10;
	s10 =	simm.s32 $0x0;
	[sflag:s3] =	ssyncpa.u1 $0x0  }
0x10: {  	s9 =	simm.s32 $0x1;
	(ifvalue) =	ssetifvalue $0x100;
	[sflag:s4] =	ssyncpa.u1 $0x0  }
0x11: {  	p2 =	sle.u32 s7, $0x0  }
0x12: {  	s10 =	simm.s32 @!p2 $0x0;
	s11 =	simm.s32 @!p2 $0x20  }
0x13: {  	[tilespmem:s11], [sflag:$0x2] =	stream.linear.gather @!p2 [hbm4b:s6+s10], $0x10, $0x38;
	[tilespmem:$0x50] =	vst v63  }
0x14: {  	p1 =	por $0x1, $0x1;
	s11 =	simm.s32 @!p2 $0x40  }
0x15: {  	[tilespmem:s11], [sflag:$0x2] =	stream.linear.gather @!p2 [hbm4b:s5+s10], $0x10, $0x38;
	[tilespmem:$0x50] =	vst v63  }
0x16: {  	s10 =	simm.s32 @!p1 $0x2  }
0x17: {  	_ =	swait.ge @!p1 [sflag:s10], $0x20  }
0x18: {  	[sflag:s10] =	ssyncset.done @!p1 $0x0  }
0x19: {  	s11 =	simm.s32 @!p1 $0x20;
	[sflag:s10] =	ssyncadd.s32 @!p1 $0xFFFFFFE0  }
0x1a: {  	v0 =	vld.msk @!p1 [tilespmem:s11+$0x0 ss:$0x1], $0xffff;
	_ =	sdelay $0x4  }
0x1b: {  	v0 =	vmin.u32 @!p1 v0, $0x100;
	_ =	sdelay $0x1  }
0x1c: {  	p3 =	sne.s32 s8, $0x2  }
.Ltmp1:
0x1d: {  	_ = 	snop;
	(pc) =	sbr.rel @!p3 .LBB2_2-.Ltmp1, $4  }
0x1e: {  	vm0 =	vmmov @!p1 $0xffff;
	s10 =	simm.s32 @!p1 $0x40;
	s11 =	simm.s32 @!p1 $0x0  }
0x1f: {  	[spmem:s11] =	stream.indirect_vreg.scatter.add.s32 @!p1 [tilespmem:s10], [sflag:$0x1], $0x1, v0, vm0, $0x4038;
	[tilespmem:$0x50] =	vst v63  }
0x20: {  	s11 =	simm.s32 @!p1 $0x1  }
0x21: {  	p2 =	por $0x1, $0x1;
	s10 =	simm.s32 $0x2;
	_ =	swait.ge @!p1 [sflag:s11], $0x10  }
.LBB2_3:
0x22: {  	p4 =	sge.u32 s9, s7  }
0x23: {  	[sflag:s11] =	ssyncset.done @!p1 $0x0;
	s12 =	smov.u32 s10;
	s10 =	sadd.s32 $0x1, s10  }
0x24: {  	s13 =	simm.s32 @!p4 $0x0;
	s14 =	simm.s32 @!p4 $0x20;
	[sflag:s11] =	ssyncadd.s32 @!p1 $0xFFFFFFF0  }
0x25: {  	[tilespmem:s14], [sflag:$0x2] =	stream.linear.gather @!p4 [hbm4b:s6+s13], $0x10, $0x38;
	[tilespmem:$0x50] =	vst v63  }
0x26: {  	p3 =	sne.s32 s8, s10;
	s11 =	simm.s32 @!p4 $0x40;
	p1 =	seq.s32 s9, $0x0  }
0x27: {  	[tilespmem:s11], [sflag:$0x2] =	stream.linear.gather @!p4 [hbm4b:s5+s13], $0x10, $0x38;
	[tilespmem:$0x50] =	vst v63  }
0x28: {  	s9 =	smov.u32 s12;
	s11 =	simm.s32 @!p1 $0x2  }
0x29: {  	_ =	swait.ge @!p1 [sflag:s11], $0x20  }
0x2a: {  	s12 =	simm.s32 @!p1 $0x20;
	[sflag:s11] =	ssyncset.done @!p1 $0x0  }
0x2b: {  	[sflag:s11] =	ssyncadd.s32 @!p1 $0xFFFFFFE0  }
0x2c: {  	v0 =	vld.msk @!p1 [tilespmem:s12+$0x0 ss:$0x1], $0xffff;
	_ =	sdelay $0x5  }
0x2d: {  	v0 =	vmin.u32 @!p1 v0, $0x100;
	_ =	sdelay $0x1  }
.Ltmp2:
0x2e: {  	(pc) =	sbr.rel @p3 .LBB2_3-.Ltmp2, $4  }
0x2f: {  	vm0 =	vmmov @!p1 $0xffff;
	s13 =	simm.s32 @!p1 $0x0;
	s12 =	simm.s32 @!p1 $0x40  }
0x30: {  	s11 =	simm.s32 @!p1 $0x1  }
0x31: {  	[spmem:s13] =	stream.indirect_vreg.scatter.add.s32 @!p1 [tilespmem:s12], [sflag:$0x1], $0x1, v0, vm0, $0x4038;
	[tilespmem:$0x50] =	vst v63  }
0x32: {  	_ =	swait.ge @!p1 [sflag:s11], $0x10  }
0x33: {  	s10 =	smov.u32 s9  }
.LBB2_5:
0x34: {  	p1 =	por p1, !p2  }
0x35: {  	p2 =	sge.u32 s10, s7;
	[sflag:s11] =	ssyncset.done @!p1 $0x0  }
0x36: {  	s7 =	simm.s32 @!p2 $0x0;
	s8 =	simm.s32 @!p2 $0x20;
	[sflag:s11] =	ssyncadd.s32 @!p1 $0xFFFFFFF0  }
0x37: {  	[tilespmem:s8], [sflag:$0x2] =	stream.linear.gather @!p2 [hbm4b:s6+s7], $0x10, $0x38;
	[tilespmem:$0x50] =	vst v63  }
0x38: {  	p1 =	seq.s32 s10, $0x0;
	s6 =	simm.s32 @!p2 $0x40  }
0x39: {  	[tilespmem:s6], [sflag:$0x2] =	stream.linear.gather @!p2 [hbm4b:s5+s7], $0x10, $0x38;
	[tilespmem:$0x50] =	vst v63  }
0x3a: {  	s5 =	simm.s32 @!p1 $0x2  }
0x3b: {  	_ =	swait.ge @!p1 [sflag:s5], $0x20  }
0x3c: {  	[sflag:s5] =	ssyncset.done @!p1 $0x0  }
0x3d: {  	s6 =	simm.s32 @!p1 $0x20;
	[sflag:s5] =	ssyncadd.s32 @!p1 $0xFFFFFFE0  }
0x3e: {  	v0 =	vld.msk @!p1 [tilespmem:s6+$0x0 ss:$0x1], $0xffff;
	_ =	sdelay $0x4  }
0x3f: {  	v0 =	vmin.u32 @!p1 v0, $0x100;
	_ =	sdelay $0x3  }
0x40: {  	vm0 =	vmmov @!p1 $0xffff;
	s7 =	simm.s32 @!p1 $0x1;
	s5 =	simm.s32 @!p1 $0x40;
	s6 =	simm.s32 @!p1 $0x0  }
0x41: {  	[spmem:s6] =	stream.indirect_vreg.scatter.add.s32 @!p1 [tilespmem:s5], [sflag:$0x1], $0x1, v0, vm0, $0x4038;
	[tilespmem:$0x50] =	vst v63  }
0x42: {  	_ =	swait.ge @!p1 [sflag:s7], $0x10  }
0x43: {  	[sflag:s7] =	ssyncset.done @!p1 $0x0  }
0x44: {  	[sflag:s7] =	ssyncadd.s32 @!p1 $0xFFFFFFF0  }
0x45: {  	_ =	sfence.sel $0x180000  }
0x46: {  	[bflag:$0x0] =	sbarrier.arrive $0xFFFF  }
0x47: {  	[sflag:s4] =	ssyncpa.u1 $0x1  }
0x48: {  	[sflag:s3] =	ssyncpa.u1 $0x1  }
0x49: {  	_ =	sfence.stream.spmem  }
0x4a: {  	s31 =	simm.s32 $0x3D;
	[bflag:$0x0] =	sbarrier.arrive $0xFFFF  }
0x4b: {  	s3 =	simm.s32 @p0 $0x3D;
	[sflag:s31] =	ssyncpa.u1 $0x0  }
0x4c: {  	[sflag:s3] =	ssyncpa.u1 @p0 $0x1  }
0x4d: {  	[bflag:$0x0] =	sbarrier.arrive @p0 $0xFFFF  }
0x4e: {  	_ =	strace @p0 $0x90000047  }
0x4f: {  	s3 =	simm.s32 @!p0 $0x1C3D;
	[bflag:$0x2] =	sbarrier.arrive @p0 $0xFFFF  }
0x50: {  	[hbm:s1], [sflag:s3] =	dma.local @!p0 [spmem:s2], $0x20  }
0x51: {  	s1 =	simm.s32 @!p0 $0x3D  }
0x52: {  	_ =	swait.ge @!p0 [sflag:s1], $0x20  }
0x53: {  	[sflag:s1] =	ssyncset.done @!p0 $0x0  }
0x54: {  	[sflag:s1] =	ssyncadd.s32 @!p0 $0xFFFFFFE0  }
0x55: {  	[sflag:s1] =	ssyncpa.u1 @!p0 $0x1  }
0x56: {  	[bflag:$0x0] =	sbarrier.arrive @!p0 $0xFFFF  }
0x57: {  	_ =	strace @!p0 $0x90000047  }
0x58: {  	s0 =	sadd.s32 @!p0 $0x100000, s0;
	[bflag:$0x2] =	sbarrier.arrive @!p0 $0xFFFF  }
0x59: {  	[sflag:s0] =	ssyncadd.tile.s32 @!p0 $0x1;
	_ =	shalt  }
.LBB2_2:
.Ltmp3:
0x5a: {  	(pc) =	sbr.rel .LBB2_5-.Ltmp3, $2  }
0x5b: {  	_ =	sdelay $0x2  }
0x5c: {  	s10 =	simm.s32 $0x1  }
.Lfunc_end2:
_tile_overlayer_lowered:
.L_overlay_start_2:
0x5d: {  	(tag) =	ssettag $0x2  }
0x5e: {  	s0 =	rddreg [dreg:$0x0];
	s2 =	stileid.u32  }
0x5f: {  	s1 =	rddreg [dreg:$0x1];
	p0 =	sne.s32 s2, $0x0  }
0x60: {  	s3 =	rddreg [dreg:$0x2];
	[bflag:$0x3] =	sbarrier.arrive $0xFFFF;
	s2 =	simm.s32 @!p0 $0x1C01  }
0x61: {  	[timem:s3], [sflag:s2] =	dma.local @!p0 [hbm:s0], s1  }
0x62: {  	s0 =	simm.s32 @!p0 $0x1  }
0x63: {  	_ =	swait.ge @!p0 [sflag:s0], s1  }
0x64: {  	s1 =	ssub.s32 @!p0 $0x0, s1;
	[sflag:s0] =	ssyncset.done @!p0 $0x0  }
0x65: {  	[sflag:s0] =	ssyncadd.s32 @!p0 s1  }
0x66: {  	[bflag:$0x3] =	sbarrier.arrive $0xFFFF  }
0x67: {  	_ =	shalt  }

</sc_bundles>
